<compile_context>
chip_gen: v7x
topology: tpu7x:2x2x1
jax: 0.10.2.dev20260603
libtpu: 0.0.44.dev20260713+nightly
codegen_flags: <defaults>
</compile_context>

<pallas_src>
import functools

import jax
import jax.numpy as jnp
from jax import lax
from jax.experimental import pallas as pl
from jax.experimental.pallas import tpu as pltpu
from jax.experimental.pallas import tpu_sc as plsc

_NW = 32
_NSUB = 16
_CE = 128
_HP = 16


def _row16(vec):
    row = vec.reshape(1, -1).astype(jnp.float32)
    return jnp.concatenate(
        [row, jnp.zeros((1, _HP - row.shape[1]), jnp.float32)], axis=1)


def _proj_body(npad, x_ref, wp_ref, wr_ref, p_ref, r_ref):
    n = x_ref.shape[0]
    xv = x_ref[...]
    zcol = jnp.zeros((n, _HP - wp_ref.shape[1]), jnp.float32)
    zrow = jnp.zeros((npad - n, _HP), jnp.float32)
    p_ref[...] = jnp.concatenate([
        jnp.concatenate(
            [jnp.dot(xv, wp_ref[...], preferred_element_type=jnp.float32),
             zcol], axis=1), zrow], axis=0)
    r_ref[...] = jnp.concatenate([
        jnp.concatenate(
            [jnp.dot(xv, wr_ref[...], preferred_element_type=jnp.float32),
             zcol], axis=1), zrow], axis=0)


def _proj(npad, x, wp, wr):
    return pl.pallas_call(
        functools.partial(_proj_body, npad),
        out_shape=[
            jax.ShapeDtypeStruct((npad, _HP), jnp.float32),
            jax.ShapeDtypeStruct((npad, _HP), jnp.float32),
        ],
    )(x, wp, wr)


def _sc_edge_call(p, srcr, dstr, ewr):
    n = p.shape[0]
    nchunks = srcr.shape[1]
    rpt = n // _NSUB
    mesh = plsc.VectorSubcoreMesh(core_axis_name="c", subcore_axis_name="s")

    @functools.partial(
        pl.kernel,
        mesh=mesh,
        compiler_params=pltpu.CompilerParams(use_tc_tiling_on_sc=False),
        out_type=jax.ShapeDtypeStruct((2, n, _HP), jnp.float32),
        scratch_types=[
            pltpu.VMEM((nchunks, _CE), jnp.int32),
            pltpu.VMEM((nchunks, _CE), jnp.int32),
            pltpu.VMEM((nchunks, _CE), jnp.float32),
            pltpu.VMEM((2, _CE, _HP), jnp.float32),
            pltpu.VMEM((2, _CE, _HP), jnp.float32),
            pltpu.VMEM_SHARED((n, _HP), jnp.float32),
            pltpu.VMEM_SHARED((n, _HP), jnp.float32),
            pltpu.SemaphoreType.DMA,
            pltpu.SemaphoreType.DMA,
            pltpu.SemaphoreType.DMA,
            pltpu.SemaphoreType.DMA,
        ],
    )
    def sc_fn(p_hbm, src_hbm, dst_hbm, ew_hbm, out_hbm,
              srcv, dstv, ewv, grows, srows, psh, aggsh, sg0, sg1, ss0, ss1):
        c = lax.axis_index("c")
        s = lax.axis_index("s")
        t = c * _NSUB + s
        sg = (sg0, sg1)
        ss = (ss0, ss1)

        cp_p = pltpu.async_copy(p_hbm.at[pl.ds(s * rpt, rpt)],
                                psh.at[pl.ds(s * rpt, rpt)], sg0)
        cp_s = pltpu.async_copy(src_hbm.at[t], srcv, sg1)
        cp_d = pltpu.async_copy(dst_hbm.at[t], dstv, ss0)
        cp_e = pltpu.async_copy(ew_hbm.at[t], ewv, ss1)

        def zrow_body(i, cc):
            srows[0, i, :] = jnp.zeros((_HP,), jnp.float32)
            return cc

        lax.fori_loop(0, _CE, zrow_body, 0)
        nfull = rpt // _CE
        for k in range(nfull):
            pltpu.sync_copy(srows.at[0],
                            aggsh.at[pl.ds(s * rpt + k * _CE, _CE)])
        rem = rpt - nfull * _CE
        if rem:
            pltpu.sync_copy(srows.at[0, pl.ds(0, rem)],
                            aggsh.at[pl.ds(s * rpt + nfull * _CE, rem)])
        cp_p.wait()
        cp_s.wait()
        cp_d.wait()
        cp_e.wait()
        plsc.subcore_barrier()

        def issue_gather(j, b):
            pltpu.async_copy(psh.at[srcv.at[j]], grows.at[b], sg[b])

        def wait_gather(j, b):
            pltpu.make_async_copy(psh.at[srcv.at[j]], grows.at[b],
                                  sg[b]).wait()

        def issue_scatter(j, b):
            pltpu.async_copy(srows.at[b], aggsh.at[dstv.at[j]], ss[b],
                             add=True)

        def wait_scatter(j, b):
            pltpu.make_async_copy(srows.at[b], aggsh.at[dstv.at[j]],
                                  ss[b]).wait()

        def mult(j, b):
            def grp_body(g, cc):
                ew16 = ewv[j, pl.ds(g * _HP, _HP)]
                for i in range(_HP):
                    bew = jnp.full((_HP,), ew16[i], dtype=jnp.float32)
                    srows[b, g * _HP + i, :] = grows[b, g * _HP + i, :] * bew
                return cc

            lax.fori_loop(0, _CE // _HP, grp_body, 0)

        issue_gather(0, 0)
        issue_gather(1, 1)
        wait_gather(0, 0)
        mult(0, 0)
        issue_scatter(0, 0)
        issue_gather(2, 0)
        wait_gather(1, 1)
        mult(1, 1)
        issue_scatter(1, 1)

        def pair_body(jj, carry):
            j0 = 2 + jj * 2
            for b in (0, 1):
                jb = j0 + b

                @pl.when(jb + 1 < nchunks)
                def _():
                    issue_gather(jb + 1, 1 - b)

                wait_gather(jb, b)
                wait_scatter(jb - 2, b)
                mult(jb, b)
                issue_scatter(jb, b)
            return carry

        lax.fori_loop(0, (nchunks - 2) // 2, pair_body, 0)
        wait_scatter(nchunks - 2, 0)
        wait_scatter(nchunks - 1, 1)
        plsc.subcore_barrier()
        pltpu.sync_copy(aggsh.at[pl.ds(s * rpt, rpt)],
                        out_hbm.at[c].at[pl.ds(s * rpt, rpt)])

    return sc_fn(p, srcr, dstr, ewr)


def _head_body(n, h, agg_ref, r_ref, batch_ref, cni_ref, goal_ref, mask_ref,
               brel_ref, gnw_ref, gnb_ref, gnms_ref, was_ref, bas_ref,
               wa_ref, ba_ref, wvs_ref, bvs_ref, wv_ref, bv_ref, out_ref):
    f32 = jnp.float32
    nb = out_ref.shape[0]
    y = (agg_ref[0] + agg_ref[1] + r_ref[...] + _row16(brel_ref[...]))[:n]
    brow = batch_ref[...].reshape(1, n)

    onehot_t = (brow ==
                lax.broadcasted_iota(jnp.int32, (nb, n), 0)).astype(f32)
    ii = lax.broadcasted_iota(jnp.int32, (nb, nb), 0)
    jj = lax.broadcasted_iota(jnp.int32, (nb, nb), 1)
    eye = (ii == jj).astype(f32)
    tril = (ii > jj).astype(f32)
    ones_bb = jnp.ones((nb, nb), f32)
    counts_col = jnp.sum(onehot_t, axis=1, keepdims=True)
    counts = jnp.dot(eye * counts_col, ones_bb, preferred_element_type=f32)
    seg_y = jnp.dot(onehot_t, y, preferred_element_type=f32)
    mean_ms = (seg_y / counts) * _row16(gnms_ref[...])
    seg_y2 = jnp.dot(onehot_t, y * y, preferred_element_type=f32)
    var = (seg_y2 - 2.0 * mean_ms * seg_y
           + counts * mean_ms * mean_ms) / counts
    std = jnp.sqrt(var + 1e-5)

    offsets = jnp.dot(tril, counts, preferred_element_type=f32)
    cni_row = cni_ref[...].reshape(1, nb).astype(f32)
    cni_col = jnp.dot(eye * cni_row, ones_bb, preferred_element_type=f32)
    gidx_full = jnp.minimum(offsets + cni_col, float(n - 1))
    gidx_col = gidx_full[:, :1].astype(jnp.int32)
    gsel = (lax.broadcasted_iota(jnp.int32, (nb, n), 1) == gidx_col
            ).astype(f32)
    y_sel = jnp.dot(gsel, y, preferred_element_type=f32)
    ends_row = jnp.dot(ones_bb, eye * (offsets + counts),
                       preferred_element_type=f32)
    bsel_col = jnp.sum((gidx_full >= ends_row).astype(f32), axis=1,
                       keepdims=True)
    gb = (lax.broadcasted_iota(jnp.int32, (nb, nb), 1).astype(f32) ==
          bsel_col).astype(f32)
    std_sel = jnp.dot(gb, std, preferred_element_type=f32)
    m_sel = jnp.dot(gb, mean_ms, preferred_element_type=f32)
    h16 = jnp.maximum(
        _row16(gnw_ref[...]) * (y_sel - m_sel) / std_sel
        + _row16(gnb_ref[...]), 0.0)

    xx = jnp.concatenate([h16[:, :h], goal_ref[...]], axis=1)
    adv_h = jnp.maximum(
        jnp.dot(xx, was_ref[...], preferred_element_type=f32)
        + bas_ref[...].reshape(1, -1), 0.0)
    adv = (jnp.dot(adv_h, wa_ref[...], preferred_element_type=f32)
           + ba_ref[...].reshape(1, -1))
    val_h = jnp.maximum(
        jnp.dot(xx, wvs_ref[...], preferred_element_type=f32)
        + bvs_ref[...].reshape(1, -1), 0.0)
    val = jnp.sum(val_h * wv_ref[...], axis=1, keepdims=True)
    mean_adv = jnp.mean(adv, axis=1, keepdims=True)
    q = val + adv - mean_adv + bv_ref[...].reshape(1, 1)
    out_ref[...] = jnp.where(mask_ref[...] == 0, -100000000.0, q)


def _head(n, h, nb, na, *args):
    return pl.pallas_call(
        functools.partial(_head_body, n, h),
        out_shape=jax.ShapeDtypeStruct((nb, na), jnp.float32),
    )(*args)


def kernel(x, edge_index, edge_attr, batch, current_node_ids, action_mask,
           one_hot_goal, Wrel1, brel1, Wroot1, gn1_w, gn1_b, gn1_ms, Wrel2,
           brel2, Wroot2, gn2_w, gn2_b, gn2_ms, Wc, bc, Wvs, bvs, Wv, bv,
           Was, bas, Wa, ba):
    f32 = jnp.float32
    n, d = x.shape
    e = edge_index.shape[1]
    nb = one_hot_goal.shape[0]
    na = action_mask.shape[1]
    h = Wrel1.shape[1]

    npad = 128 * ((n + 127) // 128)
    p, r = _proj(npad, x, Wrel1, Wroot1)

    grain = _NW * _CE * 2
    ep = grain * ((e + grain - 1) // grain)
    pad = ep - e
    fill = jnp.arange(pad, dtype=jnp.int32) % n
    srcr = jnp.concatenate([edge_index[0].astype(jnp.int32), fill]
                           ).reshape(_NW, -1, _CE)
    dstr = jnp.concatenate([edge_index[1].astype(jnp.int32), fill]
                           ).reshape(_NW, -1, _CE)
    ewr = jnp.concatenate([edge_attr, jnp.zeros((pad,), f32)]
                          ).reshape(_NW, -1, _CE)
    agg = _sc_edge_call(p, srcr, dstr, ewr)

    return _head(n, h, nb, na, agg, r, batch.astype(jnp.int32),
                 current_node_ids.astype(jnp.int32), one_hot_goal,
                 action_mask, brel1, gn1_w, gn1_b, gn1_ms, Was, bas, Wa, ba,
                 Wvs, bvs, Wv.reshape(1, -1), bv)

# --- scband reference (transcript-rebuilt; emitter-appended) ---
"""Pipeline reference for scband-graph-conv-dql-72241349918781 (READ-ONLY COPY).

The authoritative reference and input builder live on the scoring server;
editing this copy changes nothing except your own understanding.
"""

import jax, jax.numpy as jnp
import numpy as np

N = 10000
E = 320000
B = 16
D = 128
H = 10
GOAL = 16
A = 32

def _graph_conv(x, src, dst, ew, Wrel, brel, Wroot, n):
    msg = x[src] * ew[:, None]
    agg = jax.ops.segment_sum(msg, dst, num_segments=n)
    return agg @ Wrel + brel + x @ Wroot

def _graph_norm(x, batch, w, b, ms, nb):
    counts = jnp.bincount(batch, length=nb).astype(jnp.float32)[:, None]
    mean = jax.ops.segment_sum(x, batch, num_segments=nb) / counts
    out = x - mean[batch] * ms
    var = jax.ops.segment_sum(out * out, batch, num_segments=nb) / counts
    std = jnp.sqrt(var + 1e-5)
    return w * out / std[batch] + b

def setup_inputs(seed: int = 0):
    key = jax.random.key(seed)
    ks = jax.random.split(key, 32)
    inp = {}
    inp['x'] = jax.random.normal(ks[0], (N, D), dtype=jnp.float32)
    inp['edge_index'] = jax.random.randint(ks[1], (2, E), 0, N)
    inp['edge_attr'] = jax.random.uniform(ks[2], (E,), dtype=jnp.float32)
    inp['batch'] = jnp.sort(jax.random.randint(ks[3], (N,), 0, B))
    inp['current_node_ids'] = jax.random.randint(ks[4], (B,), 0, 100)
    inp['action_mask'] = jax.random.randint(ks[5], (B, A), 0, 2)
    inp['one_hot_goal'] = jax.random.uniform(ks[6], (B, GOAL), dtype=jnp.float32)
    inp['Wrel1'] = 0.1 * jax.random.normal(ks[7], (D, H), dtype=jnp.float32)
    inp['brel1'] = jnp.zeros((H,), dtype=jnp.float32)
    inp['Wroot1'] = 0.1 * jax.random.normal(ks[8], (D, H), dtype=jnp.float32)
    inp['gn1_w'] = jnp.ones((H,), dtype=jnp.float32)
    inp['gn1_b'] = jnp.zeros((H,), dtype=jnp.float32)
    inp['gn1_ms'] = jnp.ones((H,), dtype=jnp.float32)
    inp['Wrel2'] = 0.1 * jax.random.normal(ks[9], (H, H), dtype=jnp.float32)
    inp['brel2'] = jnp.zeros((H,), dtype=jnp.float32)
    inp['Wroot2'] = 0.1 * jax.random.normal(ks[10], (H, H), dtype=jnp.float32)
    inp['gn2_w'] = jnp.ones((H,), dtype=jnp.float32)
    inp['gn2_b'] = jnp.zeros((H,), dtype=jnp.float32)
    inp['gn2_ms'] = jnp.ones((H,), dtype=jnp.float32)
    inp['Wc'] = 0.1 * jax.random.normal(ks[11], (D, H), dtype=jnp.float32)
    inp['bc'] = jnp.zeros((H,), dtype=jnp.float32)
    inp['Wvs'] = 0.1 * jax.random.normal(ks[12], (H + GOAL, 10), dtype=jnp.float32)
    inp['bvs'] = jnp.zeros((10,), dtype=jnp.float32)
    inp['Wv'] = 0.1 * jax.random.normal(ks[13], (10, 1), dtype=jnp.float32)
    inp['bv'] = jnp.zeros((1,), dtype=jnp.float32)
    inp['Was'] = 0.1 * jax.random.normal(ks[14], (H + GOAL, 10), dtype=jnp.float32)
    inp['bas'] = jnp.zeros((10,), dtype=jnp.float32)
    inp['Wa'] = 0.1 * jax.random.normal(ks[15], (10, A), dtype=jnp.float32)
    inp['ba'] = jnp.zeros((A,), dtype=jnp.float32)
    return inp

def reference(x, edge_index, edge_attr, batch, current_node_ids, action_mask, one_hot_goal, Wrel1, brel1, Wroot1, gn1_w, gn1_b, gn1_ms, Wrel2, brel2, Wroot2, gn2_w, gn2_b, gn2_ms, Wc, bc, Wvs, bvs, Wv, bv, Was, bas, Wa, ba):
    n = x.shape[0]
    nb = one_hot_goal.shape[0]
    src, dst = edge_index[0], edge_index[1]
    x0 = x
    h = jax.nn.relu(_graph_norm(_graph_conv(x, src, dst, edge_attr, Wrel1, brel1, Wroot1, n), batch, gn1_w, gn1_b, gn1_ms, nb))
    x1 = h
    h2 = jax.nn.relu(_graph_norm(_graph_conv(h, src, dst, edge_attr, Wrel2, brel2, Wroot2, n), batch, gn2_w, gn2_b, gn2_ms, nb))
    counts = jnp.bincount(batch, length=nb)
    global_pool = jax.ops.segment_sum(h2, batch, num_segments=nb) / counts.astype(jnp.float32)[:, None]
    cum = jnp.cumsum(counts)
    offsets = jnp.concatenate([jnp.zeros((1,), dtype=cum.dtype), cum[:-1]])
    gidx = current_node_ids + offsets
    x0e = jax.nn.relu(x0[gidx] @ Wc + bc)
    state = x1[gidx]
    xx = jnp.concatenate([state, one_hot_goal], axis=1)
    advantage = jax.nn.relu(xx @ Was + bas) @ Wa + ba
    value = jax.nn.relu(xx @ Wvs + bvs) @ Wv + bv
    mean_adv = jnp.mean(advantage, axis=1, keepdims=True)
    qvals = value + (advantage - mean_adv)
    qvals = jnp.where(action_mask == 0, -100000000.0, qvals)
    return qvals

if __name__ == "__main__":
    import jax
    _d = setup_inputs()
    print(jax.jit(kernel)(*tuple(_d.values())))

</pallas_src>

<mosaic_0001>
#map = affine_map<(d0, d1) -> (0, 0)>
#map1 = affine_map<(d0, d1) -> (0, 0, 0)>
module attributes {stable_mosaic.version = 14 : i64} {
  func.func @sc_fn(%arg0: i32, %arg1: i32, %arg2: memref<10112x16xf32, #tpu.memory_space<hbm>>, %arg3: memref<32x80x128xi32, #tpu.memory_space<hbm>>, %arg4: memref<32x80x128xi32, #tpu.memory_space<hbm>>, %arg5: memref<32x80x128xf32, #tpu.memory_space<hbm>>, %arg6: memref<2x10112x16xf32, #tpu.memory_space<hbm>>, %arg7: memref<80x128xi32, #tpu.memory_space<vmem>>, %arg8: memref<80x128xi32, #tpu.memory_space<vmem>>, %arg9: memref<80x128xf32, #tpu.memory_space<vmem>>, %arg10: memref<2x128x16xf32, #tpu.memory_space<vmem>>, %arg11: memref<2x128x16xf32, #tpu.memory_space<vmem>>, %arg12: memref<10112x16xf32, #tpu.memory_space<vmem_shared>>, %arg13: memref<10112x16xf32, #tpu.memory_space<vmem_shared>>, %arg14: memref<!tpu.dma_semaphore, #tpu.memory_space<semaphore_mem>>, %arg15: memref<!tpu.dma_semaphore, #tpu.memory_space<semaphore_mem>>, %arg16: memref<!tpu.dma_semaphore, #tpu.memory_space<semaphore_mem>>, %arg17: memref<!tpu.dma_semaphore, #tpu.memory_space<semaphore_mem>>) attributes {dimension_semantics = [#tpu.dimension_semantics<core_parallel>, #tpu.dimension_semantics<subcore_parallel>], iteration_bounds = array<i64: 2, 16>, scalar_prefetch = 0 : i64, scratch_operands = 11 : i64, tpu.core_type = #tpu.core_type<sc_vector_subcore>, window_params = [{transform_indices = #map}, {transform_indices = #map1}, {transform_indices = #map1}, {transform_indices = #map1}, {transform_indices = #map1}]} {
    %mul3A = arith.constant 16 : i32
    %mul3A_0 = arith.muli %arg0, %mul3A : i32
    %add3A = arith.addi %mul3A_0, %arg1 : i32
    %mul3A_1 = arith.constant 632 : i32
    %mul3A_2 = arith.muli %arg1, %mul3A_1 : i32
    %mul3A_3 = arith.constant 632 : i32
    %mul3A_4 = arith.muli %arg1, %mul3A_3 : i32
    %dma_start3A = arith.constant 0 : i32
    %dma_start3A_5 = tpu.memref_slice %arg12[%mul3A_4, %dma_start3A] : memref<10112x16xf32, #tpu.memory_space<vmem_shared>> -> memref<632x16xf32, #tpu.memory_space<vmem_shared>>
    %dma_start3A_6 = arith.constant 0 : i32
    %dma_start3A_7 = tpu.memref_slice %arg2[%mul3A_2, %dma_start3A_6] : memref<10112x16xf32, #tpu.memory_space<hbm>> -> memref<632x16xf32, #tpu.memory_space<hbm>>
    tpu.enqueue_dma source(%dma_start3A_7 : memref<632x16xf32, #tpu.memory_space<hbm>>) target(%dma_start3A_5 : memref<632x16xf32, #tpu.memory_space<vmem_shared>>) target_semaphore(%arg14 : memref<!tpu.dma_semaphore, #tpu.memory_space<semaphore_mem>>)
    %dma_start3A_8 = arith.constant 0 : i32
    %dma_start3A_9 = arith.constant 0 : i32
    %dma_start3A_10 = tpu.memref_slice %arg3[%add3A, %dma_start3A_8, %dma_start3A_9] : memref<32x80x128xi32, #tpu.memory_space<hbm>> -> memref<1x80x128xi32, #tpu.memory_space<hbm>>
    %dma_start3A_11 = tpu.memref_squeeze %dma_start3A_10 : memref<1x80x128xi32, #tpu.memory_space<hbm>> -> memref<80x128xi32, #tpu.memory_space<hbm>>
    %dma_start3A_12 = arith.constant 0 : i32
    %dma_start3A_13 = arith.constant 0 : i32
    %dma_start3A_14 = tpu.memref_slice %arg3[%add3A, %dma_start3A_12, %dma_start3A_13] : memref<32x80x128xi32, #tpu.memory_space<hbm>> -> memref<1x80x128xi32, #tpu.memory_space<hbm>>
    %dma_start3A_15 = tpu.memref_squeeze %dma_start3A_14 : memref<1x80x128xi32, #tpu.memory_space<hbm>> -> memref<80x128xi32, #tpu.memory_space<hbm>>
    tpu.enqueue_dma source(%dma_start3A_15 : memref<80x128xi32, #tpu.memory_space<hbm>>) target(%arg7 : memref<80x128xi32, #tpu.memory_space<vmem>>) target_semaphore(%arg15 : memref<!tpu.dma_semaphore, #tpu.memory_space<semaphore_mem>>)
    %dma_start3A_16 = arith.constant 0 : i32
    %dma_start3A_17 = arith.constant 0 : i32
    %dma_start3A_18 = tpu.memref_slice %arg4[%add3A, %dma_start3A_16, %dma_start3A_17] : memref<32x80x128xi32, #tpu.memory_space<hbm>> -> memref<1x80x128xi32, #tpu.memory_space<hbm>>
    %dma_start3A_19 = tpu.memref_squeeze %dma_start3A_18 : memref<1x80x128xi32, #tpu.memory_space<hbm>> -> memref<80x128xi32, #tpu.memory_space<hbm>>
    %dma_start3A_20 = arith.constant 0 : i32
    %dma_start3A_21 = arith.constant 0 : i32
    %dma_start3A_22 = tpu.memref_slice %arg4[%add3A, %dma_start3A_20, %dma_start3A_21] : memref<32x80x128xi32, #tpu.memory_space<hbm>> -> memref<1x80x128xi32, #tpu.memory_space<hbm>>
    %dma_start3A_23 = tpu.memref_squeeze %dma_start3A_22 : memref<1x80x128xi32, #tpu.memory_space<hbm>> -> memref<80x128xi32, #tpu.memory_space<hbm>>
    tpu.enqueue_dma source(%dma_start3A_23 : memref<80x128xi32, #tpu.memory_space<hbm>>) target(%arg8 : memref<80x128xi32, #tpu.memory_space<vmem>>) target_semaphore(%arg16 : memref<!tpu.dma_semaphore, #tpu.memory_space<semaphore_mem>>)
    %dma_start3A_24 = arith.constant 0 : i32
    %dma_start3A_25 = arith.constant 0 : i32
    %dma_start3A_26 = tpu.memref_slice %arg5[%add3A, %dma_start3A_24, %dma_start3A_25] : memref<32x80x128xf32, #tpu.memory_space<hbm>> -> memref<1x80x128xf32, #tpu.memory_space<hbm>>
    %dma_start3A_27 = tpu.memref_squeeze %dma_start3A_26 : memref<1x80x128xf32, #tpu.memory_space<hbm>> -> memref<80x128xf32, #tpu.memory_space<hbm>>
    %dma_start3A_28 = arith.constant 0 : i32
    %dma_start3A_29 = arith.constant 0 : i32
    %dma_start3A_30 = tpu.memref_slice %arg5[%add3A, %dma_start3A_28, %dma_start3A_29] : memref<32x80x128xf32, #tpu.memory_space<hbm>> -> memref<1x80x128xf32, #tpu.memory_space<hbm>>
    %dma_start3A_31 = tpu.memref_squeeze %dma_start3A_30 : memref<1x80x128xf32, #tpu.memory_space<hbm>> -> memref<80x128xf32, #tpu.memory_space<hbm>>
    tpu.enqueue_dma source(%dma_start3A_31 : memref<80x128xf32, #tpu.memory_space<hbm>>) target(%arg9 : memref<80x128xf32, #tpu.memory_space<vmem>>) target_semaphore(%arg17 : memref<!tpu.dma_semaphore, #tpu.memory_space<semaphore_mem>>)
    %scan3A = arith.constant 0 : i32
    %scan3A_32 = arith.constant 0 : i32
    %scan3A_33 = arith.constant 128 : i32
    %scan3A_34 = arith.addi %scan3A_32, %scan3A_33 : i32
    %scan3A_35 = arith.constant 1 : i32
    scf.for %scan3A_219 = %scan3A_32 to %scan3A_34 step %scan3A_35  : i32 {
      %broadcast_in_dim3A = arith.constant 0.000000e+00 : f32
      %broadcast_in_dim3A_220 = vector.broadcast %broadcast_in_dim3A : f32 to vector<16xf32>
      %swap3A = arith.constant 0 : i32
      %swap3A_221 = arith.index_cast %swap3A : i32 to index
      %swap3A_222 = arith.index_cast %scan3A_219 : i32 to index
      %swap3A_223 = arith.constant 0 : index
      %swap3A_224 = tpu.vector_load %arg11[%swap3A_221, %swap3A_222, %swap3A_223] {strides = array<i32>} : memref<2x128x16xf32, #tpu.memory_space<vmem>>, vector<1x1x16xf32>,
      %swap3A_225 = vector.shape_cast %swap3A_224 : vector<1x1x16xf32> to vector<16xf32>
      %swap3A_226 = vector.shape_cast %broadcast_in_dim3A_220 : vector<16xf32> to vector<1x1x16xf32>
      tpu.vector_store %arg11[%swap3A_221, %swap3A_222, %swap3A_223], %swap3A_226 {strides = array<i32>} : memref<2x128x16xf32, #tpu.memory_space<vmem>>, vector<1x1x16xf32>,
    }
    %scan3A_36 = arith.constant 128 : i32
    %mul3A_37 = arith.constant 632 : i32
    %mul3A_38 = arith.muli %arg1, %mul3A_37 : i32
    %add3A_39 = arith.constant 0 : i32
    %add3A_40 = arith.addi %mul3A_38, %add3A_39 : i32
    %run_scoped3A = arith.constant 0 : i32
    "tpu.region"() ({
      %run_scoped3A_219 = tpu.sem_alloc : memref<!tpu.dma_semaphore, #tpu.memory_space<semaphore_mem>>
      %dma_start3A_220 = arith.constant 0 : i32
      %dma_start3A_221 = arith.constant 0 : i32
      %dma_start3A_222 = tpu.memref_slice %arg11[%run_scoped3A, %dma_start3A_220, %dma_start3A_221] : memref<2x128x16xf32, #tpu.memory_space<vmem>> -> memref<1x128x16xf32, #tpu.memory_space<vmem>>
      %dma_start3A_223 = tpu.memref_squeeze %dma_start3A_222 : memref<1x128x16xf32, #tpu.memory_space<vmem>> -> memref<128x16xf32, #tpu.memory_space<vmem>>
      %dma_start3A_224 = arith.constant 0 : i32
      %dma_start3A_225 = tpu.memref_slice %arg13[%add3A_40, %dma_start3A_224] : memref<10112x16xf32, #tpu.memory_space<vmem_shared>> -> memref<128x16xf32, #tpu.memory_space<vmem_shared>>
      %dma_start3A_226 = arith.constant 0 : i32
      %dma_start3A_227 = tpu.memref_slice %arg13[%add3A_40, %dma_start3A_226] : memref<10112x16xf32, #tpu.memory_space<vmem_shared>> -> memref<128x16xf32, #tpu.memory_space<vmem_shared>>
      %dma_start3A_228 = arith.constant 0 : i32
      %dma_start3A_229 = arith.constant 0 : i32
      %dma_start3A_230 = tpu.memref_slice %arg11[%run_scoped3A, %dma_start3A_228, %dma_start3A_229] : memref<2x128x16xf32, #tpu.memory_space<vmem>> -> memref<1x128x16xf32, #tpu.memory_space<vmem>>
      %dma_start3A_231 = tpu.memref_squeeze %dma_start3A_230 : memref<1x128x16xf32, #tpu.memory_space<vmem>> -> memref<128x16xf32, #tpu.memory_space<vmem>>
      tpu.enqueue_dma source(%dma_start3A_231 : memref<128x16xf32, #tpu.memory_space<vmem>>) target(%dma_start3A_227 : memref<128x16xf32, #tpu.memory_space<vmem_shared>>) target_semaphore(%run_scoped3A_219 : memref<!tpu.dma_semaphore, #tpu.memory_space<semaphore_mem>>)
      %dma_wait3A_232 = arith.constant 0 : i32
      %dma_wait3A_233 = arith.constant 0 : i32
      %dma_wait3A_234 = tpu.memref_slice %arg11[%run_scoped3A, %dma_wait3A_232, %dma_wait3A_233] : memref<2x128x16xf32, #tpu.memory_space<vmem>> -> memref<1x128x16xf32, #tpu.memory_space<vmem>>
      %dma_wait3A_235 = tpu.memref_squeeze %dma_wait3A_234 : memref<1x128x16xf32, #tpu.memory_space<vmem>> -> memref<128x16xf32, #tpu.memory_space<vmem>>
      %dma_wait3A_236 = arith.constant 0 : i32
      %dma_wait3A_237 = tpu.memref_slice %arg13[%add3A_40, %dma_wait3A_236] : memref<10112x16xf32, #tpu.memory_space<vmem_shared>> -> memref<128x16xf32, #tpu.memory_space<vmem_shared>>
      %dma_wait3A_238 = arith.constant 0 : i32
      %dma_wait3A_239 = tpu.memref_slice %arg13[%add3A_40, %dma_wait3A_238] : memref<10112x16xf32, #tpu.memory_space<vmem_shared>> -> memref<128x16xf32, #tpu.memory_space<vmem_shared>>
      %dma_wait3A_240 = arith.constant 0 : i32
      %dma_wait3A_241 = arith.constant 0 : i32
      %dma_wait3A_242 = tpu.memref_slice %arg11[%run_scoped3A, %dma_wait3A_240, %dma_wait3A_241] : memref<2x128x16xf32, #tpu.memory_space<vmem>> -> memref<1x128x16xf32, #tpu.memory_space<vmem>>
      %dma_wait3A_243 = tpu.memref_squeeze %dma_wait3A_242 : memref<1x128x16xf32, #tpu.memory_space<vmem>> -> memref<128x16xf32, #tpu.memory_space<vmem>>
      tpu.wait_dma2 semaphore(%run_scoped3A_219 : memref<!tpu.dma_semaphore, #tpu.memory_space<semaphore_mem>>) src(%dma_wait3A_243 : memref<128x16xf32, #tpu.memory_space<vmem>>) dst(%dma_wait3A_239 : memref<128x16xf32, #tpu.memory_space<vmem_shared>>)
      tpu.yield
    }) : () -> ()
    %mul3A_41 = arith.constant 632 : i32
    %mul3A_42 = arith.muli %arg1, %mul3A_41 : i32
    %add3A_43 = arith.constant 128 : i32
    %add3A_44 = arith.addi %mul3A_42, %add3A_43 : i32
    %run_scoped3A_45 = arith.constant 0 : i32
    "tpu.region"() ({
      %run_scoped3A_219 = tpu.sem_alloc : memref<!tpu.dma_semaphore, #tpu.memory_space<semaphore_mem>>
      %dma_start3A_220 = arith.constant 0 : i32
      %dma_start3A_221 = arith.constant 0 : i32
      %dma_start3A_222 = tpu.memref_slice %arg11[%run_scoped3A_45, %dma_start3A_220, %dma_start3A_221] : memref<2x128x16xf32, #tpu.memory_space<vmem>> -> memref<1x128x16xf32, #tpu.memory_space<vmem>>
      %dma_start3A_223 = tpu.memref_squeeze %dma_start3A_222 : memref<1x128x16xf32, #tpu.memory_space<vmem>> -> memref<128x16xf32, #tpu.memory_space<vmem>>
      %dma_start3A_224 = arith.constant 0 : i32
      %dma_start3A_225 = tpu.memref_slice %arg13[%add3A_44, %dma_start3A_224] : memref<10112x16xf32, #tpu.memory_space<vmem_shared>> -> memref<128x16xf32, #tpu.memory_space<vmem_shared>>
      %dma_start3A_226 = arith.constant 0 : i32
      %dma_start3A_227 = tpu.memref_slice %arg13[%add3A_44, %dma_start3A_226] : memref<10112x16xf32, #tpu.memory_space<vmem_shared>> -> memref<128x16xf32, #tpu.memory_space<vmem_shared>>
      %dma_start3A_228 = arith.constant 0 : i32
      %dma_start3A_229 = arith.constant 0 : i32
      %dma_start3A_230 = tpu.memref_slice %arg11[%run_scoped3A_45, %dma_start3A_228, %dma_start3A_229] : memref<2x128x16xf32, #tpu.memory_space<vmem>> -> memref<1x128x16xf32, #tpu.memory_space<vmem>>
      %dma_start3A_231 = tpu.memref_squeeze %dma_start3A_230 : memref<1x128x16xf32, #tpu.memory_space<vmem>> -> memref<128x16xf32, #tpu.memory_space<vmem>>
      tpu.enqueue_dma source(%dma_start3A_231 : memref<128x16xf32, #tpu.memory_space<vmem>>) target(%dma_start3A_227 : memref<128x16xf32, #tpu.memory_space<vmem_shared>>) target_semaphore(%run_scoped3A_219 : memref<!tpu.dma_semaphore, #tpu.memory_space<semaphore_mem>>)
      %dma_wait3A_232 = arith.constant 0 : i32
      %dma_wait3A_233 = arith.constant 0 : i32
      %dma_wait3A_234 = tpu.memref_slice %arg11[%run_scoped3A_45, %dma_wait3A_232, %dma_wait3A_233] : memref<2x128x16xf32, #tpu.memory_space<vmem>> -> memref<1x128x16xf32, #tpu.memory_space<vmem>>
      %dma_wait3A_235 = tpu.memref_squeeze %dma_wait3A_234 : memref<1x128x16xf32, #tpu.memory_space<vmem>> -> memref<128x16xf32, #tpu.memory_space<vmem>>
      %dma_wait3A_236 = arith.constant 0 : i32
      %dma_wait3A_237 = tpu.memref_slice %arg13[%add3A_44, %dma_wait3A_236] : memref<10112x16xf32, #tpu.memory_space<vmem_shared>> -> memref<128x16xf32, #tpu.memory_space<vmem_shared>>
      %dma_wait3A_238 = arith.constant 0 : i32
      %dma_wait3A_239 = tpu.memref_slice %arg13[%add3A_44, %dma_wait3A_238] : memref<10112x16xf32, #tpu.memory_space<vmem_shared>> -> memref<128x16xf32, #tpu.memory_space<vmem_shared>>
      %dma_wait3A_240 = arith.constant 0 : i32
      %dma_wait3A_241 = arith.constant 0 : i32
      %dma_wait3A_242 = tpu.memref_slice %arg11[%run_scoped3A_45, %dma_wait3A_240, %dma_wait3A_241] : memref<2x128x16xf32, #tpu.memory_space<vmem>> -> memref<1x128x16xf32, #tpu.memory_space<vmem>>
      %dma_wait3A_243 = tpu.memref_squeeze %dma_wait3A_242 : memref<1x128x16xf32, #tpu.memory_space<vmem>> -> memref<128x16xf32, #tpu.memory_space<vmem>>
      tpu.wait_dma2 semaphore(%run_scoped3A_219 : memref<!tpu.dma_semaphore, #tpu.memory_space<semaphore_mem>>) src(%dma_wait3A_243 : memref<128x16xf32, #tpu.memory_space<vmem>>) dst(%dma_wait3A_239 : memref<128x16xf32, #tpu.memory_space<vmem_shared>>)
      tpu.yield
    }) : () -> ()
    %mul3A_46 = arith.constant 632 : i32
    %mul3A_47 = arith.muli %arg1, %mul3A_46 : i32
    %add3A_48 = arith.constant 256 : i32
    %add3A_49 = arith.addi %mul3A_47, %add3A_48 : i32
    %run_scoped3A_50 = arith.constant 0 : i32
    "tpu.region"() ({
      %run_scoped3A_219 = tpu.sem_alloc : memref<!tpu.dma_semaphore, #tpu.memory_space<semaphore_mem>>
      %dma_start3A_220 = arith.constant 0 : i32
      %dma_start3A_221 = arith.constant 0 : i32
      %dma_start3A_222 = tpu.memref_slice %arg11[%run_scoped3A_50, %dma_start3A_220, %dma_start3A_221] : memref<2x128x16xf32, #tpu.memory_space<vmem>> -> memref<1x128x16xf32, #tpu.memory_space<vmem>>
      %dma_start3A_223 = tpu.memref_squeeze %dma_start3A_222 : memref<1x128x16xf32, #tpu.memory_space<vmem>> -> memref<128x16xf32, #tpu.memory_space<vmem>>
      %dma_start3A_224 = arith.constant 0 : i32
      %dma_start3A_225 = tpu.memref_slice %arg13[%add3A_49, %dma_start3A_224] : memref<10112x16xf32, #tpu.memory_space<vmem_shared>> -> memref<128x16xf32, #tpu.memory_space<vmem_shared>>
      %dma_start3A_226 = arith.constant 0 : i32
      %dma_start3A_227 = tpu.memref_slice %arg13[%add3A_49, %dma_start3A_226] : memref<10112x16xf32, #tpu.memory_space<vmem_shared>> -> memref<128x16xf32, #tpu.memory_space<vmem_shared>>
      %dma_start3A_228 = arith.constant 0 : i32
      %dma_start3A_229 = arith.constant 0 : i32
      %dma_start3A_230 = tpu.memref_slice %arg11[%run_scoped3A_50, %dma_start3A_228, %dma_start3A_229] : memref<2x128x16xf32, #tpu.memory_space<vmem>> -> memref<1x128x16xf32, #tpu.memory_space<vmem>>
      %dma_start3A_231 = tpu.memref_squeeze %dma_start3A_230 : memref<1x128x16xf32, #tpu.memory_space<vmem>> -> memref<128x16xf32, #tpu.memory_space<vmem>>
      tpu.enqueue_dma source(%dma_start3A_231 : memref<128x16xf32, #tpu.memory_space<vmem>>) target(%dma_start3A_227 : memref<128x16xf32, #tpu.memory_space<vmem_shared>>) target_semaphore(%run_scoped3A_219 : memref<!tpu.dma_semaphore, #tpu.memory_space<semaphore_mem>>)
      %dma_wait3A_232 = arith.constant 0 : i32
      %dma_wait3A_233 = arith.constant 0 : i32
      %dma_wait3A_234 = tpu.memref_slice %arg11[%run_scoped3A_50, %dma_wait3A_232, %dma_wait3A_233] : memref<2x128x16xf32, #tpu.memory_space<vmem>> -> memref<1x128x16xf32, #tpu.memory_space<vmem>>
      %dma_wait3A_235 = tpu.memref_squeeze %dma_wait3A_234 : memref<1x128x16xf32, #tpu.memory_space<vmem>> -> memref<128x16xf32, #tpu.memory_space<vmem>>
      %dma_wait3A_236 = arith.constant 0 : i32
      %dma_wait3A_237 = tpu.memref_slice %arg13[%add3A_49, %dma_wait3A_236] : memref<10112x16xf32, #tpu.memory_space<vmem_shared>> -> memref<128x16xf32, #tpu.memory_space<vmem_shared>>
      %dma_wait3A_238 = arith.constant 0 : i32
      %dma_wait3A_239 = tpu.memref_slice %arg13[%add3A_49, %dma_wait3A_238] : memref<10112x16xf32, #tpu.memory_space<vmem_shared>> -> memref<128x16xf32, #tpu.memory_space<vmem_shared>>
      %dma_wait3A_240 = arith.constant 0 : i32
      %dma_wait3A_241 = arith.constant 0 : i32
      %dma_wait3A_242 = tpu.memref_slice %arg11[%run_scoped3A_50, %dma_wait3A_240, %dma_wait3A_241] : memref<2x128x16xf32, #tpu.memory_space<vmem>> -> memref<1x128x16xf32, #tpu.memory_space<vmem>>
      %dma_wait3A_243 = tpu.memref_squeeze %dma_wait3A_242 : memref<1x128x16xf32, #tpu.memory_space<vmem>> -> memref<128x16xf32, #tpu.memory_space<vmem>>
      tpu.wait_dma2 semaphore(%run_scoped3A_219 : memref<!tpu.dma_semaphore, #tpu.memory_space<semaphore_mem>>) src(%dma_wait3A_243 : memref<128x16xf32, #tpu.memory_space<vmem>>) dst(%dma_wait3A_239 : memref<128x16xf32, #tpu.memory_space<vmem_shared>>)
      tpu.yield
    }) : () -> ()
    %mul3A_51 = arith.constant 632 : i32
    %mul3A_52 = arith.muli %arg1, %mul3A_51 : i32
    %add3A_53 = arith.constant 384 : i32
    %add3A_54 = arith.addi %mul3A_52, %add3A_53 : i32
    %run_scoped3A_55 = arith.constant 0 : i32
    "tpu.region"() ({
      %run_scoped3A_219 = tpu.sem_alloc : memref<!tpu.dma_semaphore, #tpu.memory_space<semaphore_mem>>
      %dma_start3A_220 = arith.constant 0 : i32
      %dma_start3A_221 = arith.constant 0 : i32
      %dma_start3A_222 = tpu.memref_slice %arg11[%run_scoped3A_55, %dma_start3A_220, %dma_start3A_221] : memref<2x128x16xf32, #tpu.memory_space<vmem>> -> memref<1x128x16xf32, #tpu.memory_space<vmem>>
      %dma_start3A_223 = tpu.memref_squeeze %dma_start3A_222 : memref<1x128x16xf32, #tpu.memory_space<vmem>> -> memref<128x16xf32, #tpu.memory_space<vmem>>
      %dma_start3A_224 = arith.constant 0 : i32
      %dma_start3A_225 = tpu.memref_slice %arg13[%add3A_54, %dma_start3A_224] : memref<10112x16xf32, #tpu.memory_space<vmem_shared>> -> memref<128x16xf32, #tpu.memory_space<vmem_shared>>
      %dma_start3A_226 = arith.constant 0 : i32
      %dma_start3A_227 = tpu.memref_slice %arg13[%add3A_54, %dma_start3A_226] : memref<10112x16xf32, #tpu.memory_space<vmem_shared>> -> memref<128x16xf32, #tpu.memory_space<vmem_shared>>
      %dma_start3A_228 = arith.constant 0 : i32
      %dma_start3A_229 = arith.constant 0 : i32
      %dma_start3A_230 = tpu.memref_slice %arg11[%run_scoped3A_55, %dma_start3A_228, %dma_start3A_229] : memref<2x128x16xf32, #tpu.memory_space<vmem>> -> memref<1x128x16xf32, #tpu.memory_space<vmem>>
      %dma_start3A_231 = tpu.memref_squeeze %dma_start3A_230 : memref<1x128x16xf32, #tpu.memory_space<vmem>> -> memref<128x16xf32, #tpu.memory_space<vmem>>
      tpu.enqueue_dma source(%dma_start3A_231 : memref<128x16xf32, #tpu.memory_space<vmem>>) target(%dma_start3A_227 : memref<128x16xf32, #tpu.memory_space<vmem_shared>>) target_semaphore(%run_scoped3A_219 : memref<!tpu.dma_semaphore, #tpu.memory_space<semaphore_mem>>)
      %dma_wait3A_232 = arith.constant 0 : i32
      %dma_wait3A_233 = arith.constant 0 : i32
      %dma_wait3A_234 = tpu.memref_slice %arg11[%run_scoped3A_55, %dma_wait3A_232, %dma_wait3A_233] : memref<2x128x16xf32, #tpu.memory_space<vmem>> -> memref<1x128x16xf32, #tpu.memory_space<vmem>>
      %dma_wait3A_235 = tpu.memref_squeeze %dma_wait3A_234 : memref<1x128x16xf32, #tpu.memory_space<vmem>> -> memref<128x16xf32, #tpu.memory_space<vmem>>
      %dma_wait3A_236 = arith.constant 0 : i32
      %dma_wait3A_237 = tpu.memref_slice %arg13[%add3A_54, %dma_wait3A_236] : memref<10112x16xf32, #tpu.memory_space<vmem_shared>> -> memref<128x16xf32, #tpu.memory_space<vmem_shared>>
      %dma_wait3A_238 = arith.constant 0 : i32
      %dma_wait3A_239 = tpu.memref_slice %arg13[%add3A_54, %dma_wait3A_238] : memref<10112x16xf32, #tpu.memory_space<vmem_shared>> -> memref<128x16xf32, #tpu.memory_space<vmem_shared>>
      %dma_wait3A_240 = arith.constant 0 : i32
      %dma_wait3A_241 = arith.constant 0 : i32
      %dma_wait3A_242 = tpu.memref_slice %arg11[%run_scoped3A_55, %dma_wait3A_240, %dma_wait3A_241] : memref<2x128x16xf32, #tpu.memory_space<vmem>> -> memref<1x128x16xf32, #tpu.memory_space<vmem>>
      %dma_wait3A_243 = tpu.memref_squeeze %dma_wait3A_242 : memref<1x128x16xf32, #tpu.memory_space<vmem>> -> memref<128x16xf32, #tpu.memory_space<vmem>>
      tpu.wait_dma2 semaphore(%run_scoped3A_219 : memref<!tpu.dma_semaphore, #tpu.memory_space<semaphore_mem>>) src(%dma_wait3A_243 : memref<128x16xf32, #tpu.memory_space<vmem>>) dst(%dma_wait3A_239 : memref<128x16xf32, #tpu.memory_space<vmem_shared>>)
      tpu.yield
    }) : () -> ()
    %mul3A_56 = arith.constant 632 : i32
    %mul3A_57 = arith.muli %arg1, %mul3A_56 : i32
    %add3A_58 = arith.constant 512 : i32
    %add3A_59 = arith.addi %mul3A_57, %add3A_58 : i32
    %run_scoped3A_60 = arith.constant 0 : i32
    "tpu.region"() ({
      %run_scoped3A_219 = tpu.sem_alloc : memref<!tpu.dma_semaphore, #tpu.memory_space<semaphore_mem>>
      %dma_start3A_220 = arith.constant 0 : i32
      %dma_start3A_221 = arith.constant 0 : i32
      %dma_start3A_222 = tpu.memref_slice %arg11[%run_scoped3A_60, %dma_start3A_220, %dma_start3A_221] : memref<2x128x16xf32, #tpu.memory_space<vmem>> -> memref<1x120x16xf32, #tpu.memory_space<vmem>>
      %dma_start3A_223 = tpu.memref_squeeze %dma_start3A_222 : memref<1x120x16xf32, #tpu.memory_space<vmem>> -> memref<120x16xf32, #tpu.memory_space<vmem>>
      %dma_start3A_224 = arith.constant 0 : i32
      %dma_start3A_225 = tpu.memref_slice %arg13[%add3A_59, %dma_start3A_224] : memref<10112x16xf32, #tpu.memory_space<vmem_shared>> -> memref<120x16xf32, #tpu.memory_space<vmem_shared>>
      %dma_start3A_226 = arith.constant 0 : i32
      %dma_start3A_227 = tpu.memref_slice %arg13[%add3A_59, %dma_start3A_226] : memref<10112x16xf32, #tpu.memory_space<vmem_shared>> -> memref<120x16xf32, #tpu.memory_space<vmem_shared>>
      %dma_start3A_228 = arith.constant 0 : i32
      %dma_start3A_229 = arith.constant 0 : i32
      %dma_start3A_230 = tpu.memref_slice %arg11[%run_scoped3A_60, %dma_start3A_228, %dma_start3A_229] : memref<2x128x16xf32, #tpu.memory_space<vmem>> -> memref<1x120x16xf32, #tpu.memory_space<vmem>>
      %dma_start3A_231 = tpu.memref_squeeze %dma_start3A_230 : memref<1x120x16xf32, #tpu.memory_space<vmem>> -> memref<120x16xf32, #tpu.memory_space<vmem>>
      tpu.enqueue_dma source(%dma_start3A_231 : memref<120x16xf32, #tpu.memory_space<vmem>>) target(%dma_start3A_227 : memref<120x16xf32, #tpu.memory_space<vmem_shared>>) target_semaphore(%run_scoped3A_219 : memref<!tpu.dma_semaphore, #tpu.memory_space<semaphore_mem>>)
      %dma_wait3A_232 = arith.constant 0 : i32
      %dma_wait3A_233 = arith.constant 0 : i32
      %dma_wait3A_234 = tpu.memref_slice %arg11[%run_scoped3A_60, %dma_wait3A_232, %dma_wait3A_233] : memref<2x128x16xf32, #tpu.memory_space<vmem>> -> memref<1x120x16xf32, #tpu.memory_space<vmem>>
      %dma_wait3A_235 = tpu.memref_squeeze %dma_wait3A_234 : memref<1x120x16xf32, #tpu.memory_space<vmem>> -> memref<120x16xf32, #tpu.memory_space<vmem>>
      %dma_wait3A_236 = arith.constant 0 : i32
      %dma_wait3A_237 = tpu.memref_slice %arg13[%add3A_59, %dma_wait3A_236] : memref<10112x16xf32, #tpu.memory_space<vmem_shared>> -> memref<120x16xf32, #tpu.memory_space<vmem_shared>>
      %dma_wait3A_238 = arith.constant 0 : i32
      %dma_wait3A_239 = tpu.memref_slice %arg13[%add3A_59, %dma_wait3A_238] : memref<10112x16xf32, #tpu.memory_space<vmem_shared>> -> memref<120x16xf32, #tpu.memory_space<vmem_shared>>
      %dma_wait3A_240 = arith.constant 0 : i32
      %dma_wait3A_241 = arith.constant 0 : i32
      %dma_wait3A_242 = tpu.memref_slice %arg11[%run_scoped3A_60, %dma_wait3A_240, %dma_wait3A_241] : memref<2x128x16xf32, #tpu.memory_space<vmem>> -> memref<1x120x16xf32, #tpu.memory_space<vmem>>
      %dma_wait3A_243 = tpu.memref_squeeze %dma_wait3A_242 : memref<1x120x16xf32, #tpu.memory_space<vmem>> -> memref<120x16xf32, #tpu.memory_space<vmem>>
      tpu.wait_dma2 semaphore(%run_scoped3A_219 : memref<!tpu.dma_semaphore, #tpu.memory_space<semaphore_mem>>) src(%dma_wait3A_243 : memref<120x16xf32, #tpu.memory_space<vmem>>) dst(%dma_wait3A_239 : memref<120x16xf32, #tpu.memory_space<vmem_shared>>)
      tpu.yield
    }) : () -> ()
    %dma_wait3A = arith.constant 0 : i32
    %dma_wait3A_61 = tpu.memref_slice %arg12[%mul3A_4, %dma_wait3A] : memref<10112x16xf32, #tpu.memory_space<vmem_shared>> -> memref<632x16xf32, #tpu.memory_space<vmem_shared>>
    %dma_wait3A_62 = arith.constant 0 : i32
    %dma_wait3A_63 = tpu.memref_slice %arg2[%mul3A_2, %dma_wait3A_62] : memref<10112x16xf32, #tpu.memory_space<hbm>> -> memref<632x16xf32, #tpu.memory_space<hbm>>
    tpu.wait_dma2 semaphore(%arg14 : memref<!tpu.dma_semaphore, #tpu.memory_space<semaphore_mem>>) src(%dma_wait3A_63 : memref<632x16xf32, #tpu.memory_space<hbm>>) dst(%dma_wait3A_61 : memref<632x16xf32, #tpu.memory_space<vmem_shared>>)
    %dma_wait3A_64 = arith.constant 0 : i32
    %dma_wait3A_65 = arith.constant 0 : i32
    %dma_wait3A_66 = tpu.memref_slice %arg3[%add3A, %dma_wait3A_64, %dma_wait3A_65] : memref<32x80x128xi32, #tpu.memory_space<hbm>> -> memref<1x80x128xi32, #tpu.memory_space<hbm>>
    %dma_wait3A_67 = tpu.memref_squeeze %dma_wait3A_66 : memref<1x80x128xi32, #tpu.memory_space<hbm>> -> memref<80x128xi32, #tpu.memory_space<hbm>>
    %dma_wait3A_68 = arith.constant 0 : i32
    %dma_wait3A_69 = arith.constant 0 : i32
    %dma_wait3A_70 = tpu.memref_slice %arg3[%add3A, %dma_wait3A_68, %dma_wait3A_69] : memref<32x80x128xi32, #tpu.memory_space<hbm>> -> memref<1x80x128xi32, #tpu.memory_space<hbm>>
    %dma_wait3A_71 = tpu.memref_squeeze %dma_wait3A_70 : memref<1x80x128xi32, #tpu.memory_space<hbm>> -> memref<80x128xi32, #tpu.memory_space<hbm>>
    tpu.wait_dma2 semaphore(%arg15 : memref<!tpu.dma_semaphore, #tpu.memory_space<semaphore_mem>>) src(%dma_wait3A_71 : memref<80x128xi32, #tpu.memory_space<hbm>>) dst(%arg7 : memref<80x128xi32, #tpu.memory_space<vmem>>)
    %dma_wait3A_72 = arith.constant 0 : i32
    %dma_wait3A_73 = arith.constant 0 : i32
    %dma_wait3A_74 = tpu.memref_slice %arg4[%add3A, %dma_wait3A_72, %dma_wait3A_73] : memref<32x80x128xi32, #tpu.memory_space<hbm>> -> memref<1x80x128xi32, #tpu.memory_space<hbm>>
    %dma_wait3A_75 = tpu.memref_squeeze %dma_wait3A_74 : memref<1x80x128xi32, #tpu.memory_space<hbm>> -> memref<80x128xi32, #tpu.memory_space<hbm>>
    %dma_wait3A_76 = arith.constant 0 : i32
    %dma_wait3A_77 = arith.constant 0 : i32
    %dma_wait3A_78 = tpu.memref_slice %arg4[%add3A, %dma_wait3A_76, %dma_wait3A_77] : memref<32x80x128xi32, #tpu.memory_space<hbm>> -> memref<1x80x128xi32, #tpu.memory_space<hbm>>
    %dma_wait3A_79 = tpu.memref_squeeze %dma_wait3A_78 : memref<1x80x128xi32, #tpu.memory_space<hbm>> -> memref<80x128xi32, #tpu.memory_space<hbm>>
    tpu.wait_dma2 semaphore(%arg16 : memref<!tpu.dma_semaphore, #tpu.memory_space<semaphore_mem>>) src(%dma_wait3A_79 : memref<80x128xi32, #tpu.memory_space<hbm>>) dst(%arg8 : memref<80x128xi32, #tpu.memory_space<vmem>>)
    %dma_wait3A_80 = arith.constant 0 : i32
    %dma_wait3A_81 = arith.constant 0 : i32
    %dma_wait3A_82 = tpu.memref_slice %arg5[%add3A, %dma_wait3A_80, %dma_wait3A_81] : memref<32x80x128xf32, #tpu.memory_space<hbm>> -> memref<1x80x128xf32, #tpu.memory_space<hbm>>
    %dma_wait3A_83 = tpu.memref_squeeze %dma_wait3A_82 : memref<1x80x128xf32, #tpu.memory_space<hbm>> -> memref<80x128xf32, #tpu.memory_space<hbm>>
    %dma_wait3A_84 = arith.constant 0 : i32
    %dma_wait3A_85 = arith.constant 0 : i32
    %dma_wait3A_86 = tpu.memref_slice %arg5[%add3A, %dma_wait3A_84, %dma_wait3A_85] : memref<32x80x128xf32, #tpu.memory_space<hbm>> -> memref<1x80x128xf32, #tpu.memory_space<hbm>>
    %dma_wait3A_87 = tpu.memref_squeeze %dma_wait3A_86 : memref<1x80x128xf32, #tpu.memory_space<hbm>> -> memref<80x128xf32, #tpu.memory_space<hbm>>
    tpu.wait_dma2 semaphore(%arg17 : memref<!tpu.dma_semaphore, #tpu.memory_space<semaphore_mem>>) src(%dma_wait3A_87 : memref<80x128xf32, #tpu.memory_space<hbm>>) dst(%arg9 : memref<80x128xf32, #tpu.memory_space<vmem>>)
    %barrier3A = arith.constant 0 : index
    tpu.barrier barrier_id(%barrier3A)
    %dma_start3A_88 = arith.constant 0 : i32
    %dma_start3A_89 = arith.constant 0 : i32
    %dma_start3A_90 = arith.constant 0 : i32
    %dma_start3A_91 = arith.constant 0 : i32
    %dma_start3A_92 = tpu.memref_slice %arg10[%dma_start3A_89, %dma_start3A_90, %dma_start3A_91] : memref<2x128x16xf32, #tpu.memory_space<vmem>> -> memref<1x128x16xf32, #tpu.memory_space<vmem>>
    %dma_start3A_93 = tpu.memref_squeeze %dma_start3A_92 : memref<1x128x16xf32, #tpu.memory_space<vmem>> -> memref<128x16xf32, #tpu.memory_space<vmem>>
    %dma_start3A_94 = arith.constant 0 : i32
    %dma_start3A_95 = tpu.memref_slice %arg7[%dma_start3A_88, %dma_start3A_94] : memref<80x128xi32, #tpu.memory_space<vmem>> -> memref<1x128xi32, #tpu.memory_space<vmem>>
    %dma_start3A_96 = tpu.memref_squeeze %dma_start3A_95 : memref<1x128xi32, #tpu.memory_space<vmem>> -> memref<128xi32, #tpu.memory_space<vmem>>
    %dma_start3A_97 = arith.constant 0 : i32
    %dma_start3A_98 = arith.constant 0 : i32
    %dma_start3A_99 = tpu.memref_slice %arg12[%dma_start3A_97, %dma_start3A_98] : memref<10112x16xf32, #tpu.memory_space<vmem_shared>> -> memref<10112x16xf32, #tpu.memory_space<vmem_shared>>
    tpu.enqueue_indirect_dma source(%dma_start3A_99 : memref<10112x16xf32, #tpu.memory_space<vmem_shared>>) target(%dma_start3A_93 : memref<128x16xf32, #tpu.memory_space<vmem>>) offsets(%dma_start3A_96 : memref<128xi32, #tpu.memory_space<vmem>>) semaphore(%arg14 : memref<!tpu.dma_semaphore, #tpu.memory_space<semaphore_mem>>)
    %dma_start3A_100 = arith.constant 1 : i32
    %dma_start3A_101 = arith.constant 1 : i32
    %dma_start3A_102 = arith.constant 0 : i32
    %dma_start3A_103 = arith.constant 0 : i32
    %dma_start3A_104 = tpu.memref_slice %arg10[%dma_start3A_101, %dma_start3A_102, %dma_start3A_103] : memref<2x128x16xf32, #tpu.memory_space<vmem>> -> memref<1x128x16xf32, #tpu.memory_space<vmem>>
    %dma_start3A_105 = tpu.memref_squeeze %dma_start3A_104 : memref<1x128x16xf32, #tpu.memory_space<vmem>> -> memref<128x16xf32, #tpu.memory_space<vmem>>
    %dma_start3A_106 = arith.constant 0 : i32
    %dma_start3A_107 = tpu.memref_slice %arg7[%dma_start3A_100, %dma_start3A_106] : memref<80x128xi32, #tpu.memory_space<vmem>> -> memref<1x128xi32, #tpu.memory_space<vmem>>
    %dma_start3A_108 = tpu.memref_squeeze %dma_start3A_107 : memref<1x128xi32, #tpu.memory_space<vmem>> -> memref<128xi32, #tpu.memory_space<vmem>>
    %dma_start3A_109 = arith.constant 0 : i32
    %dma_start3A_110 = arith.constant 0 : i32
    %dma_start3A_111 = tpu.memref_slice %arg12[%dma_start3A_109, %dma_start3A_110] : memref<10112x16xf32, #tpu.memory_space<vmem_shared>> -> memref<10112x16xf32, #tpu.memory_space<vmem_shared>>
    tpu.enqueue_indirect_dma source(%dma_start3A_111 : memref<10112x16xf32, #tpu.memory_space<vmem_shared>>) target(%dma_start3A_105 : memref<128x16xf32, #tpu.memory_space<vmem>>) offsets(%dma_start3A_108 : memref<128xi32, #tpu.memory_space<vmem>>) semaphore(%arg15 : memref<!tpu.dma_semaphore, #tpu.memory_space<semaphore_mem>>)
    %dma_wait3A_112 = arith.constant 0 : i32
    %dma_wait3A_113 = arith.constant 0 : i32
    %dma_wait3A_114 = arith.constant 0 : i32
    %dma_wait3A_115 = arith.constant 0 : i32
    %dma_wait3A_116 = tpu.memref_slice %arg10[%dma_wait3A_113, %dma_wait3A_114, %dma_wait3A_115] : memref<2x128x16xf32, #tpu.memory_space<vmem>> -> memref<1x128x16xf32, #tpu.memory_space<vmem>>
    %dma_wait3A_117 = tpu.memref_squeeze %dma_wait3A_116 : memref<1x128x16xf32, #tpu.memory_space<vmem>> -> memref<128x16xf32, #tpu.memory_space<vmem>>
    %dma_wait3A_118 = arith.constant 0 : i32
    %dma_wait3A_119 = tpu.memref_slice %arg7[%dma_wait3A_112, %dma_wait3A_118] : memref<80x128xi32, #tpu.memory_space<vmem>> -> memref<1x128xi32, #tpu.memory_space<vmem>>
    %dma_wait3A_120 = tpu.memref_squeeze %dma_wait3A_119 : memref<1x128xi32, #tpu.memory_space<vmem>> -> memref<128xi32, #tpu.memory_space<vmem>>
    %dma_wait3A_121 = arith.constant 0 : i32
    %dma_wait3A_122 = arith.constant 0 : i32
    %dma_wait3A_123 = tpu.memref_slice %arg12[%dma_wait3A_121, %dma_wait3A_122] : memref<10112x16xf32, #tpu.memory_space<vmem_shared>> -> memref<10112x16xf32, #tpu.memory_space<vmem_shared>>
    tpu.wait_indirect_dma semaphore(%arg14 : memref<!tpu.dma_semaphore, #tpu.memory_space<semaphore_mem>>) src(%dma_wait3A_123 : memref<10112x16xf32, #tpu.memory_space<vmem_shared>>) dst(%dma_wait3A_117 : memref<128x16xf32, #tpu.memory_space<vmem>>)
    %scan3A_124 = arith.constant 0 : i32
    %scan3A_125 = arith.constant 0 : i32
    %scan3A_126 = arith.constant 8 : i32
    %scan3A_127 = arith.addi %scan3A_125, %scan3A_126 : i32
    %scan3A_128 = arith.constant 1 : i32
    scf.for %scan3A_219 = %scan3A_125 to %scan3A_127 step %scan3A_128  : i32 {
      %mul3A_220 = arith.constant 16 : i32
      %mul3A_221 = arith.muli %scan3A_219, %mul3A_220 : i32
      %get3A = arith.constant 0 : i32
      %get3A_222 = arith.index_cast %get3A : i32 to index
      %get3A_223 = arith.index_cast %mul3A_221 : i32 to index
      %get3A_224 = tpu.vector_load %arg9[%get3A_222, %get3A_223] {strides = array<i32>} : memref<80x128xf32, #tpu.memory_space<vmem>>, vector<1x16xf32>,
      %get3A_225 = vector.shape_cast %get3A_224 : vector<1x16xf32> to vector<16xf32>
      %slice3A = vector.extract_strided_slice %get3A_225 {offsets = [0], sizes = [1], strides = [1]} : vector<16xf32> to vector<1xf32>
      %squeeze3A = vector.extract %slice3A[0] : f32 from vector<1xf32>
      %broadcast_in_dim3A = vector.broadcast %squeeze3A : f32 to vector<16xf32>
      %mul3A_226 = arith.constant 16 : i32
      %mul3A_227 = arith.muli %scan3A_219, %mul3A_226 : i32
      %add3A_228 = arith.constant 0 : i32
      %add3A_229 = arith.addi %mul3A_227, %add3A_228 : i32
      %get3A_230 = arith.constant 0 : i32
      %get3A_231 = arith.index_cast %get3A_230 : i32 to index
      %get3A_232 = arith.index_cast %add3A_229 : i32 to index
      %get3A_233 = arith.constant 0 : index
      %get3A_234 = tpu.vector_load %arg10[%get3A_231, %get3A_232, %get3A_233] {strides = array<i32>} : memref<2x128x16xf32, #tpu.memory_space<vmem>>, vector<1x1x16xf32>,
      %get3A_235 = vector.shape_cast %get3A_234 : vector<1x1x16xf32> to vector<16xf32>
      %mul3A_236 = arith.mulf %get3A_235, %broadcast_in_dim3A : vector<16xf32>
      %mul3A_237 = arith.constant 16 : i32
      %mul3A_238 = arith.muli %scan3A_219, %mul3A_237 : i32
      %add3A_239 = arith.constant 0 : i32
      %add3A_240 = arith.addi %mul3A_238, %add3A_239 : i32
      %swap3A = arith.constant 0 : i32
      %swap3A_241 = arith.index_cast %swap3A : i32 to index
      %swap3A_242 = arith.index_cast %add3A_240 : i32 to index
      %swap3A_243 = arith.constant 0 : index
      %swap3A_244 = tpu.vector_load %arg11[%swap3A_241, %swap3A_242, %swap3A_243] {strides = array<i32>} : memref<2x128x16xf32, #tpu.memory_space<vmem>>, vector<1x1x16xf32>,
      %swap3A_245 = vector.shape_cast %swap3A_244 : vector<1x1x16xf32> to vector<16xf32>
      %swap3A_246 = vector.shape_cast %mul3A_236 : vector<16xf32> to vector<1x1x16xf32>
      tpu.vector_store %arg11[%swap3A_241, %swap3A_242, %swap3A_243], %swap3A_246 {strides = array<i32>} : memref<2x128x16xf32, #tpu.memory_space<vmem>>, vector<1x1x16xf32>,
      %slice3A_247 = vector.extract_strided_slice %get3A_225 {offsets = [1], sizes = [1], strides = [1]} : vector<16xf32> to vector<1xf32>
      %squeeze3A_248 = vector.extract %slice3A_247[0] : f32 from vector<1xf32>
      %broadcast_in_dim3A_249 = vector.broadcast %squeeze3A_248 : f32 to vector<16xf32>
      %mul3A_250 = arith.constant 16 : i32
      %mul3A_251 = arith.muli %scan3A_219, %mul3A_250 : i32
      %add3A_252 = arith.constant 1 : i32
      %add3A_253 = arith.addi %mul3A_251, %add3A_252 : i32
      %get3A_254 = arith.constant 0 : i32
      %get3A_255 = arith.index_cast %get3A_254 : i32 to index
      %get3A_256 = arith.index_cast %add3A_253 : i32 to index
      %get3A_257 = arith.constant 0 : index
      %get3A_258 = tpu.vector_load %arg10[%get3A_255, %get3A_256, %get3A_257] {strides = array<i32>} : memref<2x128x16xf32, #tpu.memory_space<vmem>>, vector<1x1x16xf32>,
      %get3A_259 = vector.shape_cast %get3A_258 : vector<1x1x16xf32> to vector<16xf32>
      %mul3A_260 = arith.mulf %get3A_259, %broadcast_in_dim3A_249 : vector<16xf32>
      %mul3A_261 = arith.constant 16 : i32
      %mul3A_262 = arith.muli %scan3A_219, %mul3A_261 : i32
      %add3A_263 = arith.constant 1 : i32
      %add3A_264 = arith.addi %mul3A_262, %add3A_263 : i32
      %swap3A_265 = arith.constant 0 : i32
      %swap3A_266 = arith.index_cast %swap3A_265 : i32 to index
      %swap3A_267 = arith.index_cast %add3A_264 : i32 to index
      %swap3A_268 = arith.constant 0 : index
      %swap3A_269 = tpu.vector_load %arg11[%swap3A_266, %swap3A_267, %swap3A_268] {strides = array<i32>} : memref<2x128x16xf32, #tpu.memory_space<vmem>>, vector<1x1x16xf32>,
      %swap3A_270 = vector.shape_cast %swap3A_269 : vector<1x1x16xf32> to vector<16xf32>
      %swap3A_271 = vector.shape_cast %mul3A_260 : vector<16xf32> to vector<1x1x16xf32>
      tpu.vector_store %arg11[%swap3A_266, %swap3A_267, %swap3A_268], %swap3A_271 {strides = array<i32>} : memref<2x128x16xf32, #tpu.memory_space<vmem>>, vector<1x1x16xf32>,
      %slice3A_272 = vector.extract_strided_slice %get3A_225 {offsets = [2], sizes = [1], strides = [1]} : vector<16xf32> to vector<1xf32>
      %squeeze3A_273 = vector.extract %slice3A_272[0] : f32 from vector<1xf32>
      %broadcast_in_dim3A_274 = vector.broadcast %squeeze3A_273 : f32 to vector<16xf32>
      %mul3A_275 = arith.constant 16 : i32
      %mul3A_276 = arith.muli %scan3A_219, %mul3A_275 : i32
      %add3A_277 = arith.constant 2 : i32
      %add3A_278 = arith.addi %mul3A_276, %add3A_277 : i32
      %get3A_279 = arith.constant 0 : i32
      %get3A_280 = arith.index_cast %get3A_279 : i32 to index
      %get3A_281 = arith.index_cast %add3A_278 : i32 to index
      %get3A_282 = arith.constant 0 : index
      %get3A_283 = tpu.vector_load %arg10[%get3A_280, %get3A_281, %get3A_282] {strides = array<i32>} : memref<2x128x16xf32, #tpu.memory_space<vmem>>, vector<1x1x16xf32>,
      %get3A_284 = vector.shape_cast %get3A_283 : vector<1x1x16xf32> to vector<16xf32>
      %mul3A_285 = arith.mulf %get3A_284, %broadcast_in_dim3A_274 : vector<16xf32>
      %mul3A_286 = arith.constant 16 : i32
      %mul3A_287 = arith.muli %scan3A_219, %mul3A_286 : i32
      %add3A_288 = arith.constant 2 : i32
      %add3A_289 = arith.addi %mul3A_287, %add3A_288 : i32
      %swap3A_290 = arith.constant 0 : i32
      %swap3A_291 = arith.index_cast %swap3A_290 : i32 to index
      %swap3A_292 = arith.index_cast %add3A_289 : i32 to index
      %swap3A_293 = arith.constant 0 : index
      %swap3A_294 = tpu.vector_load %arg11[%swap3A_291, %swap3A_292, %swap3A_293] {strides = array<i32>} : memref<2x128x16xf32, #tpu.memory_space<vmem>>, vector<1x1x16xf32>,
      %swap3A_295 = vector.shape_cast %swap3A_294 : vector<1x1x16xf32> to vector<16xf32>
      %swap3A_296 = vector.shape_cast %mul3A_285 : vector<16xf32> to vector<1x1x16xf32>
      tpu.vector_store %arg11[%swap3A_291, %swap3A_292, %swap3A_293], %swap3A_296 {strides = array<i32>} : memref<2x128x16xf32, #tpu.memory_space<vmem>>, vector<1x1x16xf32>,
      %slice3A_297 = vector.extract_strided_slice %get3A_225 {offsets = [3], sizes = [1], strides = [1]} : vector<16xf32> to vector<1xf32>
      %squeeze3A_298 = vector.extract %slice3A_297[0] : f32 from vector<1xf32>
      %broadcast_in_dim3A_299 = vector.broadcast %squeeze3A_298 : f32 to vector<16xf32>
      %mul3A_300 = arith.constant 16 : i32
      %mul3A_301 = arith.muli %scan3A_219, %mul3A_300 : i32
      %add3A_302 = arith.constant 3 : i32
      %add3A_303 = arith.addi %mul3A_301, %add3A_302 : i32
      %get3A_304 = arith.constant 0 : i32
      %get3A_305 = arith.index_cast %get3A_304 : i32 to index
      %get3A_306 = arith.index_cast %add3A_303 : i32 to index
      %get3A_307 = arith.constant 0 : index
      %get3A_308 = tpu.vector_load %arg10[%get3A_305, %get3A_306, %get3A_307] {strides = array<i32>} : memref<2x128x16xf32, #tpu.memory_space<vmem>>, vector<1x1x16xf32>,
      %get3A_309 = vector.shape_cast %get3A_308 : vector<1x1x16xf32> to vector<16xf32>
      %mul3A_310 = arith.mulf %get3A_309, %broadcast_in_dim3A_299 : vector<16xf32>
      %mul3A_311 = arith.constant 16 : i32
      %mul3A_312 = arith.muli %scan3A_219, %mul3A_311 : i32
      %add3A_313 = arith.constant 3 : i32
      %add3A_314 = arith.addi %mul3A_312, %add3A_313 : i32
      %swap3A_315 = arith.constant 0 : i32
      %swap3A_316 = arith.index_cast %swap3A_315 : i32 to index
      %swap3A_317 = arith.index_cast %add3A_314 : i32 to index
      %swap3A_318 = arith.constant 0 : index
      %swap3A_319 = tpu.vector_load %arg11[%swap3A_316, %swap3A_317, %swap3A_318] {strides = array<i32>} : memref<2x128x16xf32, #tpu.memory_space<vmem>>, vector<1x1x16xf32>,
      %swap3A_320 = vector.shape_cast %swap3A_319 : vector<1x1x16xf32> to vector<16xf32>
      %swap3A_321 = vector.shape_cast %mul3A_310 : vector<16xf32> to vector<1x1x16xf32>
      tpu.vector_store %arg11[%swap3A_316, %swap3A_317, %swap3A_318], %swap3A_321 {strides = array<i32>} : memref<2x128x16xf32, #tpu.memory_space<vmem>>, vector<1x1x16xf32>,
      %slice3A_322 = vector.extract_strided_slice %get3A_225 {offsets = [4], sizes = [1], strides = [1]} : vector<16xf32> to vector<1xf32>
      %squeeze3A_323 = vector.extract %slice3A_322[0] : f32 from vector<1xf32>
      %broadcast_in_dim3A_324 = vector.broadcast %squeeze3A_323 : f32 to vector<16xf32>
      %mul3A_325 = arith.constant 16 : i32
      %mul3A_326 = arith.muli %scan3A_219, %mul3A_325 : i32
      %add3A_327 = arith.constant 4 : i32
      %add3A_328 = arith.addi %mul3A_326, %add3A_327 : i32
      %get3A_329 = arith.constant 0 : i32
      %get3A_330 = arith.index_cast %get3A_329 : i32 to index
      %get3A_331 = arith.index_cast %add3A_328 : i32 to index
      %get3A_332 = arith.constant 0 : index
      %get3A_333 = tpu.vector_load %arg10[%get3A_330, %get3A_331, %get3A_332] {strides = array<i32>} : memref<2x128x16xf32, #tpu.memory_space<vmem>>, vector<1x1x16xf32>,
      %get3A_334 = vector.shape_cast %get3A_333 : vector<1x1x16xf32> to vector<16xf32>
      %mul3A_335 = arith.mulf %get3A_334, %broadcast_in_dim3A_324 : vector<16xf32>
      %mul3A_336 = arith.constant 16 : i32
      %mul3A_337 = arith.muli %scan3A_219, %mul3A_336 : i32
      %add3A_338 = arith.constant 4 : i32
      %add3A_339 = arith.addi %mul3A_337, %add3A_338 : i32
      %swap3A_340 = arith.constant 0 : i32
      %swap3A_341 = arith.index_cast %swap3A_340 : i32 to index
      %swap3A_342 = arith.index_cast %add3A_339 : i32 to index
      %swap3A_343 = arith.constant 0 : index
      %swap3A_344 = tpu.vector_load %arg11[%swap3A_341, %swap3A_342, %swap3A_343] {strides = array<i32>} : memref<2x128x16xf32, #tpu.memory_space<vmem>>, vector<1x1x16xf32>,
      %swap3A_345 = vector.shape_cast %swap3A_344 : vector<1x1x16xf32> to vector<16xf32>
      %swap3A_346 = vector.shape_cast %mul3A_335 : vector<16xf32> to vector<1x1x16xf32>
      tpu.vector_store %arg11[%swap3A_341, %swap3A_342, %swap3A_343], %swap3A_346 {strides = array<i32>} : memref<2x128x16xf32, #tpu.memory_space<vmem>>, vector<1x1x16xf32>,
      %slice3A_347 = vector.extract_strided_slice %get3A_225 {offsets = [5], sizes = [1], strides = [1]} : vector<16xf32> to vector<1xf32>
      %squeeze3A_348 = vector.extract %slice3A_347[0] : f32 from vector<1xf32>
      %broadcast_in_dim3A_349 = vector.broadcast %squeeze3A_348 : f32 to vector<16xf32>
      %mul3A_350 = arith.constant 16 : i32
      %mul3A_351 = arith.muli %scan3A_219, %mul3A_350 : i32
      %add3A_352 = arith.constant 5 : i32
      %add3A_353 = arith.addi %mul3A_351, %add3A_352 : i32
      %get3A_354 = arith.constant 0 : i32
      %get3A_355 = arith.index_cast %get3A_354 : i32 to index
      %get3A_356 = arith.index_cast %add3A_353 : i32 to index
      %get3A_357 = arith.constant 0 : index
      %get3A_358 = tpu.vector_load %arg10[%get3A_355, %get3A_356, %get3A_357] {strides = array<i32>} : memref<2x128x16xf32, #tpu.memory_space<vmem>>, vector<1x1x16xf32>,
      %get3A_359 = vector.shape_cast %get3A_358 : vector<1x1x16xf32> to vector<16xf32>
      %mul3A_360 = arith.mulf %get3A_359, %broadcast_in_dim3A_349 : vector<16xf32>
      %mul3A_361 = arith.constant 16 : i32
      %mul3A_362 = arith.muli %scan3A_219, %mul3A_361 : i32
      %add3A_363 = arith.constant 5 : i32
      %add3A_364 = arith.addi %mul3A_362, %add3A_363 : i32
      %swap3A_365 = arith.constant 0 : i32
      %swap3A_366 = arith.index_cast %swap3A_365 : i32 to index
      %swap3A_367 = arith.index_cast %add3A_364 : i32 to index
      %swap3A_368 = arith.constant 0 : index
      %swap3A_369 = tpu.vector_load %arg11[%swap3A_366, %swap3A_367, %swap3A_368] {strides = array<i32>} : memref<2x128x16xf32, #tpu.memory_space<vmem>>, vector<1x1x16xf32>,
      %swap3A_370 = vector.shape_cast %swap3A_369 : vector<1x1x16xf32> to vector<16xf32>
      %swap3A_371 = vector.shape_cast %mul3A_360 : vector<16xf32> to vector<1x1x16xf32>
      tpu.vector_store %arg11[%swap3A_366, %swap3A_367, %swap3A_368], %swap3A_371 {strides = array<i32>} : memref<2x128x16xf32, #tpu.memory_space<vmem>>, vector<1x1x16xf32>,
      %slice3A_372 = vector.extract_strided_slice %get3A_225 {offsets = [6], sizes = [1], strides = [1]} : vector<16xf32> to vector<1xf32>
      %squeeze3A_373 = vector.extract %slice3A_372[0] : f32 from vector<1xf32>
      %broadcast_in_dim3A_374 = vector.broadcast %squeeze3A_373 : f32 to vector<16xf32>
      %mul3A_375 = arith.constant 16 : i32
      %mul3A_376 = arith.muli %scan3A_219, %mul3A_375 : i32
      %add3A_377 = arith.constant 6 : i32
      %add3A_378 = arith.addi %mul3A_376, %add3A_377 : i32
      %get3A_379 = arith.constant 0 : i32
      %get3A_380 = arith.index_cast %get3A_379 : i32 to index
      %get3A_381 = arith.index_cast %add3A_378 : i32 to index
      %get3A_382 = arith.constant 0 : index
      %get3A_383 = tpu.vector_load %arg10[%get3A_380, %get3A_381, %get3A_382] {strides = array<i32>} : memref<2x128x16xf32, #tpu.memory_space<vmem>>, vector<1x1x16xf32>,
      %get3A_384 = vector.shape_cast %get3A_383 : vector<1x1x16xf32> to vector<16xf32>
      %mul3A_385 = arith.mulf %get3A_384, %broadcast_in_dim3A_374 : vector<16xf32>
      %mul3A_386 = arith.constant 16 : i32
      %mul3A_387 = arith.muli %scan3A_219, %mul3A_386 : i32
      %add3A_388 = arith.constant 6 : i32
      %add3A_389 = arith.addi %mul3A_387, %add3A_388 : i32
      %swap3A_390 = arith.constant 0 : i32
      %swap3A_391 = arith.index_cast %swap3A_390 : i32 to index
      %swap3A_392 = arith.index_cast %add3A_389 : i32 to index
      %swap3A_393 = arith.constant 0 : index
      %swap3A_394 = tpu.vector_load %arg11[%swap3A_391, %swap3A_392, %swap3A_393] {strides = array<i32>} : memref<2x128x16xf32, #tpu.memory_space<vmem>>, vector<1x1x16xf32>,
      %swap3A_395 = vector.shape_cast %swap3A_394 : vector<1x1x16xf32> to vector<16xf32>
      %swap3A_396 = vector.shape_cast %mul3A_385 : vector<16xf32> to vector<1x1x16xf32>
      tpu.vector_store %arg11[%swap3A_391, %swap3A_392, %swap3A_393], %swap3A_396 {strides = array<i32>} : memref<2x128x16xf32, #tpu.memory_space<vmem>>, vector<1x1x16xf32>,
      %slice3A_397 = vector.extract_strided_slice %get3A_225 {offsets = [7], sizes = [1], strides = [1]} : vector<16xf32> to vector<1xf32>
      %squeeze3A_398 = vector.extract %slice3A_397[0] : f32 from vector<1xf32>
      %broadcast_in_dim3A_399 = vector.broadcast %squeeze3A_398 : f32 to vector<16xf32>
      %mul3A_400 = arith.constant 16 : i32
      %mul3A_401 = arith.muli %scan3A_219, %mul3A_400 : i32
      %add3A_402 = arith.constant 7 : i32
      %add3A_403 = arith.addi %mul3A_401, %add3A_402 : i32
      %get3A_404 = arith.constant 0 : i32
      %get3A_405 = arith.index_cast %get3A_404 : i32 to index
      %get3A_406 = arith.index_cast %add3A_403 : i32 to index
      %get3A_407 = arith.constant 0 : index
      %get3A_408 = tpu.vector_load %arg10[%get3A_405, %get3A_406, %get3A_407] {strides = array<i32>} : memref<2x128x16xf32, #tpu.memory_space<vmem>>, vector<1x1x16xf32>,
      %get3A_409 = vector.shape_cast %get3A_408 : vector<1x1x16xf32> to vector<16xf32>
      %mul3A_410 = arith.mulf %get3A_409, %broadcast_in_dim3A_399 : vector<16xf32>
      %mul3A_411 = arith.constant 16 : i32
      %mul3A_412 = arith.muli %scan3A_219, %mul3A_411 : i32
      %add3A_413 = arith.constant 7 : i32
      %add3A_414 = arith.addi %mul3A_412, %add3A_413 : i32
      %swap3A_415 = arith.constant 0 : i32
      %swap3A_416 = arith.index_cast %swap3A_415 : i32 to index
      %swap3A_417 = arith.index_cast %add3A_414 : i32 to index
      %swap3A_418 = arith.constant 0 : index
      %swap3A_419 = tpu.vector_load %arg11[%swap3A_416, %swap3A_417, %swap3A_418] {strides = array<i32>} : memref<2x128x16xf32, #tpu.memory_space<vmem>>, vector<1x1x16xf32>,
      %swap3A_420 = vector.shape_cast %swap3A_419 : vector<1x1x16xf32> to vector<16xf32>
      %swap3A_421 = vector.shape_cast %mul3A_410 : vector<16xf32> to vector<1x1x16xf32>
      tpu.vector_store %arg11[%swap3A_416, %swap3A_417, %swap3A_418], %swap3A_421 {strides = array<i32>} : memref<2x128x16xf32, #tpu.memory_space<vmem>>, vector<1x1x16xf32>,
      %slice3A_422 = vector.extract_strided_slice %get3A_225 {offsets = [8], sizes = [1], strides = [1]} : vector<16xf32> to vector<1xf32>
      %squeeze3A_423 = vector.extract %slice3A_422[0] : f32 from vector<1xf32>
      %broadcast_in_dim3A_424 = vector.broadcast %squeeze3A_423 : f32 to vector<16xf32>
      %mul3A_425 = arith.constant 16 : i32
      %mul3A_426 = arith.muli %scan3A_219, %mul3A_425 : i32
      %add3A_427 = arith.constant 8 : i32
      %add3A_428 = arith.addi %mul3A_426, %add3A_427 : i32
      %get3A_429 = arith.constant 0 : i32
      %get3A_430 = arith.index_cast %get3A_429 : i32 to index
      %get3A_431 = arith.index_cast %add3A_428 : i32 to index
      %get3A_432 = arith.constant 0 : index
      %get3A_433 = tpu.vector_load %arg10[%get3A_430, %get3A_431, %get3A_432] {strides = array<i32>} : memref<2x128x16xf32, #tpu.memory_space<vmem>>, vector<1x1x16xf32>,
      %get3A_434 = vector.shape_cast %get3A_433 : vector<1x1x16xf32> to vector<16xf32>
      %mul3A_435 = arith.mulf %get3A_434, %broadcast_in_dim3A_424 : vector<16xf32>
      %mul3A_436 = arith.constant 16 : i32
      %mul3A_437 = arith.muli %scan3A_219, %mul3A_436 : i32
      %add3A_438 = arith.constant 8 : i32
      %add3A_439 = arith.addi %mul3A_437, %add3A_438 : i32
      %swap3A_440 = arith.constant 0 : i32
      %swap3A_441 = arith.index_cast %swap3A_440 : i32 to index
      %swap3A_442 = arith.index_cast %add3A_439 : i32 to index
      %swap3A_443 = arith.constant 0 : index
      %swap3A_444 = tpu.vector_load %arg11[%swap3A_441, %swap3A_442, %swap3A_443] {strides = array<i32>} : memref<2x128x16xf32, #tpu.memory_space<vmem>>, vector<1x1x16xf32>,
      %swap3A_445 = vector.shape_cast %swap3A_444 : vector<1x1x16xf32> to vector<16xf32>
      %swap3A_446 = vector.shape_cast %mul3A_435 : vector<16xf32> to vector<1x1x16xf32>
      tpu.vector_store %arg11[%swap3A_441, %swap3A_442, %swap3A_443], %swap3A_446 {strides = array<i32>} : memref<2x128x16xf32, #tpu.memory_space<vmem>>, vector<1x1x16xf32>,
      %slice3A_447 = vector.extract_strided_slice %get3A_225 {offsets = [9], sizes = [1], strides = [1]} : vector<16xf32> to vector<1xf32>
      %squeeze3A_448 = vector.extract %slice3A_447[0] : f32 from vector<1xf32>
      %broadcast_in_dim3A_449 = vector.broadcast %squeeze3A_448 : f32 to vector<16xf32>
      %mul3A_450 = arith.constant 16 : i32
      %mul3A_451 = arith.muli %scan3A_219, %mul3A_450 : i32
      %add3A_452 = arith.constant 9 : i32
      %add3A_453 = arith.addi %mul3A_451, %add3A_452 : i32
      %get3A_454 = arith.constant 0 : i32
      %get3A_455 = arith.index_cast %get3A_454 : i32 to index
      %get3A_456 = arith.index_cast %add3A_453 : i32 to index
      %get3A_457 = arith.constant 0 : index
      %get3A_458 = tpu.vector_load %arg10[%get3A_455, %get3A_456, %get3A_457] {strides = array<i32>} : memref<2x128x16xf32, #tpu.memory_space<vmem>>, vector<1x1x16xf32>,
      %get3A_459 = vector.shape_cast %get3A_458 : vector<1x1x16xf32> to vector<16xf32>
      %mul3A_460 = arith.mulf %get3A_459, %broadcast_in_dim3A_449 : vector<16xf32>
      %mul3A_461 = arith.constant 16 : i32
      %mul3A_462 = arith.muli %scan3A_219, %mul3A_461 : i32
      %add3A_463 = arith.constant 9 : i32
      %add3A_464 = arith.addi %mul3A_462, %add3A_463 : i32
      %swap3A_465 = arith.constant 0 : i32
      %swap3A_466 = arith.index_cast %swap3A_465 : i32 to index
      %swap3A_467 = arith.index_cast %add3A_464 : i32 to index
      %swap3A_468 = arith.constant 0 : index
      %swap3A_469 = tpu.vector_load %arg11[%swap3A_466, %swap3A_467, %swap3A_468] {strides = array<i32>} : memref<2x128x16xf32, #tpu.memory_space<vmem>>, vector<1x1x16xf32>,
      %swap3A_470 = vector.shape_cast %swap3A_469 : vector<1x1x16xf32> to vector<16xf32>
      %swap3A_471 = vector.shape_cast %mul3A_460 : vector<16xf32> to vector<1x1x16xf32>
      tpu.vector_store %arg11[%swap3A_466, %swap3A_467, %swap3A_468], %swap3A_471 {strides = array<i32>} : memref<2x128x16xf32, #tpu.memory_space<vmem>>, vector<1x1x16xf32>,
      %slice3A_472 = vector.extract_strided_slice %get3A_225 {offsets = [10], sizes = [1], strides = [1]} : vector<16xf32> to vector<1xf32>
      %squeeze3A_473 = vector.extract %slice3A_472[0] : f32 from vector<1xf32>
      %broadcast_in_dim3A_474 = vector.broadcast %squeeze3A_473 : f32 to vector<16xf32>
      %mul3A_475 = arith.constant 16 : i32
      %mul3A_476 = arith.muli %scan3A_219, %mul3A_475 : i32
      %add3A_477 = arith.constant 10 : i32
      %add3A_478 = arith.addi %mul3A_476, %add3A_477 : i32
      %get3A_479 = arith.constant 0 : i32
      %get3A_480 = arith.index_cast %get3A_479 : i32 to index
      %get3A_481 = arith.index_cast %add3A_478 : i32 to index
      %get3A_482 = arith.constant 0 : index
      %get3A_483 = tpu.vector_load %arg10[%get3A_480, %get3A_481, %get3A_482] {strides = array<i32>} : memref<2x128x16xf32, #tpu.memory_space<vmem>>, vector<1x1x16xf32>,
      %get3A_484 = vector.shape_cast %get3A_483 : vector<1x1x16xf32> to vector<16xf32>
      %mul3A_485 = arith.mulf %get3A_484, %broadcast_in_dim3A_474 : vector<16xf32>
      %mul3A_486 = arith.constant 16 : i32
      %mul3A_487 = arith.muli %scan3A_219, %mul3A_486 : i32
      %add3A_488 = arith.constant 10 : i32
      %add3A_489 = arith.addi %mul3A_487, %add3A_488 : i32
      %swap3A_490 = arith.constant 0 : i32
      %swap3A_491 = arith.index_cast %swap3A_490 : i32 to index
      %swap3A_492 = arith.index_cast %add3A_489 : i32 to index
      %swap3A_493 = arith.constant 0 : index
      %swap3A_494 = tpu.vector_load %arg11[%swap3A_491, %swap3A_492, %swap3A_493] {strides = array<i32>} : memref<2x128x16xf32, #tpu.memory_space<vmem>>, vector<1x1x16xf32>,
      %swap3A_495 = vector.shape_cast %swap3A_494 : vector<1x1x16xf32> to vector<16xf32>
      %swap3A_496 = vector.shape_cast %mul3A_485 : vector<16xf32> to vector<1x1x16xf32>
      tpu.vector_store %arg11[%swap3A_491, %swap3A_492, %swap3A_493], %swap3A_496 {strides = array<i32>} : memref<2x128x16xf32, #tpu.memory_space<vmem>>, vector<1x1x16xf32>,
      %slice3A_497 = vector.extract_strided_slice %get3A_225 {offsets = [11], sizes = [1], strides = [1]} : vector<16xf32> to vector<1xf32>
      %squeeze3A_498 = vector.extract %slice3A_497[0] : f32 from vector<1xf32>
      %broadcast_in_dim3A_499 = vector.broadcast %squeeze3A_498 : f32 to vector<16xf32>
      %mul3A_500 = arith.constant 16 : i32
      %mul3A_501 = arith.muli %scan3A_219, %mul3A_500 : i32
      %add3A_502 = arith.constant 11 : i32
      %add3A_503 = arith.addi %mul3A_501, %add3A_502 : i32
      %get3A_504 = arith.constant 0 : i32
      %get3A_505 = arith.index_cast %get3A_504 : i32 to index
      %get3A_506 = arith.index_cast %add3A_503 : i32 to index
      %get3A_507 = arith.constant 0 : index
      %get3A_508 = tpu.vector_load %arg10[%get3A_505, %get3A_506, %get3A_507] {strides = array<i32>} : memref<2x128x16xf32, #tpu.memory_space<vmem>>, vector<1x1x16xf32>,
      %get3A_509 = vector.shape_cast %get3A_508 : vector<1x1x16xf32> to vector<16xf32>
      %mul3A_510 = arith.mulf %get3A_509, %broadcast_in_dim3A_499 : vector<16xf32>
      %mul3A_511 = arith.constant 16 : i32
      %mul3A_512 = arith.muli %scan3A_219, %mul3A_511 : i32
      %add3A_513 = arith.constant 11 : i32
      %add3A_514 = arith.addi %mul3A_512, %add3A_513 : i32
      %swap3A_515 = arith.constant 0 : i32
      %swap3A_516 = arith.index_cast %swap3A_515 : i32 to index
      %swap3A_517 = arith.index_cast %add3A_514 : i32 to index
      %swap3A_518 = arith.constant 0 : index
      %swap3A_519 = tpu.vector_load %arg11[%swap3A_516, %swap3A_517, %swap3A_518] {strides = array<i32>} : memref<2x128x16xf32, #tpu.memory_space<vmem>>, vector<1x1x16xf32>,
      %swap3A_520 = vector.shape_cast %swap3A_519 : vector<1x1x16xf32> to vector<16xf32>
      %swap3A_521 = vector.shape_cast %mul3A_510 : vector<16xf32> to vector<1x1x16xf32>
      tpu.vector_store %arg11[%swap3A_516, %swap3A_517, %swap3A_518], %swap3A_521 {strides = array<i32>} : memref<2x128x16xf32, #tpu.memory_space<vmem>>, vector<1x1x16xf32>,
      %slice3A_522 = vector.extract_strided_slice %get3A_225 {offsets = [12], sizes = [1], strides = [1]} : vector<16xf32> to vector<1xf32>
      %squeeze3A_523 = vector.extract %slice3A_522[0] : f32 from vector<1xf32>
      %broadcast_in_dim3A_524 = vector.broadcast %squeeze3A_523 : f32 to vector<16xf32>
      %mul3A_525 = arith.constant 16 : i32
      %mul3A_526 = arith.muli %scan3A_219, %mul3A_525 : i32
      %add3A_527 = arith.constant 12 : i32
      %add3A_528 = arith.addi %mul3A_526, %add3A_527 : i32
      %get3A_529 = arith.constant 0 : i32
      %get3A_530 = arith.index_cast %get3A_529 : i32 to index
      %get3A_531 = arith.index_cast %add3A_528 : i32 to index
      %get3A_532 = arith.constant 0 : index
      %get3A_533 = tpu.vector_load %arg10[%get3A_530, %get3A_531, %get3A_532] {strides = array<i32>} : memref<2x128x16xf32, #tpu.memory_space<vmem>>, vector<1x1x16xf32>,
      %get3A_534 = vector.shape_cast %get3A_533 : vector<1x1x16xf32> to vector<16xf32>
      %mul3A_535 = arith.mulf %get3A_534, %broadcast_in_dim3A_524 : vector<16xf32>
      %mul3A_536 = arith.constant 16 : i32
      %mul3A_537 = arith.muli %scan3A_219, %mul3A_536 : i32
      %add3A_538 = arith.constant 12 : i32
      %add3A_539 = arith.addi %mul3A_537, %add3A_538 : i32
      %swap3A_540 = arith.constant 0 : i32
      %swap3A_541 = arith.index_cast %swap3A_540 : i32 to index
      %swap3A_542 = arith.index_cast %add3A_539 : i32 to index
      %swap3A_543 = arith.constant 0 : index
      %swap3A_544 = tpu.vector_load %arg11[%swap3A_541, %swap3A_542, %swap3A_543] {strides = array<i32>} : memref<2x128x16xf32, #tpu.memory_space<vmem>>, vector<1x1x16xf32>,
      %swap3A_545 = vector.shape_cast %swap3A_544 : vector<1x1x16xf32> to vector<16xf32>
      %swap3A_546 = vector.shape_cast %mul3A_535 : vector<16xf32> to vector<1x1x16xf32>
      tpu.vector_store %arg11[%swap3A_541, %swap3A_542, %swap3A_543], %swap3A_546 {strides = array<i32>} : memref<2x128x16xf32, #tpu.memory_space<vmem>>, vector<1x1x16xf32>,
      %slice3A_547 = vector.extract_strided_slice %get3A_225 {offsets = [13], sizes = [1], strides = [1]} : vector<16xf32> to vector<1xf32>
      %squeeze3A_548 = vector.extract %slice3A_547[0] : f32 from vector<1xf32>
      %broadcast_in_dim3A_549 = vector.broadcast %squeeze3A_548 : f32 to vector<16xf32>
      %mul3A_550 = arith.constant 16 : i32
      %mul3A_551 = arith.muli %scan3A_219, %mul3A_550 : i32
      %add3A_552 = arith.constant 13 : i32
      %add3A_553 = arith.addi %mul3A_551, %add3A_552 : i32
      %get3A_554 = arith.constant 0 : i32
      %get3A_555 = arith.index_cast %get3A_554 : i32 to index
      %get3A_556 = arith.index_cast %add3A_553 : i32 to index
      %get3A_557 = arith.constant 0 : index
      %get3A_558 = tpu.vector_load %arg10[%get3A_555, %get3A_556, %get3A_557] {strides = array<i32>} : memref<2x128x16xf32, #tpu.memory_space<vmem>>, vector<1x1x16xf32>,
      %get3A_559 = vector.shape_cast %get3A_558 : vector<1x1x16xf32> to vector<16xf32>
      %mul3A_560 = arith.mulf %get3A_559, %broadcast_in_dim3A_549 : vector<16xf32>
      %mul3A_561 = arith.constant 16 : i32
      %mul3A_562 = arith.muli %scan3A_219, %mul3A_561 : i32
      %add3A_563 = arith.constant 13 : i32
      %add3A_564 = arith.addi %mul3A_562, %add3A_563 : i32
      %swap3A_565 = arith.constant 0 : i32
      %swap3A_566 = arith.index_cast %swap3A_565 : i32 to index
      %swap3A_567 = arith.index_cast %add3A_564 : i32 to index
      %swap3A_568 = arith.constant 0 : index
      %swap3A_569 = tpu.vector_load %arg11[%swap3A_566, %swap3A_567, %swap3A_568] {strides = array<i32>} : memref<2x128x16xf32, #tpu.memory_space<vmem>>, vector<1x1x16xf32>,
      %swap3A_570 = vector.shape_cast %swap3A_569 : vector<1x1x16xf32> to vector<16xf32>
      %swap3A_571 = vector.shape_cast %mul3A_560 : vector<16xf32> to vector<1x1x16xf32>
      tpu.vector_store %arg11[%swap3A_566, %swap3A_567, %swap3A_568], %swap3A_571 {strides = array<i32>} : memref<2x128x16xf32, #tpu.memory_space<vmem>>, vector<1x1x16xf32>,
      %slice3A_572 = vector.extract_strided_slice %get3A_225 {offsets = [14], sizes = [1], strides = [1]} : vector<16xf32> to vector<1xf32>
      %squeeze3A_573 = vector.extract %slice3A_572[0] : f32 from vector<1xf32>
      %broadcast_in_dim3A_574 = vector.broadcast %squeeze3A_573 : f32 to vector<16xf32>
      %mul3A_575 = arith.constant 16 : i32
      %mul3A_576 = arith.muli %scan3A_219, %mul3A_575 : i32
      %add3A_577 = arith.constant 14 : i32
      %add3A_578 = arith.addi %mul3A_576, %add3A_577 : i32
      %get3A_579 = arith.constant 0 : i32
      %get3A_580 = arith.index_cast %get3A_579 : i32 to index
      %get3A_581 = arith.index_cast %add3A_578 : i32 to index
      %get3A_582 = arith.constant 0 : index
      %get3A_583 = tpu.vector_load %arg10[%get3A_580, %get3A_581, %get3A_582] {strides = array<i32>} : memref<2x128x16xf32, #tpu.memory_space<vmem>>, vector<1x1x16xf32>,
      %get3A_584 = vector.shape_cast %get3A_583 : vector<1x1x16xf32> to vector<16xf32>
      %mul3A_585 = arith.mulf %get3A_584, %broadcast_in_dim3A_574 : vector<16xf32>
      %mul3A_586 = arith.constant 16 : i32
      %mul3A_587 = arith.muli %scan3A_219, %mul3A_586 : i32
      %add3A_588 = arith.constant 14 : i32
      %add3A_589 = arith.addi %mul3A_587, %add3A_588 : i32
      %swap3A_590 = arith.constant 0 : i32
      %swap3A_591 = arith.index_cast %swap3A_590 : i32 to index
      %swap3A_592 = arith.index_cast %add3A_589 : i32 to index
      %swap3A_593 = arith.constant 0 : index
      %swap3A_594 = tpu.vector_load %arg11[%swap3A_591, %swap3A_592, %swap3A_593] {strides = array<i32>} : memref<2x128x16xf32, #tpu.memory_space<vmem>>, vector<1x1x16xf32>,
      %swap3A_595 = vector.shape_cast %swap3A_594 : vector<1x1x16xf32> to vector<16xf32>
      %swap3A_596 = vector.shape_cast %mul3A_585 : vector<16xf32> to vector<1x1x16xf32>
      tpu.vector_store %arg11[%swap3A_591, %swap3A_592, %swap3A_593], %swap3A_596 {strides = array<i32>} : memref<2x128x16xf32, #tpu.memory_space<vmem>>, vector<1x1x16xf32>,
      %slice3A_597 = vector.extract_strided_slice %get3A_225 {offsets = [15], sizes = [1], strides = [1]} : vector<16xf32> to vector<1xf32>
      %squeeze3A_598 = vector.extract %slice3A_597[0] : f32 from vector<1xf32>
      %broadcast_in_dim3A_599 = vector.broadcast %squeeze3A_598 : f32 to vector<16xf32>
      %mul3A_600 = arith.constant 16 : i32
      %mul3A_601 = arith.muli %scan3A_219, %mul3A_600 : i32
      %add3A_602 = arith.constant 15 : i32
      %add3A_603 = arith.addi %mul3A_601, %add3A_602 : i32
      %get3A_604 = arith.constant 0 : i32
      %get3A_605 = arith.index_cast %get3A_604 : i32 to index
      %get3A_606 = arith.index_cast %add3A_603 : i32 to index
      %get3A_607 = arith.constant 0 : index
      %get3A_608 = tpu.vector_load %arg10[%get3A_605, %get3A_606, %get3A_607] {strides = array<i32>} : memref<2x128x16xf32, #tpu.memory_space<vmem>>, vector<1x1x16xf32>,
      %get3A_609 = vector.shape_cast %get3A_608 : vector<1x1x16xf32> to vector<16xf32>
      %mul3A_610 = arith.mulf %get3A_609, %broadcast_in_dim3A_599 : vector<16xf32>
      %mul3A_611 = arith.constant 16 : i32
      %mul3A_612 = arith.muli %scan3A_219, %mul3A_611 : i32
      %add3A_613 = arith.constant 15 : i32
      %add3A_614 = arith.addi %mul3A_612, %add3A_613 : i32
      %swap3A_615 = arith.constant 0 : i32
      %swap3A_616 = arith.index_cast %swap3A_615 : i32 to index
      %swap3A_617 = arith.index_cast %add3A_614 : i32 to index
      %swap3A_618 = arith.constant 0 : index
      %swap3A_619 = tpu.vector_load %arg11[%swap3A_616, %swap3A_617, %swap3A_618] {strides = array<i32>} : memref<2x128x16xf32, #tpu.memory_space<vmem>>, vector<1x1x16xf32>,
      %swap3A_620 = vector.shape_cast %swap3A_619 : vector<1x1x16xf32> to vector<16xf32>
      %swap3A_621 = vector.shape_cast %mul3A_610 : vector<16xf32> to vector<1x1x16xf32>
      tpu.vector_store %arg11[%swap3A_616, %swap3A_617, %swap3A_618], %swap3A_621 {strides = array<i32>} : memref<2x128x16xf32, #tpu.memory_space<vmem>>, vector<1x1x16xf32>,
    }
    %scan3A_129 = arith.constant 8 : i32
    %dma_start3A_130 = arith.constant 0 : i32
    %dma_start3A_131 = arith.constant 0 : i32
    %dma_start3A_132 = arith.constant 0 : i32
    %dma_start3A_133 = arith.constant 0 : i32
    %dma_start3A_134 = tpu.memref_slice %arg11[%dma_start3A_130, %dma_start3A_132, %dma_start3A_133] : memref<2x128x16xf32, #tpu.memory_space<vmem>> -> memref<1x128x16xf32, #tpu.memory_space<vmem>>
    %dma_start3A_135 = tpu.memref_squeeze %dma_start3A_134 : memref<1x128x16xf32, #tpu.memory_space<vmem>> -> memref<128x16xf32, #tpu.memory_space<vmem>>
    %dma_start3A_136 = arith.constant 0 : i32
    %dma_start3A_137 = tpu.memref_slice %arg8[%dma_start3A_131, %dma_start3A_136] : memref<80x128xi32, #tpu.memory_space<vmem>> -> memref<1x128xi32, #tpu.memory_space<vmem>>
    %dma_start3A_138 = tpu.memref_squeeze %dma_start3A_137 : memref<1x128xi32, #tpu.memory_space<vmem>> -> memref<128xi32, #tpu.memory_space<vmem>>
    %dma_start3A_139 = arith.constant 0 : i32
    %dma_start3A_140 = arith.constant 0 : i32
    %dma_start3A_141 = tpu.memref_slice %arg13[%dma_start3A_139, %dma_start3A_140] : memref<10112x16xf32, #tpu.memory_space<vmem_shared>> -> memref<10112x16xf32, #tpu.memory_space<vmem_shared>>
    tpu.enqueue_indirect_dma source(%dma_start3A_135 : memref<128x16xf32, #tpu.memory_space<vmem>>) target(%dma_start3A_141 : memref<10112x16xf32, #tpu.memory_space<vmem_shared>>) offsets(%dma_start3A_138 : memref<128xi32, #tpu.memory_space<vmem>>) semaphore(%arg16 : memref<!tpu.dma_semaphore, #tpu.memory_space<semaphore_mem>>) {add = true}
    %dma_start3A_142 = arith.constant 2 : i32
    %dma_start3A_143 = arith.constant 0 : i32
    %dma_start3A_144 = arith.constant 0 : i32
    %dma_start3A_145 = arith.constant 0 : i32
    %dma_start3A_146 = tpu.memref_slice %arg10[%dma_start3A_143, %dma_start3A_144, %dma_start3A_145] : memref<2x128x16xf32, #tpu.memory_space<vmem>> -> memref<1x128x16xf32, #tpu.memory_space<vmem>>
    %dma_start3A_147 = tpu.memref_squeeze %dma_start3A_146 : memref<1x128x16xf32, #tpu.memory_space<vmem>> -> memref<128x16xf32, #tpu.memory_space<vmem>>
    %dma_start3A_148 = arith.constant 0 : i32
    %dma_start3A_149 = tpu.memref_slice %arg7[%dma_start3A_142, %dma_start3A_148] : memref<80x128xi32, #tpu.memory_space<vmem>> -> memref<1x128xi32, #tpu.memory_space<vmem>>
    %dma_start3A_150 = tpu.memref_squeeze %dma_start3A_149 : memref<1x128xi32, #tpu.memory_space<vmem>> -> memref<128xi32, #tpu.memory_space<vmem>>
    %dma_start3A_151 = arith.constant 0 : i32
    %dma_start3A_152 = arith.constant 0 : i32
    %dma_start3A_153 = tpu.memref_slice %arg12[%dma_start3A_151, %dma_start3A_152] : memref<10112x16xf32, #tpu.memory_space<vmem_shared>> -> memref<10112x16xf32, #tpu.memory_space<vmem_shared>>
    tpu.enqueue_indirect_dma source(%dma_start3A_153 : memref<10112x16xf32, #tpu.memory_space<vmem_shared>>) target(%dma_start3A_147 : memref<128x16xf32, #tpu.memory_space<vmem>>) offsets(%dma_start3A_150 : memref<128xi32, #tpu.memory_space<vmem>>) semaphore(%arg14 : memref<!tpu.dma_semaphore, #tpu.memory_space<semaphore_mem>>)
    %dma_wait3A_154 = arith.constant 1 : i32
    %dma_wait3A_155 = arith.constant 1 : i32
    %dma_wait3A_156 = arith.constant 0 : i32
    %dma_wait3A_157 = arith.constant 0 : i32
    %dma_wait3A_158 = tpu.memref_slice %arg10[%dma_wait3A_155, %dma_wait3A_156, %dma_wait3A_157] : memref<2x128x16xf32, #tpu.memory_space<vmem>> -> memref<1x128x16xf32, #tpu.memory_space<vmem>>
    %dma_wait3A_159 = tpu.memref_squeeze %dma_wait3A_158 : memref<1x128x16xf32, #tpu.memory_space<vmem>> -> memref<128x16xf32, #tpu.memory_space<vmem>>
    %dma_wait3A_160 = arith.constant 0 : i32
    %dma_wait3A_161 = tpu.memref_slice %arg7[%dma_wait3A_154, %dma_wait3A_160] : memref<80x128xi32, #tpu.memory_space<vmem>> -> memref<1x128xi32, #tpu.memory_space<vmem>>
    %dma_wait3A_162 = tpu.memref_squeeze %dma_wait3A_161 : memref<1x128xi32, #tpu.memory_space<vmem>> -> memref<128xi32, #tpu.memory_space<vmem>>
    %dma_wait3A_163 = arith.constant 0 : i32
    %dma_wait3A_164 = arith.constant 0 : i32
    %dma_wait3A_165 = tpu.memref_slice %arg12[%dma_wait3A_163, %dma_wait3A_164] : memref<10112x16xf32, #tpu.memory_space<vmem_shared>> -> memref<10112x16xf32, #tpu.memory_space<vmem_shared>>
    tpu.wait_indirect_dma semaphore(%arg15 : memref<!tpu.dma_semaphore, #tpu.memory_space<semaphore_mem>>) src(%dma_wait3A_165 : memref<10112x16xf32, #tpu.memory_space<vmem_shared>>) dst(%dma_wait3A_159 : memref<128x16xf32, #tpu.memory_space<vmem>>)
    %scan3A_166 = arith.constant 0 : i32
    %scan3A_167 = arith.constant 0 : i32
    %scan3A_168 = arith.constant 8 : i32
    %scan3A_169 = arith.addi %scan3A_167, %scan3A_168 : i32
    %scan3A_170 = arith.constant 1 : i32
    scf.for %scan3A_219 = %scan3A_167 to %scan3A_169 step %scan3A_170  : i32 {
      %mul3A_220 = arith.constant 16 : i32
      %mul3A_221 = arith.muli %scan3A_219, %mul3A_220 : i32
      %get3A = arith.constant 1 : i32
      %get3A_222 = arith.index_cast %get3A : i32 to index
      %get3A_223 = arith.index_cast %mul3A_221 : i32 to index
      %get3A_224 = tpu.vector_load %arg9[%get3A_222, %get3A_223] {strides = array<i32>} : memref<80x128xf32, #tpu.memory_space<vmem>>, vector<1x16xf32>,
      %get3A_225 = vector.shape_cast %get3A_224 : vector<1x16xf32> to vector<16xf32>
      %slice3A = vector.extract_strided_slice %get3A_225 {offsets = [0], sizes = [1], strides = [1]} : vector<16xf32> to vector<1xf32>
      %squeeze3A = vector.extract %slice3A[0] : f32 from vector<1xf32>
      %broadcast_in_dim3A = vector.broadcast %squeeze3A : f32 to vector<16xf32>
      %mul3A_226 = arith.constant 16 : i32
      %mul3A_227 = arith.muli %scan3A_219, %mul3A_226 : i32
      %add3A_228 = arith.constant 0 : i32
      %add3A_229 = arith.addi %mul3A_227, %add3A_228 : i32
      %get3A_230 = arith.constant 1 : i32
      %get3A_231 = arith.index_cast %get3A_230 : i32 to index
      %get3A_232 = arith.index_cast %add3A_229 : i32 to index
      %get3A_233 = arith.constant 0 : index
      %get3A_234 = tpu.vector_load %arg10[%get3A_231, %get3A_232, %get3A_233] {strides = array<i32>} : memref<2x128x16xf32, #tpu.memory_space<vmem>>, vector<1x1x16xf32>,
      %get3A_235 = vector.shape_cast %get3A_234 : vector<1x1x16xf32> to vector<16xf32>
      %mul3A_236 = arith.mulf %get3A_235, %broadcast_in_dim3A : vector<16xf32>
      %mul3A_237 = arith.constant 16 : i32
      %mul3A_238 = arith.muli %scan3A_219, %mul3A_237 : i32
      %add3A_239 = arith.constant 0 : i32
      %add3A_240 = arith.addi %mul3A_238, %add3A_239 : i32
      %swap3A = arith.constant 1 : i32
      %swap3A_241 = arith.index_cast %swap3A : i32 to index
      %swap3A_242 = arith.index_cast %add3A_240 : i32 to index
      %swap3A_243 = arith.constant 0 : index
      %swap3A_244 = tpu.vector_load %arg11[%swap3A_241, %swap3A_242, %swap3A_243] {strides = array<i32>} : memref<2x128x16xf32, #tpu.memory_space<vmem>>, vector<1x1x16xf32>,
      %swap3A_245 = vector.shape_cast %swap3A_244 : vector<1x1x16xf32> to vector<16xf32>
      %swap3A_246 = vector.shape_cast %mul3A_236 : vector<16xf32> to vector<1x1x16xf32>
      tpu.vector_store %arg11[%swap3A_241, %swap3A_242, %swap3A_243], %swap3A_246 {strides = array<i32>} : memref<2x128x16xf32, #tpu.memory_space<vmem>>, vector<1x1x16xf32>,
      %slice3A_247 = vector.extract_strided_slice %get3A_225 {offsets = [1], sizes = [1], strides = [1]} : vector<16xf32> to vector<1xf32>
      %squeeze3A_248 = vector.extract %slice3A_247[0] : f32 from vector<1xf32>
      %broadcast_in_dim3A_249 = vector.broadcast %squeeze3A_248 : f32 to vector<16xf32>
      %mul3A_250 = arith.constant 16 : i32
      %mul3A_251 = arith.muli %scan3A_219, %mul3A_250 : i32
      %add3A_252 = arith.constant 1 : i32
      %add3A_253 = arith.addi %mul3A_251, %add3A_252 : i32
      %get3A_254 = arith.constant 1 : i32
      %get3A_255 = arith.index_cast %get3A_254 : i32 to index
      %get3A_256 = arith.index_cast %add3A_253 : i32 to index
      %get3A_257 = arith.constant 0 : index
      %get3A_258 = tpu.vector_load %arg10[%get3A_255, %get3A_256, %get3A_257] {strides = array<i32>} : memref<2x128x16xf32, #tpu.memory_space<vmem>>, vector<1x1x16xf32>,
      %get3A_259 = vector.shape_cast %get3A_258 : vector<1x1x16xf32> to vector<16xf32>
      %mul3A_260 = arith.mulf %get3A_259, %broadcast_in_dim3A_249 : vector<16xf32>
      %mul3A_261 = arith.constant 16 : i32
      %mul3A_262 = arith.muli %scan3A_219, %mul3A_261 : i32
      %add3A_263 = arith.constant 1 : i32
      %add3A_264 = arith.addi %mul3A_262, %add3A_263 : i32
      %swap3A_265 = arith.constant 1 : i32
      %swap3A_266 = arith.index_cast %swap3A_265 : i32 to index
      %swap3A_267 = arith.index_cast %add3A_264 : i32 to index
      %swap3A_268 = arith.constant 0 : index
      %swap3A_269 = tpu.vector_load %arg11[%swap3A_266, %swap3A_267, %swap3A_268] {strides = array<i32>} : memref<2x128x16xf32, #tpu.memory_space<vmem>>, vector<1x1x16xf32>,
      %swap3A_270 = vector.shape_cast %swap3A_269 : vector<1x1x16xf32> to vector<16xf32>
      %swap3A_271 = vector.shape_cast %mul3A_260 : vector<16xf32> to vector<1x1x16xf32>
      tpu.vector_store %arg11[%swap3A_266, %swap3A_267, %swap3A_268], %swap3A_271 {strides = array<i32>} : memref<2x128x16xf32, #tpu.memory_space<vmem>>, vector<1x1x16xf32>,
      %slice3A_272 = vector.extract_strided_slice %get3A_225 {offsets = [2], sizes = [1], strides = [1]} : vector<16xf32> to vector<1xf32>
      %squeeze3A_273 = vector.extract %slice3A_272[0] : f32 from vector<1xf32>
      %broadcast_in_dim3A_274 = vector.broadcast %squeeze3A_273 : f32 to vector<16xf32>
      %mul3A_275 = arith.constant 16 : i32
      %mul3A_276 = arith.muli %scan3A_219, %mul3A_275 : i32
      %add3A_277 = arith.constant 2 : i32
      %add3A_278 = arith.addi %mul3A_276, %add3A_277 : i32
      %get3A_279 = arith.constant 1 : i32
      %get3A_280 = arith.index_cast %get3A_279 : i32 to index
      %get3A_281 = arith.index_cast %add3A_278 : i32 to index
      %get3A_282 = arith.constant 0 : index
      %get3A_283 = tpu.vector_load %arg10[%get3A_280, %get3A_281, %get3A_282] {strides = array<i32>} : memref<2x128x16xf32, #tpu.memory_space<vmem>>, vector<1x1x16xf32>,
      %get3A_284 = vector.shape_cast %get3A_283 : vector<1x1x16xf32> to vector<16xf32>
      %mul3A_285 = arith.mulf %get3A_284, %broadcast_in_dim3A_274 : vector<16xf32>
      %mul3A_286 = arith.constant 16 : i32
      %mul3A_287 = arith.muli %scan3A_219, %mul3A_286 : i32
      %add3A_288 = arith.constant 2 : i32
      %add3A_289 = arith.addi %mul3A_287, %add3A_288 : i32
      %swap3A_290 = arith.constant 1 : i32
      %swap3A_291 = arith.index_cast %swap3A_290 : i32 to index
      %swap3A_292 = arith.index_cast %add3A_289 : i32 to index
      %swap3A_293 = arith.constant 0 : index
      %swap3A_294 = tpu.vector_load %arg11[%swap3A_291, %swap3A_292, %swap3A_293] {strides = array<i32>} : memref<2x128x16xf32, #tpu.memory_space<vmem>>, vector<1x1x16xf32>,
      %swap3A_295 = vector.shape_cast %swap3A_294 : vector<1x1x16xf32> to vector<16xf32>
      %swap3A_296 = vector.shape_cast %mul3A_285 : vector<16xf32> to vector<1x1x16xf32>
      tpu.vector_store %arg11[%swap3A_291, %swap3A_292, %swap3A_293], %swap3A_296 {strides = array<i32>} : memref<2x128x16xf32, #tpu.memory_space<vmem>>, vector<1x1x16xf32>,
      %slice3A_297 = vector.extract_strided_slice %get3A_225 {offsets = [3], sizes = [1], strides = [1]} : vector<16xf32> to vector<1xf32>
      %squeeze3A_298 = vector.extract %slice3A_297[0] : f32 from vector<1xf32>
      %broadcast_in_dim3A_299 = vector.broadcast %squeeze3A_298 : f32 to vector<16xf32>
      %mul3A_300 = arith.constant 16 : i32
      %mul3A_301 = arith.muli %scan3A_219, %mul3A_300 : i32
      %add3A_302 = arith.constant 3 : i32
      %add3A_303 = arith.addi %mul3A_301, %add3A_302 : i32
      %get3A_304 = arith.constant 1 : i32
      %get3A_305 = arith.index_cast %get3A_304 : i32 to index
      %get3A_306 = arith.index_cast %add3A_303 : i32 to index
      %get3A_307 = arith.constant 0 : index
      %get3A_308 = tpu.vector_load %arg10[%get3A_305, %get3A_306, %get3A_307] {strides = array<i32>} : memref<2x128x16xf32, #tpu.memory_space<vmem>>, vector<1x1x16xf32>,
      %get3A_309 = vector.shape_cast %get3A_308 : vector<1x1x16xf32> to vector<16xf32>
      %mul3A_310 = arith.mulf %get3A_309, %broadcast_in_dim3A_299 : vector<16xf32>
      %mul3A_311 = arith.constant 16 : i32
      %mul3A_312 = arith.muli %scan3A_219, %mul3A_311 : i32
      %add3A_313 = arith.constant 3 : i32
      %add3A_314 = arith.addi %mul3A_312, %add3A_313 : i32
      %swap3A_315 = arith.constant 1 : i32
      %swap3A_316 = arith.index_cast %swap3A_315 : i32 to index
      %swap3A_317 = arith.index_cast %add3A_314 : i32 to index
      %swap3A_318 = arith.constant 0 : index
      %swap3A_319 = tpu.vector_load %arg11[%swap3A_316, %swap3A_317, %swap3A_318] {strides = array<i32>} : memref<2x128x16xf32, #tpu.memory_space<vmem>>, vector<1x1x16xf32>,
      %swap3A_320 = vector.shape_cast %swap3A_319 : vector<1x1x16xf32> to vector<16xf32>
      %swap3A_321 = vector.shape_cast %mul3A_310 : vector<16xf32> to vector<1x1x16xf32>
      tpu.vector_store %arg11[%swap3A_316, %swap3A_317, %swap3A_318], %swap3A_321 {strides = array<i32>} : memref<2x128x16xf32, #tpu.memory_space<vmem>>, vector<1x1x16xf32>,
      %slice3A_322 = vector.extract_strided_slice %get3A_225 {offsets = [4], sizes = [1], strides = [1]} : vector<16xf32> to vector<1xf32>
      %squeeze3A_323 = vector.extract %slice3A_322[0] : f32 from vector<1xf32>
      %broadcast_in_dim3A_324 = vector.broadcast %squeeze3A_323 : f32 to vector<16xf32>
      %mul3A_325 = arith.constant 16 : i32
      %mul3A_326 = arith.muli %scan3A_219, %mul3A_325 : i32
      %add3A_327 = arith.constant 4 : i32
      %add3A_328 = arith.addi %mul3A_326, %add3A_327 : i32
      %get3A_329 = arith.constant 1 : i32
      %get3A_330 = arith.index_cast %get3A_329 : i32 to index
      %get3A_331 = arith.index_cast %add3A_328 : i32 to index
      %get3A_332 = arith.constant 0 : index
      %get3A_333 = tpu.vector_load %arg10[%get3A_330, %get3A_331, %get3A_332] {strides = array<i32>} : memref<2x128x16xf32, #tpu.memory_space<vmem>>, vector<1x1x16xf32>,
      %get3A_334 = vector.shape_cast %get3A_333 : vector<1x1x16xf32> to vector<16xf32>
      %mul3A_335 = arith.mulf %get3A_334, %broadcast_in_dim3A_324 : vector<16xf32>
      %mul3A_336 = arith.constant 16 : i32
      %mul3A_337 = arith.muli %scan3A_219, %mul3A_336 : i32
      %add3A_338 = arith.constant 4 : i32
      %add3A_339 = arith.addi %mul3A_337, %add3A_338 : i32
      %swap3A_340 = arith.constant 1 : i32
      %swap3A_341 = arith.index_cast %swap3A_340 : i32 to index
      %swap3A_342 = arith.index_cast %add3A_339 : i32 to index
      %swap3A_343 = arith.constant 0 : index
      %swap3A_344 = tpu.vector_load %arg11[%swap3A_341, %swap3A_342, %swap3A_343] {strides = array<i32>} : memref<2x128x16xf32, #tpu.memory_space<vmem>>, vector<1x1x16xf32>,
      %swap3A_345 = vector.shape_cast %swap3A_344 : vector<1x1x16xf32> to vector<16xf32>
      %swap3A_346 = vector.shape_cast %mul3A_335 : vector<16xf32> to vector<1x1x16xf32>
      tpu.vector_store %arg11[%swap3A_341, %swap3A_342, %swap3A_343], %swap3A_346 {strides = array<i32>} : memref<2x128x16xf32, #tpu.memory_space<vmem>>, vector<1x1x16xf32>,
      %slice3A_347 = vector.extract_strided_slice %get3A_225 {offsets = [5], sizes = [1], strides = [1]} : vector<16xf32> to vector<1xf32>
      %squeeze3A_348 = vector.extract %slice3A_347[0] : f32 from vector<1xf32>
      %broadcast_in_dim3A_349 = vector.broadcast %squeeze3A_348 : f32 to vector<16xf32>
      %mul3A_350 = arith.constant 16 : i32
      %mul3A_351 = arith.muli %scan3A_219, %mul3A_350 : i32
      %add3A_352 = arith.constant 5 : i32
      %add3A_353 = arith.addi %mul3A_351, %add3A_352 : i32
      %get3A_354 = arith.constant 1 : i32
      %get3A_355 = arith.index_cast %get3A_354 : i32 to index
      %get3A_356 = arith.index_cast %add3A_353 : i32 to index
      %get3A_357 = arith.constant 0 : index
      %get3A_358 = tpu.vector_load %arg10[%get3A_355, %get3A_356, %get3A_357] {strides = array<i32>} : memref<2x128x16xf32, #tpu.memory_space<vmem>>, vector<1x1x16xf32>,
      %get3A_359 = vector.shape_cast %get3A_358 : vector<1x1x16xf32> to vector<16xf32>
      %mul3A_360 = arith.mulf %get3A_359, %broadcast_in_dim3A_349 : vector<16xf32>
      %mul3A_361 = arith.constant 16 : i32
      %mul3A_362 = arith.muli %scan3A_219, %mul3A_361 : i32
      %add3A_363 = arith.constant 5 : i32
      %add3A_364 = arith.addi %mul3A_362, %add3A_363 : i32
      %swap3A_365 = arith.constant 1 : i32
      %swap3A_366 = arith.index_cast %swap3A_365 : i32 to index
      %swap3A_367 = arith.index_cast %add3A_364 : i32 to index
      %swap3A_368 = arith.constant 0 : index
      %swap3A_369 = tpu.vector_load %arg11[%swap3A_366, %swap3A_367, %swap3A_368] {strides = array<i32>} : memref<2x128x16xf32, #tpu.memory_space<vmem>>, vector<1x1x16xf32>,
      %swap3A_370 = vector.shape_cast %swap3A_369 : vector<1x1x16xf32> to vector<16xf32>
      %swap3A_371 = vector.shape_cast %mul3A_360 : vector<16xf32> to vector<1x1x16xf32>
      tpu.vector_store %arg11[%swap3A_366, %swap3A_367, %swap3A_368], %swap3A_371 {strides = array<i32>} : memref<2x128x16xf32, #tpu.memory_space<vmem>>, vector<1x1x16xf32>,
      %slice3A_372 = vector.extract_strided_slice %get3A_225 {offsets = [6], sizes = [1], strides = [1]} : vector<16xf32> to vector<1xf32>
      %squeeze3A_373 = vector.extract %slice3A_372[0] : f32 from vector<1xf32>
      %broadcast_in_dim3A_374 = vector.broadcast %squeeze3A_373 : f32 to vector<16xf32>
      %mul3A_375 = arith.constant 16 : i32
      %mul3A_376 = arith.muli %scan3A_219, %mul3A_375 : i32
      %add3A_377 = arith.constant 6 : i32
      %add3A_378 = arith.addi %mul3A_376, %add3A_377 : i32
      %get3A_379 = arith.constant 1 : i32
      %get3A_380 = arith.index_cast %get3A_379 : i32 to index
      %get3A_381 = arith.index_cast %add3A_378 : i32 to index
      %get3A_382 = arith.constant 0 : index
      %get3A_383 = tpu.vector_load %arg10[%get3A_380, %get3A_381, %get3A_382] {strides = array<i32>} : memref<2x128x16xf32, #tpu.memory_space<vmem>>, vector<1x1x16xf32>,
      %get3A_384 = vector.shape_cast %get3A_383 : vector<1x1x16xf32> to vector<16xf32>
      %mul3A_385 = arith.mulf %get3A_384, %broadcast_in_dim3A_374 : vector<16xf32>
      %mul3A_386 = arith.constant 16 : i32
      %mul3A_387 = arith.muli %scan3A_219, %mul3A_386 : i32
      %add3A_388 = arith.constant 6 : i32
      %add3A_389 = arith.addi %mul3A_387, %add3A_388 : i32
      %swap3A_390 = arith.constant 1 : i32
      %swap3A_391 = arith.index_cast %swap3A_390 : i32 to index
      %swap3A_392 = arith.index_cast %add3A_389 : i32 to index
      %swap3A_393 = arith.constant 0 : index
      %swap3A_394 = tpu.vector_load %arg11[%swap3A_391, %swap3A_392, %swap3A_393] {strides = array<i32>} : memref<2x128x16xf32, #tpu.memory_space<vmem>>, vector<1x1x16xf32>,
      %swap3A_395 = vector.shape_cast %swap3A_394 : vector<1x1x16xf32> to vector<16xf32>
      %swap3A_396 = vector.shape_cast %mul3A_385 : vector<16xf32> to vector<1x1x16xf32>
      tpu.vector_store %arg11[%swap3A_391, %swap3A_392, %swap3A_393], %swap3A_396 {strides = array<i32>} : memref<2x128x16xf32, #tpu.memory_space<vmem>>, vector<1x1x16xf32>,
      %slice3A_397 = vector.extract_strided_slice %get3A_225 {offsets = [7], sizes = [1], strides = [1]} : vector<16xf32> to vector<1xf32>
      %squeeze3A_398 = vector.extract %slice3A_397[0] : f32 from vector<1xf32>
      %broadcast_in_dim3A_399 = vector.broadcast %squeeze3A_398 : f32 to vector<16xf32>
      %mul3A_400 = arith.constant 16 : i32
      %mul3A_401 = arith.muli %scan3A_219, %mul3A_400 : i32
      %add3A_402 = arith.constant 7 : i32
      %add3A_403 = arith.addi %mul3A_401, %add3A_402 : i32
      %get3A_404 = arith.constant 1 : i32
      %get3A_405 = arith.index_cast %get3A_404 : i32 to index
      %get3A_406 = arith.index_cast %add3A_403 : i32 to index
      %get3A_407 = arith.constant 0 : index
      %get3A_408 = tpu.vector_load %arg10[%get3A_405, %get3A_406, %get3A_407] {strides = array<i32>} : memref<2x128x16xf32, #tpu.memory_space<vmem>>, vector<1x1x16xf32>,
      %get3A_409 = vector.shape_cast %get3A_408 : vector<1x1x16xf32> to vector<16xf32>
      %mul3A_410 = arith.mulf %get3A_409, %broadcast_in_dim3A_399 : vector<16xf32>
      %mul3A_411 = arith.constant 16 : i32
      %mul3A_412 = arith.muli %scan3A_219, %mul3A_411 : i32
      %add3A_413 = arith.constant 7 : i32
      %add3A_414 = arith.addi %mul3A_412, %add3A_413 : i32
      %swap3A_415 = arith.constant 1 : i32
      %swap3A_416 = arith.index_cast %swap3A_415 : i32 to index
      %swap3A_417 = arith.index_cast %add3A_414 : i32 to index
      %swap3A_418 = arith.constant 0 : index
      %swap3A_419 = tpu.vector_load %arg11[%swap3A_416, %swap3A_417, %swap3A_418] {strides = array<i32>} : memref<2x128x16xf32, #tpu.memory_space<vmem>>, vector<1x1x16xf32>,
      %swap3A_420 = vector.shape_cast %swap3A_419 : vector<1x1x16xf32> to vector<16xf32>
      %swap3A_421 = vector.shape_cast %mul3A_410 : vector<16xf32> to vector<1x1x16xf32>
      tpu.vector_store %arg11[%swap3A_416, %swap3A_417, %swap3A_418], %swap3A_421 {strides = array<i32>} : memref<2x128x16xf32, #tpu.memory_space<vmem>>, vector<1x1x16xf32>,
      %slice3A_422 = vector.extract_strided_slice %get3A_225 {offsets = [8], sizes = [1], strides = [1]} : vector<16xf32> to vector<1xf32>
      %squeeze3A_423 = vector.extract %slice3A_422[0] : f32 from vector<1xf32>
      %broadcast_in_dim3A_424 = vector.broadcast %squeeze3A_423 : f32 to vector<16xf32>
      %mul3A_425 = arith.constant 16 : i32
      %mul3A_426 = arith.muli %scan3A_219, %mul3A_425 : i32
      %add3A_427 = arith.constant 8 : i32
      %add3A_428 = arith.addi %mul3A_426, %add3A_427 : i32
      %get3A_429 = arith.constant 1 : i32
      %get3A_430 = arith.index_cast %get3A_429 : i32 to index
      %get3A_431 = arith.index_cast %add3A_428 : i32 to index
      %get3A_432 = arith.constant 0 : index
      %get3A_433 = tpu.vector_load %arg10[%get3A_430, %get3A_431, %get3A_432] {strides = array<i32>} : memref<2x128x16xf32, #tpu.memory_space<vmem>>, vector<1x1x16xf32>,
      %get3A_434 = vector.shape_cast %get3A_433 : vector<1x1x16xf32> to vector<16xf32>
      %mul3A_435 = arith.mulf %get3A_434, %broadcast_in_dim3A_424 : vector<16xf32>
      %mul3A_436 = arith.constant 16 : i32
      %mul3A_437 = arith.muli %scan3A_219, %mul3A_436 : i32
      %add3A_438 = arith.constant 8 : i32
      %add3A_439 = arith.addi %mul3A_437, %add3A_438 : i32
      %swap3A_440 = arith.constant 1 : i32
      %swap3A_441 = arith.index_cast %swap3A_440 : i32 to index
      %swap3A_442 = arith.index_cast %add3A_439 : i32 to index
      %swap3A_443 = arith.constant 0 : index
      %swap3A_444 = tpu.vector_load %arg11[%swap3A_441, %swap3A_442, %swap3A_443] {strides = array<i32>} : memref<2x128x16xf32, #tpu.memory_space<vmem>>, vector<1x1x16xf32>,
      %swap3A_445 = vector.shape_cast %swap3A_444 : vector<1x1x16xf32> to vector<16xf32>
      %swap3A_446 = vector.shape_cast %mul3A_435 : vector<16xf32> to vector<1x1x16xf32>
      tpu.vector_store %arg11[%swap3A_441, %swap3A_442, %swap3A_443], %swap3A_446 {strides = array<i32>} : memref<2x128x16xf32, #tpu.memory_space<vmem>>, vector<1x1x16xf32>,
      %slice3A_447 = vector.extract_strided_slice %get3A_225 {offsets = [9], sizes = [1], strides = [1]} : vector<16xf32> to vector<1xf32>
      %squeeze3A_448 = vector.extract %slice3A_447[0] : f32 from vector<1xf32>
      %broadcast_in_dim3A_449 = vector.broadcast %squeeze3A_448 : f32 to vector<16xf32>
      %mul3A_450 = arith.constant 16 : i32
      %mul3A_451 = arith.muli %scan3A_219, %mul3A_450 : i32
      %add3A_452 = arith.constant 9 : i32
      %add3A_453 = arith.addi %mul3A_451, %add3A_452 : i32
      %get3A_454 = arith.constant 1 : i32
      %get3A_455 = arith.index_cast %get3A_454 : i32 to index
      %get3A_456 = arith.index_cast %add3A_453 : i32 to index
      %get3A_457 = arith.constant 0 : index
      %get3A_458 = tpu.vector_load %arg10[%get3A_455, %get3A_456, %get3A_457] {strides = array<i32>} : memref<2x128x16xf32, #tpu.memory_space<vmem>>, vector<1x1x16xf32>,
      %get3A_459 = vector.shape_cast %get3A_458 : vector<1x1x16xf32> to vector<16xf32>
      %mul3A_460 = arith.mulf %get3A_459, %broadcast_in_dim3A_449 : vector<16xf32>
      %mul3A_461 = arith.constant 16 : i32
      %mul3A_462 = arith.muli %scan3A_219, %mul3A_461 : i32
      %add3A_463 = arith.constant 9 : i32
      %add3A_464 = arith.addi %mul3A_462, %add3A_463 : i32
      %swap3A_465 = arith.constant 1 : i32
      %swap3A_466 = arith.index_cast %swap3A_465 : i32 to index
      %swap3A_467 = arith.index_cast %add3A_464 : i32 to index
      %swap3A_468 = arith.constant 0 : index
      %swap3A_469 = tpu.vector_load %arg11[%swap3A_466, %swap3A_467, %swap3A_468] {strides = array<i32>} : memref<2x128x16xf32, #tpu.memory_space<vmem>>, vector<1x1x16xf32>,
      %swap3A_470 = vector.shape_cast %swap3A_469 : vector<1x1x16xf32> to vector<16xf32>
      %swap3A_471 = vector.shape_cast %mul3A_460 : vector<16xf32> to vector<1x1x16xf32>
      tpu.vector_store %arg11[%swap3A_466, %swap3A_467, %swap3A_468], %swap3A_471 {strides = array<i32>} : memref<2x128x16xf32, #tpu.memory_space<vmem>>, vector<1x1x16xf32>,
      %slice3A_472 = vector.extract_strided_slice %get3A_225 {offsets = [10], sizes = [1], strides = [1]} : vector<16xf32> to vector<1xf32>
      %squeeze3A_473 = vector.extract %slice3A_472[0] : f32 from vector<1xf32>
      %broadcast_in_dim3A_474 = vector.broadcast %squeeze3A_473 : f32 to vector<16xf32>
      %mul3A_475 = arith.constant 16 : i32
      %mul3A_476 = arith.muli %scan3A_219, %mul3A_475 : i32
      %add3A_477 = arith.constant 10 : i32
      %add3A_478 = arith.addi %mul3A_476, %add3A_477 : i32
      %get3A_479 = arith.constant 1 : i32
      %get3A_480 = arith.index_cast %get3A_479 : i32 to index
      %get3A_481 = arith.index_cast %add3A_478 : i32 to index
      %get3A_482 = arith.constant 0 : index
      %get3A_483 = tpu.vector_load %arg10[%get3A_480, %get3A_481, %get3A_482] {strides = array<i32>} : memref<2x128x16xf32, #tpu.memory_space<vmem>>, vector<1x1x16xf32>,
      %get3A_484 = vector.shape_cast %get3A_483 : vector<1x1x16xf32> to vector<16xf32>
      %mul3A_485 = arith.mulf %get3A_484, %broadcast_in_dim3A_474 : vector<16xf32>
      %mul3A_486 = arith.constant 16 : i32
      %mul3A_487 = arith.muli %scan3A_219, %mul3A_486 : i32
      %add3A_488 = arith.constant 10 : i32
      %add3A_489 = arith.addi %mul3A_487, %add3A_488 : i32
      %swap3A_490 = arith.constant 1 : i32
      %swap3A_491 = arith.index_cast %swap3A_490 : i32 to index
      %swap3A_492 = arith.index_cast %add3A_489 : i32 to index
      %swap3A_493 = arith.constant 0 : index
      %swap3A_494 = tpu.vector_load %arg11[%swap3A_491, %swap3A_492, %swap3A_493] {strides = array<i32>} : memref<2x128x16xf32, #tpu.memory_space<vmem>>, vector<1x1x16xf32>,
      %swap3A_495 = vector.shape_cast %swap3A_494 : vector<1x1x16xf32> to vector<16xf32>
      %swap3A_496 = vector.shape_cast %mul3A_485 : vector<16xf32> to vector<1x1x16xf32>
      tpu.vector_store %arg11[%swap3A_491, %swap3A_492, %swap3A_493], %swap3A_496 {strides = array<i32>} : memref<2x128x16xf32, #tpu.memory_space<vmem>>, vector<1x1x16xf32>,
      %slice3A_497 = vector.extract_strided_slice %get3A_225 {offsets = [11], sizes = [1], strides = [1]} : vector<16xf32> to vector<1xf32>
      %squeeze3A_498 = vector.extract %slice3A_497[0] : f32 from vector<1xf32>
      %broadcast_in_dim3A_499 = vector.broadcast %squeeze3A_498 : f32 to vector<16xf32>
      %mul3A_500 = arith.constant 16 : i32
      %mul3A_501 = arith.muli %scan3A_219, %mul3A_500 : i32
      %add3A_502 = arith.constant 11 : i32
      %add3A_503 = arith.addi %mul3A_501, %add3A_502 : i32
      %get3A_504 = arith.constant 1 : i32
      %get3A_505 = arith.index_cast %get3A_504 : i32 to index
      %get3A_506 = arith.index_cast %add3A_503 : i32 to index
      %get3A_507 = arith.constant 0 : index
      %get3A_508 = tpu.vector_load %arg10[%get3A_505, %get3A_506, %get3A_507] {strides = array<i32>} : memref<2x128x16xf32, #tpu.memory_space<vmem>>, vector<1x1x16xf32>,
      %get3A_509 = vector.shape_cast %get3A_508 : vector<1x1x16xf32> to vector<16xf32>
      %mul3A_510 = arith.mulf %get3A_509, %broadcast_in_dim3A_499 : vector<16xf32>
      %mul3A_511 = arith.constant 16 : i32
      %mul3A_512 = arith.muli %scan3A_219, %mul3A_511 : i32
      %add3A_513 = arith.constant 11 : i32
      %add3A_514 = arith.addi %mul3A_512, %add3A_513 : i32
      %swap3A_515 = arith.constant 1 : i32
      %swap3A_516 = arith.index_cast %swap3A_515 : i32 to index
      %swap3A_517 = arith.index_cast %add3A_514 : i32 to index
      %swap3A_518 = arith.constant 0 : index
      %swap3A_519 = tpu.vector_load %arg11[%swap3A_516, %swap3A_517, %swap3A_518] {strides = array<i32>} : memref<2x128x16xf32, #tpu.memory_space<vmem>>, vector<1x1x16xf32>,
      %swap3A_520 = vector.shape_cast %swap3A_519 : vector<1x1x16xf32> to vector<16xf32>
      %swap3A_521 = vector.shape_cast %mul3A_510 : vector<16xf32> to vector<1x1x16xf32>
      tpu.vector_store %arg11[%swap3A_516, %swap3A_517, %swap3A_518], %swap3A_521 {strides = array<i32>} : memref<2x128x16xf32, #tpu.memory_space<vmem>>, vector<1x1x16xf32>,
      %slice3A_522 = vector.extract_strided_slice %get3A_225 {offsets = [12], sizes = [1], strides = [1]} : vector<16xf32> to vector<1xf32>
      %squeeze3A_523 = vector.extract %slice3A_522[0] : f32 from vector<1xf32>
      %broadcast_in_dim3A_524 = vector.broadcast %squeeze3A_523 : f32 to vector<16xf32>
      %mul3A_525 = arith.constant 16 : i32
      %mul3A_526 = arith.muli %scan3A_219, %mul3A_525 : i32
      %add3A_527 = arith.constant 12 : i32
      %add3A_528 = arith.addi %mul3A_526, %add3A_527 : i32
      %get3A_529 = arith.constant 1 : i32
      %get3A_530 = arith.index_cast %get3A_529 : i32 to index
      %get3A_531 = arith.index_cast %add3A_528 : i32 to index
      %get3A_532 = arith.constant 0 : index
      %get3A_533 = tpu.vector_load %arg10[%get3A_530, %get3A_531, %get3A_532] {strides = array<i32>} : memref<2x128x16xf32, #tpu.memory_space<vmem>>, vector<1x1x16xf32>,
      %get3A_534 = vector.shape_cast %get3A_533 : vector<1x1x16xf32> to vector<16xf32>
      %mul3A_535 = arith.mulf %get3A_534, %broadcast_in_dim3A_524 : vector<16xf32>
      %mul3A_536 = arith.constant 16 : i32
      %mul3A_537 = arith.muli %scan3A_219, %mul3A_536 : i32
      %add3A_538 = arith.constant 12 : i32
      %add3A_539 = arith.addi %mul3A_537, %add3A_538 : i32
      %swap3A_540 = arith.constant 1 : i32
      %swap3A_541 = arith.index_cast %swap3A_540 : i32 to index
      %swap3A_542 = arith.index_cast %add3A_539 : i32 to index
      %swap3A_543 = arith.constant 0 : index
      %swap3A_544 = tpu.vector_load %arg11[%swap3A_541, %swap3A_542, %swap3A_543] {strides = array<i32>} : memref<2x128x16xf32, #tpu.memory_space<vmem>>, vector<1x1x16xf32>,
      %swap3A_545 = vector.shape_cast %swap3A_544 : vector<1x1x16xf32> to vector<16xf32>
      %swap3A_546 = vector.shape_cast %mul3A_535 : vector<16xf32> to vector<1x1x16xf32>
      tpu.vector_store %arg11[%swap3A_541, %swap3A_542, %swap3A_543], %swap3A_546 {strides = array<i32>} : memref<2x128x16xf32, #tpu.memory_space<vmem>>, vector<1x1x16xf32>,
      %slice3A_547 = vector.extract_strided_slice %get3A_225 {offsets = [13], sizes = [1], strides = [1]} : vector<16xf32> to vector<1xf32>
      %squeeze3A_548 = vector.extract %slice3A_547[0] : f32 from vector<1xf32>
      %broadcast_in_dim3A_549 = vector.broadcast %squeeze3A_548 : f32 to vector<16xf32>
      %mul3A_550 = arith.constant 16 : i32
      %mul3A_551 = arith.muli %scan3A_219, %mul3A_550 : i32
      %add3A_552 = arith.constant 13 : i32
      %add3A_553 = arith.addi %mul3A_551, %add3A_552 : i32
      %get3A_554 = arith.constant 1 : i32
      %get3A_555 = arith.index_cast %get3A_554 : i32 to index
      %get3A_556 = arith.index_cast %add3A_553 : i32 to index
      %get3A_557 = arith.constant 0 : index
      %get3A_558 = tpu.vector_load %arg10[%get3A_555, %get3A_556, %get3A_557] {strides = array<i32>} : memref<2x128x16xf32, #tpu.memory_space<vmem>>, vector<1x1x16xf32>,
      %get3A_559 = vector.shape_cast %get3A_558 : vector<1x1x16xf32> to vector<16xf32>
      %mul3A_560 = arith.mulf %get3A_559, %broadcast_in_dim3A_549 : vector<16xf32>
      %mul3A_561 = arith.constant 16 : i32
      %mul3A_562 = arith.muli %scan3A_219, %mul3A_561 : i32
      %add3A_563 = arith.constant 13 : i32
      %add3A_564 = arith.addi %mul3A_562, %add3A_563 : i32
      %swap3A_565 = arith.constant 1 : i32
      %swap3A_566 = arith.index_cast %swap3A_565 : i32 to index
      %swap3A_567 = arith.index_cast %add3A_564 : i32 to index
      %swap3A_568 = arith.constant 0 : index
      %swap3A_569 = tpu.vector_load %arg11[%swap3A_566, %swap3A_567, %swap3A_568] {strides = array<i32>} : memref<2x128x16xf32, #tpu.memory_space<vmem>>, vector<1x1x16xf32>,
      %swap3A_570 = vector.shape_cast %swap3A_569 : vector<1x1x16xf32> to vector<16xf32>
      %swap3A_571 = vector.shape_cast %mul3A_560 : vector<16xf32> to vector<1x1x16xf32>
      tpu.vector_store %arg11[%swap3A_566, %swap3A_567, %swap3A_568], %swap3A_571 {strides = array<i32>} : memref<2x128x16xf32, #tpu.memory_space<vmem>>, vector<1x1x16xf32>,
      %slice3A_572 = vector.extract_strided_slice %get3A_225 {offsets = [14], sizes = [1], strides = [1]} : vector<16xf32> to vector<1xf32>
      %squeeze3A_573 = vector.extract %slice3A_572[0] : f32 from vector<1xf32>
      %broadcast_in_dim3A_574 = vector.broadcast %squeeze3A_573 : f32 to vector<16xf32>
      %mul3A_575 = arith.constant 16 : i32
      %mul3A_576 = arith.muli %scan3A_219, %mul3A_575 : i32
      %add3A_577 = arith.constant 14 : i32
      %add3A_578 = arith.addi %mul3A_576, %add3A_577 : i32
      %get3A_579 = arith.constant 1 : i32
      %get3A_580 = arith.index_cast %get3A_579 : i32 to index
      %get3A_581 = arith.index_cast %add3A_578 : i32 to index
      %get3A_582 = arith.constant 0 : index
      %get3A_583 = tpu.vector_load %arg10[%get3A_580, %get3A_581, %get3A_582] {strides = array<i32>} : memref<2x128x16xf32, #tpu.memory_space<vmem>>, vector<1x1x16xf32>,
      %get3A_584 = vector.shape_cast %get3A_583 : vector<1x1x16xf32> to vector<16xf32>
      %mul3A_585 = arith.mulf %get3A_584, %broadcast_in_dim3A_574 : vector<16xf32>
      %mul3A_586 = arith.constant 16 : i32
      %mul3A_587 = arith.muli %scan3A_219, %mul3A_586 : i32
      %add3A_588 = arith.constant 14 : i32
      %add3A_589 = arith.addi %mul3A_587, %add3A_588 : i32
      %swap3A_590 = arith.constant 1 : i32
      %swap3A_591 = arith.index_cast %swap3A_590 : i32 to index
      %swap3A_592 = arith.index_cast %add3A_589 : i32 to index
      %swap3A_593 = arith.constant 0 : index
      %swap3A_594 = tpu.vector_load %arg11[%swap3A_591, %swap3A_592, %swap3A_593] {strides = array<i32>} : memref<2x128x16xf32, #tpu.memory_space<vmem>>, vector<1x1x16xf32>,
      %swap3A_595 = vector.shape_cast %swap3A_594 : vector<1x1x16xf32> to vector<16xf32>
      %swap3A_596 = vector.shape_cast %mul3A_585 : vector<16xf32> to vector<1x1x16xf32>
      tpu.vector_store %arg11[%swap3A_591, %swap3A_592, %swap3A_593], %swap3A_596 {strides = array<i32>} : memref<2x128x16xf32, #tpu.memory_space<vmem>>, vector<1x1x16xf32>,
      %slice3A_597 = vector.extract_strided_slice %get3A_225 {offsets = [15], sizes = [1], strides = [1]} : vector<16xf32> to vector<1xf32>
      %squeeze3A_598 = vector.extract %slice3A_597[0] : f32 from vector<1xf32>
      %broadcast_in_dim3A_599 = vector.broadcast %squeeze3A_598 : f32 to vector<16xf32>
      %mul3A_600 = arith.constant 16 : i32
      %mul3A_601 = arith.muli %scan3A_219, %mul3A_600 : i32
      %add3A_602 = arith.constant 15 : i32
      %add3A_603 = arith.addi %mul3A_601, %add3A_602 : i32
      %get3A_604 = arith.constant 1 : i32
      %get3A_605 = arith.index_cast %get3A_604 : i32 to index
      %get3A_606 = arith.index_cast %add3A_603 : i32 to index
      %get3A_607 = arith.constant 0 : index
      %get3A_608 = tpu.vector_load %arg10[%get3A_605, %get3A_606, %get3A_607] {strides = array<i32>} : memref<2x128x16xf32, #tpu.memory_space<vmem>>, vector<1x1x16xf32>,
      %get3A_609 = vector.shape_cast %get3A_608 : vector<1x1x16xf32> to vector<16xf32>
      %mul3A_610 = arith.mulf %get3A_609, %broadcast_in_dim3A_599 : vector<16xf32>
      %mul3A_611 = arith.constant 16 : i32
      %mul3A_612 = arith.muli %scan3A_219, %mul3A_611 : i32
      %add3A_613 = arith.constant 15 : i32
      %add3A_614 = arith.addi %mul3A_612, %add3A_613 : i32
      %swap3A_615 = arith.constant 1 : i32
      %swap3A_616 = arith.index_cast %swap3A_615 : i32 to index
      %swap3A_617 = arith.index_cast %add3A_614 : i32 to index
      %swap3A_618 = arith.constant 0 : index
      %swap3A_619 = tpu.vector_load %arg11[%swap3A_616, %swap3A_617, %swap3A_618] {strides = array<i32>} : memref<2x128x16xf32, #tpu.memory_space<vmem>>, vector<1x1x16xf32>,
      %swap3A_620 = vector.shape_cast %swap3A_619 : vector<1x1x16xf32> to vector<16xf32>
      %swap3A_621 = vector.shape_cast %mul3A_610 : vector<16xf32> to vector<1x1x16xf32>
      tpu.vector_store %arg11[%swap3A_616, %swap3A_617, %swap3A_618], %swap3A_621 {strides = array<i32>} : memref<2x128x16xf32, #tpu.memory_space<vmem>>, vector<1x1x16xf32>,
    }
    %scan3A_171 = arith.constant 8 : i32
    %dma_start3A_172 = arith.constant 1 : i32
    %dma_start3A_173 = arith.constant 1 : i32
    %dma_start3A_174 = arith.constant 0 : i32
    %dma_start3A_175 = arith.constant 0 : i32
    %dma_start3A_176 = tpu.memref_slice %arg11[%dma_start3A_172, %dma_start3A_174, %dma_start3A_175] : memref<2x128x16xf32, #tpu.memory_space<vmem>> -> memref<1x128x16xf32, #tpu.memory_space<vmem>>
    %dma_start3A_177 = tpu.memref_squeeze %dma_start3A_176 : memref<1x128x16xf32, #tpu.memory_space<vmem>> -> memref<128x16xf32, #tpu.memory_space<vmem>>
    %dma_start3A_178 = arith.constant 0 : i32
    %dma_start3A_179 = tpu.memref_slice %arg8[%dma_start3A_173, %dma_start3A_178] : memref<80x128xi32, #tpu.memory_space<vmem>> -> memref<1x128xi32, #tpu.memory_space<vmem>>
    %dma_start3A_180 = tpu.memref_squeeze %dma_start3A_179 : memref<1x128xi32, #tpu.memory_space<vmem>> -> memref<128xi32, #tpu.memory_space<vmem>>
    %dma_start3A_181 = arith.constant 0 : i32
    %dma_start3A_182 = arith.constant 0 : i32
    %dma_start3A_183 = tpu.memref_slice %arg13[%dma_start3A_181, %dma_start3A_182] : memref<10112x16xf32, #tpu.memory_space<vmem_shared>> -> memref<10112x16xf32, #tpu.memory_space<vmem_shared>>
    tpu.enqueue_indirect_dma source(%dma_start3A_177 : memref<128x16xf32, #tpu.memory_space<vmem>>) target(%dma_start3A_183 : memref<10112x16xf32, #tpu.memory_space<vmem_shared>>) offsets(%dma_start3A_180 : memref<128xi32, #tpu.memory_space<vmem>>) semaphore(%arg17 : memref<!tpu.dma_semaphore, #tpu.memory_space<semaphore_mem>>) {add = true}
    %scan3A_184 = arith.constant 0 : i32
    %scan3A_185 = arith.constant 0 : i32
    %scan3A_186 = arith.constant 39 : i32
    %scan3A_187 = arith.addi %scan3A_185, %scan3A_186 : i32
    %scan3A_188 = arith.constant 1 : i32
    scf.for %scan3A_219 = %scan3A_185 to %scan3A_187 step %scan3A_188  : i32 {
      %mul3A_220 = arith.constant 2 : i32
      %mul3A_221 = arith.muli %scan3A_219, %mul3A_220 : i32
      %add3A_222 = arith.constant 2 : i32
      %add3A_223 = arith.addi %add3A_222, %mul3A_221 : i32
      %add3A_224 = arith.constant 0 : i32
      %add3A_225 = arith.addi %add3A_223, %add3A_224 : i32
      %add3A_226 = arith.constant 1 : i32
      %add3A_227 = arith.addi %add3A_225, %add3A_226 : i32
      %lt3A = arith.constant 80 : i32
      %lt3A_228 = arith.cmpi slt, %add3A_227, %lt3A : i32
      %convert_element_type3A = arith.extui %lt3A_228 : i1 to i32
      %cond3A = arith.constant 0 : i32
      %cond3A_229 = arith.cmpi ne, %convert_element_type3A, %cond3A : i32
      scf.if %cond3A_229 {
        %add3A_320 = arith.constant 1 : i32
        %add3A_321 = arith.addi %add3A_225, %add3A_320 : i32
        %dma_start3A_322 = arith.constant 1 : i32
        %dma_start3A_323 = arith.constant 0 : i32
        %dma_start3A_324 = arith.constant 0 : i32
        %dma_start3A_325 = tpu.memref_slice %arg10[%dma_start3A_322, %dma_start3A_323, %dma_start3A_324] : memref<2x128x16xf32, #tpu.memory_space<vmem>> -> memref<1x128x16xf32, #tpu.memory_space<vmem>>
        %dma_start3A_326 = tpu.memref_squeeze %dma_start3A_325 : memref<1x128x16xf32, #tpu.memory_space<vmem>> -> memref<128x16xf32, #tpu.memory_space<vmem>>
        %dma_start3A_327 = arith.constant 0 : i32
        %dma_start3A_328 = tpu.memref_slice %arg7[%add3A_321, %dma_start3A_327] : memref<80x128xi32, #tpu.memory_space<vmem>> -> memref<1x128xi32, #tpu.memory_space<vmem>>
        %dma_start3A_329 = tpu.memref_squeeze %dma_start3A_328 : memref<1x128xi32, #tpu.memory_space<vmem>> -> memref<128xi32, #tpu.memory_space<vmem>>
        %dma_start3A_330 = arith.constant 0 : i32
        %dma_start3A_331 = arith.constant 0 : i32
        %dma_start3A_332 = tpu.memref_slice %arg12[%dma_start3A_330, %dma_start3A_331] : memref<10112x16xf32, #tpu.memory_space<vmem_shared>> -> memref<10112x16xf32, #tpu.memory_space<vmem_shared>>
        tpu.enqueue_indirect_dma source(%dma_start3A_332 : memref<10112x16xf32, #tpu.memory_space<vmem_shared>>) target(%dma_start3A_326 : memref<128x16xf32, #tpu.memory_space<vmem>>) offsets(%dma_start3A_329 : memref<128xi32, #tpu.memory_space<vmem>>) semaphore(%arg15 : memref<!tpu.dma_semaphore, #tpu.memory_space<semaphore_mem>>)
      } else {
      }
      %dma_wait3A_230 = arith.constant 0 : i32
      %dma_wait3A_231 = arith.constant 0 : i32
      %dma_wait3A_232 = arith.constant 0 : i32
      %dma_wait3A_233 = tpu.memref_slice %arg10[%dma_wait3A_230, %dma_wait3A_231, %dma_wait3A_232] : memref<2x128x16xf32, #tpu.memory_space<vmem>> -> memref<1x128x16xf32, #tpu.memory_space<vmem>>
      %dma_wait3A_234 = tpu.memref_squeeze %dma_wait3A_233 : memref<1x128x16xf32, #tpu.memory_space<vmem>> -> memref<128x16xf32, #tpu.memory_space<vmem>>
      %dma_wait3A_235 = arith.constant 0 : i32
      %dma_wait3A_236 = tpu.memref_slice %arg7[%add3A_225, %dma_wait3A_235] : memref<80x128xi32, #tpu.memory_space<vmem>> -> memref<1x128xi32, #tpu.memory_space<vmem>>
      %dma_wait3A_237 = tpu.memref_squeeze %dma_wait3A_236 : memref<1x128xi32, #tpu.memory_space<vmem>> -> memref<128xi32, #tpu.memory_space<vmem>>
      %dma_wait3A_238 = arith.constant 0 : i32
      %dma_wait3A_239 = arith.constant 0 : i32
      %dma_wait3A_240 = tpu.memref_slice %arg12[%dma_wait3A_238, %dma_wait3A_239] : memref<10112x16xf32, #tpu.memory_space<vmem_shared>> -> memref<10112x16xf32, #tpu.memory_space<vmem_shared>>
      tpu.wait_indirect_dma semaphore(%arg14 : memref<!tpu.dma_semaphore, #tpu.memory_space<semaphore_mem>>) src(%dma_wait3A_240 : memref<10112x16xf32, #tpu.memory_space<vmem_shared>>) dst(%dma_wait3A_234 : memref<128x16xf32, #tpu.memory_space<vmem>>)
      %sub3A = arith.constant 2 : i32
      %sub3A_241 = arith.subi %add3A_225, %sub3A : i32
      %dma_wait3A_242 = arith.constant 0 : i32
      %dma_wait3A_243 = arith.constant 0 : i32
      %dma_wait3A_244 = arith.constant 0 : i32
      %dma_wait3A_245 = tpu.memref_slice %arg11[%dma_wait3A_242, %dma_wait3A_243, %dma_wait3A_244] : memref<2x128x16xf32, #tpu.memory_space<vmem>> -> memref<1x128x16xf32, #tpu.memory_space<vmem>>
      %dma_wait3A_246 = tpu.memref_squeeze %dma_wait3A_245 : memref<1x128x16xf32, #tpu.memory_space<vmem>> -> memref<128x16xf32, #tpu.memory_space<vmem>>
      %dma_wait3A_247 = arith.constant 0 : i32
      %dma_wait3A_248 = tpu.memref_slice %arg8[%sub3A_241, %dma_wait3A_247] : memref<80x128xi32, #tpu.memory_space<vmem>> -> memref<1x128xi32, #tpu.memory_space<vmem>>
      %dma_wait3A_249 = tpu.memref_squeeze %dma_wait3A_248 : memref<1x128xi32, #tpu.memory_space<vmem>> -> memref<128xi32, #tpu.memory_space<vmem>>
      %dma_wait3A_250 = arith.constant 0 : i32
      %dma_wait3A_251 = arith.constant 0 : i32
      %dma_wait3A_252 = tpu.memref_slice %arg13[%dma_wait3A_250, %dma_wait3A_251] : memref<10112x16xf32, #tpu.memory_space<vmem_shared>> -> memref<10112x16xf32, #tpu.memory_space<vmem_shared>>
      tpu.wait_indirect_dma semaphore(%arg16 : memref<!tpu.dma_semaphore, #tpu.memory_space<semaphore_mem>>) src(%dma_wait3A_246 : memref<128x16xf32, #tpu.memory_space<vmem>>) dst(%dma_wait3A_252 : memref<10112x16xf32, #tpu.memory_space<vmem_shared>>)
      %scan3A_253 = arith.constant 0 : i32
      %scan3A_254 = arith.constant 0 : i32
      %scan3A_255 = arith.constant 8 : i32
      %scan3A_256 = arith.addi %scan3A_254, %scan3A_255 : i32
      %scan3A_257 = arith.constant 1 : i32
      scf.for %scan3A_320 = %scan3A_254 to %scan3A_256 step %scan3A_257  : i32 {
        %mul3A_321 = arith.constant 16 : i32
        %mul3A_322 = arith.muli %scan3A_320, %mul3A_321 : i32
        %get3A = arith.index_cast %add3A_225 : i32 to index
        %get3A_323 = arith.index_cast %mul3A_322 : i32 to index
        %get3A_324 = tpu.vector_load %arg9[%get3A, %get3A_323] {strides = array<i32>} : memref<80x128xf32, #tpu.memory_space<vmem>>, vector<1x16xf32>,
        %get3A_325 = vector.shape_cast %get3A_324 : vector<1x16xf32> to vector<16xf32>
        %slice3A = vector.extract_strided_slice %get3A_325 {offsets = [0], sizes = [1], strides = [1]} : vector<16xf32> to vector<1xf32>
        %squeeze3A = vector.extract %slice3A[0] : f32 from vector<1xf32>
        %broadcast_in_dim3A = vector.broadcast %squeeze3A : f32 to vector<16xf32>
        %mul3A_326 = arith.constant 16 : i32
        %mul3A_327 = arith.muli %scan3A_320, %mul3A_326 : i32
        %add3A_328 = arith.constant 0 : i32
        %add3A_329 = arith.addi %mul3A_327, %add3A_328 : i32
        %get3A_330 = arith.constant 0 : i32
        %get3A_331 = arith.index_cast %get3A_330 : i32 to index
        %get3A_332 = arith.index_cast %add3A_329 : i32 to index
        %get3A_333 = arith.constant 0 : index
        %get3A_334 = tpu.vector_load %arg10[%get3A_331, %get3A_332, %get3A_333] {strides = array<i32>} : memref<2x128x16xf32, #tpu.memory_space<vmem>>, vector<1x1x16xf32>,
        %get3A_335 = vector.shape_cast %get3A_334 : vector<1x1x16xf32> to vector<16xf32>
        %mul3A_336 = arith.mulf %get3A_335, %broadcast_in_dim3A : vector<16xf32>
        %mul3A_337 = arith.constant 16 : i32
        %mul3A_338 = arith.muli %scan3A_320, %mul3A_337 : i32
        %add3A_339 = arith.constant 0 : i32
        %add3A_340 = arith.addi %mul3A_338, %add3A_339 : i32
        %swap3A = arith.constant 0 : i32
        %swap3A_341 = arith.index_cast %swap3A : i32 to index
        %swap3A_342 = arith.index_cast %add3A_340 : i32 to index
        %swap3A_343 = arith.constant 0 : index
        %swap3A_344 = tpu.vector_load %arg11[%swap3A_341, %swap3A_342, %swap3A_343] {strides = array<i32>} : memref<2x128x16xf32, #tpu.memory_space<vmem>>, vector<1x1x16xf32>,
        %swap3A_345 = vector.shape_cast %swap3A_344 : vector<1x1x16xf32> to vector<16xf32>
        %swap3A_346 = vector.shape_cast %mul3A_336 : vector<16xf32> to vector<1x1x16xf32>
        tpu.vector_store %arg11[%swap3A_341, %swap3A_342, %swap3A_343], %swap3A_346 {strides = array<i32>} : memref<2x128x16xf32, #tpu.memory_space<vmem>>, vector<1x1x16xf32>,
        %slice3A_347 = vector.extract_strided_slice %get3A_325 {offsets = [1], sizes = [1], strides = [1]} : vector<16xf32> to vector<1xf32>
        %squeeze3A_348 = vector.extract %slice3A_347[0] : f32 from vector<1xf32>
        %broadcast_in_dim3A_349 = vector.broadcast %squeeze3A_348 : f32 to vector<16xf32>
        %mul3A_350 = arith.constant 16 : i32
        %mul3A_351 = arith.muli %scan3A_320, %mul3A_350 : i32
        %add3A_352 = arith.constant 1 : i32
        %add3A_353 = arith.addi %mul3A_351, %add3A_352 : i32
        %get3A_354 = arith.constant 0 : i32
        %get3A_355 = arith.index_cast %get3A_354 : i32 to index
        %get3A_356 = arith.index_cast %add3A_353 : i32 to index
        %get3A_357 = arith.constant 0 : index
        %get3A_358 = tpu.vector_load %arg10[%get3A_355, %get3A_356, %get3A_357] {strides = array<i32>} : memref<2x128x16xf32, #tpu.memory_space<vmem>>, vector<1x1x16xf32>,
        %get3A_359 = vector.shape_cast %get3A_358 : vector<1x1x16xf32> to vector<16xf32>
        %mul3A_360 = arith.mulf %get3A_359, %broadcast_in_dim3A_349 : vector<16xf32>
        %mul3A_361 = arith.constant 16 : i32
        %mul3A_362 = arith.muli %scan3A_320, %mul3A_361 : i32
        %add3A_363 = arith.constant 1 : i32
        %add3A_364 = arith.addi %mul3A_362, %add3A_363 : i32
        %swap3A_365 = arith.constant 0 : i32
        %swap3A_366 = arith.index_cast %swap3A_365 : i32 to index
        %swap3A_367 = arith.index_cast %add3A_364 : i32 to index
        %swap3A_368 = arith.constant 0 : index
        %swap3A_369 = tpu.vector_load %arg11[%swap3A_366, %swap3A_367, %swap3A_368] {strides = array<i32>} : memref<2x128x16xf32, #tpu.memory_space<vmem>>, vector<1x1x16xf32>,
        %swap3A_370 = vector.shape_cast %swap3A_369 : vector<1x1x16xf32> to vector<16xf32>
        %swap3A_371 = vector.shape_cast %mul3A_360 : vector<16xf32> to vector<1x1x16xf32>
        tpu.vector_store %arg11[%swap3A_366, %swap3A_367, %swap3A_368], %swap3A_371 {strides = array<i32>} : memref<2x128x16xf32, #tpu.memory_space<vmem>>, vector<1x1x16xf32>,
        %slice3A_372 = vector.extract_strided_slice %get3A_325 {offsets = [2], sizes = [1], strides = [1]} : vector<16xf32> to vector<1xf32>
        %squeeze3A_373 = vector.extract %slice3A_372[0] : f32 from vector<1xf32>
        %broadcast_in_dim3A_374 = vector.broadcast %squeeze3A_373 : f32 to vector<16xf32>
        %mul3A_375 = arith.constant 16 : i32
        %mul3A_376 = arith.muli %scan3A_320, %mul3A_375 : i32
        %add3A_377 = arith.constant 2 : i32
        %add3A_378 = arith.addi %mul3A_376, %add3A_377 : i32
        %get3A_379 = arith.constant 0 : i32
        %get3A_380 = arith.index_cast %get3A_379 : i32 to index
        %get3A_381 = arith.index_cast %add3A_378 : i32 to index
        %get3A_382 = arith.constant 0 : index
        %get3A_383 = tpu.vector_load %arg10[%get3A_380, %get3A_381, %get3A_382] {strides = array<i32>} : memref<2x128x16xf32, #tpu.memory_space<vmem>>, vector<1x1x16xf32>,
        %get3A_384 = vector.shape_cast %get3A_383 : vector<1x1x16xf32> to vector<16xf32>
        %mul3A_385 = arith.mulf %get3A_384, %broadcast_in_dim3A_374 : vector<16xf32>
        %mul3A_386 = arith.constant 16 : i32
        %mul3A_387 = arith.muli %scan3A_320, %mul3A_386 : i32
        %add3A_388 = arith.constant 2 : i32
        %add3A_389 = arith.addi %mul3A_387, %add3A_388 : i32
        %swap3A_390 = arith.constant 0 : i32
        %swap3A_391 = arith.index_cast %swap3A_390 : i32 to index
        %swap3A_392 = arith.index_cast %add3A_389 : i32 to index
        %swap3A_393 = arith.constant 0 : index
        %swap3A_394 = tpu.vector_load %arg11[%swap3A_391, %swap3A_392, %swap3A_393] {strides = array<i32>} : memref<2x128x16xf32, #tpu.memory_space<vmem>>, vector<1x1x16xf32>,
        %swap3A_395 = vector.shape_cast %swap3A_394 : vector<1x1x16xf32> to vector<16xf32>
        %swap3A_396 = vector.shape_cast %mul3A_385 : vector<16xf32> to vector<1x1x16xf32>
        tpu.vector_store %arg11[%swap3A_391, %swap3A_392, %swap3A_393], %swap3A_396 {strides = array<i32>} : memref<2x128x16xf32, #tpu.memory_space<vmem>>, vector<1x1x16xf32>,
        %slice3A_397 = vector.extract_strided_slice %get3A_325 {offsets = [3], sizes = [1], strides = [1]} : vector<16xf32> to vector<1xf32>
        %squeeze3A_398 = vector.extract %slice3A_397[0] : f32 from vector<1xf32>
        %broadcast_in_dim3A_399 = vector.broadcast %squeeze3A_398 : f32 to vector<16xf32>
        %mul3A_400 = arith.constant 16 : i32
        %mul3A_401 = arith.muli %scan3A_320, %mul3A_400 : i32
        %add3A_402 = arith.constant 3 : i32
        %add3A_403 = arith.addi %mul3A_401, %add3A_402 : i32
        %get3A_404 = arith.constant 0 : i32
        %get3A_405 = arith.index_cast %get3A_404 : i32 to index
        %get3A_406 = arith.index_cast %add3A_403 : i32 to index
        %get3A_407 = arith.constant 0 : index
        %get3A_408 = tpu.vector_load %arg10[%get3A_405, %get3A_406, %get3A_407] {strides = array<i32>} : memref<2x128x16xf32, #tpu.memory_space<vmem>>, vector<1x1x16xf32>,
        %get3A_409 = vector.shape_cast %get3A_408 : vector<1x1x16xf32> to vector<16xf32>
        %mul3A_410 = arith.mulf %get3A_409, %broadcast_in_dim3A_399 : vector<16xf32>
        %mul3A_411 = arith.constant 16 : i32
        %mul3A_412 = arith.muli %scan3A_320, %mul3A_411 : i32
        %add3A_413 = arith.constant 3 : i32
        %add3A_414 = arith.addi %mul3A_412, %add3A_413 : i32
        %swap3A_415 = arith.constant 0 : i32
        %swap3A_416 = arith.index_cast %swap3A_415 : i32 to index
        %swap3A_417 = arith.index_cast %add3A_414 : i32 to index
        %swap3A_418 = arith.constant 0 : index
        %swap3A_419 = tpu.vector_load %arg11[%swap3A_416, %swap3A_417, %swap3A_418] {strides = array<i32>} : memref<2x128x16xf32, #tpu.memory_space<vmem>>, vector<1x1x16xf32>,
        %swap3A_420 = vector.shape_cast %swap3A_419 : vector<1x1x16xf32> to vector<16xf32>
        %swap3A_421 = vector.shape_cast %mul3A_410 : vector<16xf32> to vector<1x1x16xf32>
        tpu.vector_store %arg11[%swap3A_416, %swap3A_417, %swap3A_418], %swap3A_421 {strides = array<i32>} : memref<2x128x16xf32, #tpu.memory_space<vmem>>, vector<1x1x16xf32>,
        %slice3A_422 = vector.extract_strided_slice %get3A_325 {offsets = [4], sizes = [1], strides = [1]} : vector<16xf32> to vector<1xf32>
        %squeeze3A_423 = vector.extract %slice3A_422[0] : f32 from vector<1xf32>
        %broadcast_in_dim3A_424 = vector.broadcast %squeeze3A_423 : f32 to vector<16xf32>
        %mul3A_425 = arith.constant 16 : i32
        %mul3A_426 = arith.muli %scan3A_320, %mul3A_425 : i32
        %add3A_427 = arith.constant 4 : i32
        %add3A_428 = arith.addi %mul3A_426, %add3A_427 : i32
        %get3A_429 = arith.constant 0 : i32
        %get3A_430 = arith.index_cast %get3A_429 : i32 to index
        %get3A_431 = arith.index_cast %add3A_428 : i32 to index
        %get3A_432 = arith.constant 0 : index
        %get3A_433 = tpu.vector_load %arg10[%get3A_430, %get3A_431, %get3A_432] {strides = array<i32>} : memref<2x128x16xf32, #tpu.memory_space<vmem>>, vector<1x1x16xf32>,
        %get3A_434 = vector.shape_cast %get3A_433 : vector<1x1x16xf32> to vector<16xf32>
        %mul3A_435 = arith.mulf %get3A_434, %broadcast_in_dim3A_424 : vector<16xf32>
        %mul3A_436 = arith.constant 16 : i32
        %mul3A_437 = arith.muli %scan3A_320, %mul3A_436 : i32
        %add3A_438 = arith.constant 4 : i32
        %add3A_439 = arith.addi %mul3A_437, %add3A_438 : i32
        %swap3A_440 = arith.constant 0 : i32
        %swap3A_441 = arith.index_cast %swap3A_440 : i32 to index
        %swap3A_442 = arith.index_cast %add3A_439 : i32 to index
        %swap3A_443 = arith.constant 0 : index
        %swap3A_444 = tpu.vector_load %arg11[%swap3A_441, %swap3A_442, %swap3A_443] {strides = array<i32>} : memref<2x128x16xf32, #tpu.memory_space<vmem>>, vector<1x1x16xf32>,
        %swap3A_445 = vector.shape_cast %swap3A_444 : vector<1x1x16xf32> to vector<16xf32>
        %swap3A_446 = vector.shape_cast %mul3A_435 : vector<16xf32> to vector<1x1x16xf32>
        tpu.vector_store %arg11[%swap3A_441, %swap3A_442, %swap3A_443], %swap3A_446 {strides = array<i32>} : memref<2x128x16xf32, #tpu.memory_space<vmem>>, vector<1x1x16xf32>,
        %slice3A_447 = vector.extract_strided_slice %get3A_325 {offsets = [5], sizes = [1], strides = [1]} : vector<16xf32> to vector<1xf32>
        %squeeze3A_448 = vector.extract %slice3A_447[0] : f32 from vector<1xf32>
        %broadcast_in_dim3A_449 = vector.broadcast %squeeze3A_448 : f32 to vector<16xf32>
        %mul3A_450 = arith.constant 16 : i32
        %mul3A_451 = arith.muli %scan3A_320, %mul3A_450 : i32
        %add3A_452 = arith.constant 5 : i32
        %add3A_453 = arith.addi %mul3A_451, %add3A_452 : i32
        %get3A_454 = arith.constant 0 : i32
        %get3A_455 = arith.index_cast %get3A_454 : i32 to index
        %get3A_456 = arith.index_cast %add3A_453 : i32 to index
        %get3A_457 = arith.constant 0 : index
        %get3A_458 = tpu.vector_load %arg10[%get3A_455, %get3A_456, %get3A_457] {strides = array<i32>} : memref<2x128x16xf32, #tpu.memory_space<vmem>>, vector<1x1x16xf32>,
        %get3A_459 = vector.shape_cast %get3A_458 : vector<1x1x16xf32> to vector<16xf32>
        %mul3A_460 = arith.mulf %get3A_459, %broadcast_in_dim3A_449 : vector<16xf32>
        %mul3A_461 = arith.constant 16 : i32
        %mul3A_462 = arith.muli %scan3A_320, %mul3A_461 : i32
        %add3A_463 = arith.constant 5 : i32
        %add3A_464 = arith.addi %mul3A_462, %add3A_463 : i32
        %swap3A_465 = arith.constant 0 : i32
        %swap3A_466 = arith.index_cast %swap3A_465 : i32 to index
        %swap3A_467 = arith.index_cast %add3A_464 : i32 to index
        %swap3A_468 = arith.constant 0 : index
        %swap3A_469 = tpu.vector_load %arg11[%swap3A_466, %swap3A_467, %swap3A_468] {strides = array<i32>} : memref<2x128x16xf32, #tpu.memory_space<vmem>>, vector<1x1x16xf32>,
        %swap3A_470 = vector.shape_cast %swap3A_469 : vector<1x1x16xf32> to vector<16xf32>
        %swap3A_471 = vector.shape_cast %mul3A_460 : vector<16xf32> to vector<1x1x16xf32>
        tpu.vector_store %arg11[%swap3A_466, %swap3A_467, %swap3A_468], %swap3A_471 {strides = array<i32>} : memref<2x128x16xf32, #tpu.memory_space<vmem>>, vector<1x1x16xf32>,
        %slice3A_472 = vector.extract_strided_slice %get3A_325 {offsets = [6], sizes = [1], strides = [1]} : vector<16xf32> to vector<1xf32>
        %squeeze3A_473 = vector.extract %slice3A_472[0] : f32 from vector<1xf32>
        %broadcast_in_dim3A_474 = vector.broadcast %squeeze3A_473 : f32 to vector<16xf32>
        %mul3A_475 = arith.constant 16 : i32
        %mul3A_476 = arith.muli %scan3A_320, %mul3A_475 : i32
        %add3A_477 = arith.constant 6 : i32
        %add3A_478 = arith.addi %mul3A_476, %add3A_477 : i32
        %get3A_479 = arith.constant 0 : i32
        %get3A_480 = arith.index_cast %get3A_479 : i32 to index
        %get3A_481 = arith.index_cast %add3A_478 : i32 to index
        %get3A_482 = arith.constant 0 : index
        %get3A_483 = tpu.vector_load %arg10[%get3A_480, %get3A_481, %get3A_482] {strides = array<i32>} : memref<2x128x16xf32, #tpu.memory_space<vmem>>, vector<1x1x16xf32>,
        %get3A_484 = vector.shape_cast %get3A_483 : vector<1x1x16xf32> to vector<16xf32>
        %mul3A_485 = arith.mulf %get3A_484, %broadcast_in_dim3A_474 : vector<16xf32>
        %mul3A_486 = arith.constant 16 : i32
        %mul3A_487 = arith.muli %scan3A_320, %mul3A_486 : i32
        %add3A_488 = arith.constant 6 : i32
        %add3A_489 = arith.addi %mul3A_487, %add3A_488 : i32
        %swap3A_490 = arith.constant 0 : i32
        %swap3A_491 = arith.index_cast %swap3A_490 : i32 to index
        %swap3A_492 = arith.index_cast %add3A_489 : i32 to index
        %swap3A_493 = arith.constant 0 : index
        %swap3A_494 = tpu.vector_load %arg11[%swap3A_491, %swap3A_492, %swap3A_493] {strides = array<i32>} : memref<2x128x16xf32, #tpu.memory_space<vmem>>, vector<1x1x16xf32>,
        %swap3A_495 = vector.shape_cast %swap3A_494 : vector<1x1x16xf32> to vector<16xf32>
        %swap3A_496 = vector.shape_cast %mul3A_485 : vector<16xf32> to vector<1x1x16xf32>
        tpu.vector_store %arg11[%swap3A_491, %swap3A_492, %swap3A_493], %swap3A_496 {strides = array<i32>} : memref<2x128x16xf32, #tpu.memory_space<vmem>>, vector<1x1x16xf32>,
        %slice3A_497 = vector.extract_strided_slice %get3A_325 {offsets = [7], sizes = [1], strides = [1]} : vector<16xf32> to vector<1xf32>
        %squeeze3A_498 = vector.extract %slice3A_497[0] : f32 from vector<1xf32>
        %broadcast_in_dim3A_499 = vector.broadcast %squeeze3A_498 : f32 to vector<16xf32>
        %mul3A_500 = arith.constant 16 : i32
        %mul3A_501 = arith.muli %scan3A_320, %mul3A_500 : i32
        %add3A_502 = arith.constant 7 : i32
        %add3A_503 = arith.addi %mul3A_501, %add3A_502 : i32
        %get3A_504 = arith.constant 0 : i32
        %get3A_505 = arith.index_cast %get3A_504 : i32 to index
        %get3A_506 = arith.index_cast %add3A_503 : i32 to index
        %get3A_507 = arith.constant 0 : index
        %get3A_508 = tpu.vector_load %arg10[%get3A_505, %get3A_506, %get3A_507] {strides = array<i32>} : memref<2x128x16xf32, #tpu.memory_space<vmem>>, vector<1x1x16xf32>,
        %get3A_509 = vector.shape_cast %get3A_508 : vector<1x1x16xf32> to vector<16xf32>
        %mul3A_510 = arith.mulf %get3A_509, %broadcast_in_dim3A_499 : vector<16xf32>
        %mul3A_511 = arith.constant 16 : i32
        %mul3A_512 = arith.muli %scan3A_320, %mul3A_511 : i32
        %add3A_513 = arith.constant 7 : i32
        %add3A_514 = arith.addi %mul3A_512, %add3A_513 : i32
        %swap3A_515 = arith.constant 0 : i32
        %swap3A_516 = arith.index_cast %swap3A_515 : i32 to index
        %swap3A_517 = arith.index_cast %add3A_514 : i32 to index
        %swap3A_518 = arith.constant 0 : index
        %swap3A_519 = tpu.vector_load %arg11[%swap3A_516, %swap3A_517, %swap3A_518] {strides = array<i32>} : memref<2x128x16xf32, #tpu.memory_space<vmem>>, vector<1x1x16xf32>,
        %swap3A_520 = vector.shape_cast %swap3A_519 : vector<1x1x16xf32> to vector<16xf32>
        %swap3A_521 = vector.shape_cast %mul3A_510 : vector<16xf32> to vector<1x1x16xf32>
        tpu.vector_store %arg11[%swap3A_516, %swap3A_517, %swap3A_518], %swap3A_521 {strides = array<i32>} : memref<2x128x16xf32, #tpu.memory_space<vmem>>, vector<1x1x16xf32>,
        %slice3A_522 = vector.extract_strided_slice %get3A_325 {offsets = [8], sizes = [1], strides = [1]} : vector<16xf32> to vector<1xf32>
        %squeeze3A_523 = vector.extract %slice3A_522[0] : f32 from vector<1xf32>
        %broadcast_in_dim3A_524 = vector.broadcast %squeeze3A_523 : f32 to vector<16xf32>
        %mul3A_525 = arith.constant 16 : i32
        %mul3A_526 = arith.muli %scan3A_320, %mul3A_525 : i32
        %add3A_527 = arith.constant 8 : i32
        %add3A_528 = arith.addi %mul3A_526, %add3A_527 : i32
        %get3A_529 = arith.constant 0 : i32
        %get3A_530 = arith.index_cast %get3A_529 : i32 to index
        %get3A_531 = arith.index_cast %add3A_528 : i32 to index
        %get3A_532 = arith.constant 0 : index
        %get3A_533 = tpu.vector_load %arg10[%get3A_530, %get3A_531, %get3A_532] {strides = array<i32>} : memref<2x128x16xf32, #tpu.memory_space<vmem>>, vector<1x1x16xf32>,
        %get3A_534 = vector.shape_cast %get3A_533 : vector<1x1x16xf32> to vector<16xf32>
        %mul3A_535 = arith.mulf %get3A_534, %broadcast_in_dim3A_524 : vector<16xf32>
        %mul3A_536 = arith.constant 16 : i32
        %mul3A_537 = arith.muli %scan3A_320, %mul3A_536 : i32
        %add3A_538 = arith.constant 8 : i32
        %add3A_539 = arith.addi %mul3A_537, %add3A_538 : i32
        %swap3A_540 = arith.constant 0 : i32
        %swap3A_541 = arith.index_cast %swap3A_540 : i32 to index
        %swap3A_542 = arith.index_cast %add3A_539 : i32 to index
        %swap3A_543 = arith.constant 0 : index
        %swap3A_544 = tpu.vector_load %arg11[%swap3A_541, %swap3A_542, %swap3A_543] {strides = array<i32>} : memref<2x128x16xf32, #tpu.memory_space<vmem>>, vector<1x1x16xf32>,
        %swap3A_545 = vector.shape_cast %swap3A_544 : vector<1x1x16xf32> to vector<16xf32>
        %swap3A_546 = vector.shape_cast %mul3A_535 : vector<16xf32> to vector<1x1x16xf32>
        tpu.vector_store %arg11[%swap3A_541, %swap3A_542, %swap3A_543], %swap3A_546 {strides = array<i32>} : memref<2x128x16xf32, #tpu.memory_space<vmem>>, vector<1x1x16xf32>,
        %slice3A_547 = vector.extract_strided_slice %get3A_325 {offsets = [9], sizes = [1], strides = [1]} : vector<16xf32> to vector<1xf32>
        %squeeze3A_548 = vector.extract %slice3A_547[0] : f32 from vector<1xf32>
        %broadcast_in_dim3A_549 = vector.broadcast %squeeze3A_548 : f32 to vector<16xf32>
        %mul3A_550 = arith.constant 16 : i32
        %mul3A_551 = arith.muli %scan3A_320, %mul3A_550 : i32
        %add3A_552 = arith.constant 9 : i32
        %add3A_553 = arith.addi %mul3A_551, %add3A_552 : i32
        %get3A_554 = arith.constant 0 : i32
        %get3A_555 = arith.index_cast %get3A_554 : i32 to index
        %get3A_556 = arith.index_cast %add3A_553 : i32 to index
        %get3A_557 = arith.constant 0 : index
        %get3A_558 = tpu.vector_load %arg10[%get3A_555, %get3A_556, %get3A_557] {strides = array<i32>} : memref<2x128x16xf32, #tpu.memory_space<vmem>>, vector<1x1x16xf32>,
        %get3A_559 = vector.shape_cast %get3A_558 : vector<1x1x16xf32> to vector<16xf32>
        %mul3A_560 = arith.mulf %get3A_559, %broadcast_in_dim3A_549 : vector<16xf32>
        %mul3A_561 = arith.constant 16 : i32
        %mul3A_562 = arith.muli %scan3A_320, %mul3A_561 : i32
        %add3A_563 = arith.constant 9 : i32
        %add3A_564 = arith.addi %mul3A_562, %add3A_563 : i32
        %swap3A_565 = arith.constant 0 : i32
        %swap3A_566 = arith.index_cast %swap3A_565 : i32 to index
        %swap3A_567 = arith.index_cast %add3A_564 : i32 to index
        %swap3A_568 = arith.constant 0 : index
        %swap3A_569 = tpu.vector_load %arg11[%swap3A_566, %swap3A_567, %swap3A_568] {strides = array<i32>} : memref<2x128x16xf32, #tpu.memory_space<vmem>>, vector<1x1x16xf32>,
        %swap3A_570 = vector.shape_cast %swap3A_569 : vector<1x1x16xf32> to vector<16xf32>
        %swap3A_571 = vector.shape_cast %mul3A_560 : vector<16xf32> to vector<1x1x16xf32>
        tpu.vector_store %arg11[%swap3A_566, %swap3A_567, %swap3A_568], %swap3A_571 {strides = array<i32>} : memref<2x128x16xf32, #tpu.memory_space<vmem>>, vector<1x1x16xf32>,
        %slice3A_572 = vector.extract_strided_slice %get3A_325 {offsets = [10], sizes = [1], strides = [1]} : vector<16xf32> to vector<1xf32>
        %squeeze3A_573 = vector.extract %slice3A_572[0] : f32 from vector<1xf32>
        %broadcast_in_dim3A_574 = vector.broadcast %squeeze3A_573 : f32 to vector<16xf32>
        %mul3A_575 = arith.constant 16 : i32
        %mul3A_576 = arith.muli %scan3A_320, %mul3A_575 : i32
        %add3A_577 = arith.constant 10 : i32
        %add3A_578 = arith.addi %mul3A_576, %add3A_577 : i32
        %get3A_579 = arith.constant 0 : i32
        %get3A_580 = arith.index_cast %get3A_579 : i32 to index
        %get3A_581 = arith.index_cast %add3A_578 : i32 to index
        %get3A_582 = arith.constant 0 : index
        %get3A_583 = tpu.vector_load %arg10[%get3A_580, %get3A_581, %get3A_582] {strides = array<i32>} : memref<2x128x16xf32, #tpu.memory_space<vmem>>, vector<1x1x16xf32>,
        %get3A_584 = vector.shape_cast %get3A_583 : vector<1x1x16xf32> to vector<16xf32>
        %mul3A_585 = arith.mulf %get3A_584, %broadcast_in_dim3A_574 : vector<16xf32>
        %mul3A_586 = arith.constant 16 : i32
        %mul3A_587 = arith.muli %scan3A_320, %mul3A_586 : i32
        %add3A_588 = arith.constant 10 : i32
        %add3A_589 = arith.addi %mul3A_587, %add3A_588 : i32
        %swap3A_590 = arith.constant 0 : i32
        %swap3A_591 = arith.index_cast %swap3A_590 : i32 to index
        %swap3A_592 = arith.index_cast %add3A_589 : i32 to index
        %swap3A_593 = arith.constant 0 : index
        %swap3A_594 = tpu.vector_load %arg11[%swap3A_591, %swap3A_592, %swap3A_593] {strides = array<i32>} : memref<2x128x16xf32, #tpu.memory_space<vmem>>, vector<1x1x16xf32>,
        %swap3A_595 = vector.shape_cast %swap3A_594 : vector<1x1x16xf32> to vector<16xf32>
        %swap3A_596 = vector.shape_cast %mul3A_585 : vector<16xf32> to vector<1x1x16xf32>
        tpu.vector_store %arg11[%swap3A_591, %swap3A_592, %swap3A_593], %swap3A_596 {strides = array<i32>} : memref<2x128x16xf32, #tpu.memory_space<vmem>>, vector<1x1x16xf32>,
        %slice3A_597 = vector.extract_strided_slice %get3A_325 {offsets = [11], sizes = [1], strides = [1]} : vector<16xf32> to vector<1xf32>
        %squeeze3A_598 = vector.extract %slice3A_597[0] : f32 from vector<1xf32>
        %broadcast_in_dim3A_599 = vector.broadcast %squeeze3A_598 : f32 to vector<16xf32>
        %mul3A_600 = arith.constant 16 : i32
        %mul3A_601 = arith.muli %scan3A_320, %mul3A_600 : i32
        %add3A_602 = arith.constant 11 : i32
        %add3A_603 = arith.addi %mul3A_601, %add3A_602 : i32
        %get3A_604 = arith.constant 0 : i32
        %get3A_605 = arith.index_cast %get3A_604 : i32 to index
        %get3A_606 = arith.index_cast %add3A_603 : i32 to index
        %get3A_607 = arith.constant 0 : index
        %get3A_608 = tpu.vector_load %arg10[%get3A_605, %get3A_606, %get3A_607] {strides = array<i32>} : memref<2x128x16xf32, #tpu.memory_space<vmem>>, vector<1x1x16xf32>,
        %get3A_609 = vector.shape_cast %get3A_608 : vector<1x1x16xf32> to vector<16xf32>
        %mul3A_610 = arith.mulf %get3A_609, %broadcast_in_dim3A_599 : vector<16xf32>
        %mul3A_611 = arith.constant 16 : i32
        %mul3A_612 = arith.muli %scan3A_320, %mul3A_611 : i32
        %add3A_613 = arith.constant 11 : i32
        %add3A_614 = arith.addi %mul3A_612, %add3A_613 : i32
        %swap3A_615 = arith.constant 0 : i32
        %swap3A_616 = arith.index_cast %swap3A_615 : i32 to index
        %swap3A_617 = arith.index_cast %add3A_614 : i32 to index
        %swap3A_618 = arith.constant 0 : index
        %swap3A_619 = tpu.vector_load %arg11[%swap3A_616, %swap3A_617, %swap3A_618] {strides = array<i32>} : memref<2x128x16xf32, #tpu.memory_space<vmem>>, vector<1x1x16xf32>,
        %swap3A_620 = vector.shape_cast %swap3A_619 : vector<1x1x16xf32> to vector<16xf32>
        %swap3A_621 = vector.shape_cast %mul3A_610 : vector<16xf32> to vector<1x1x16xf32>
        tpu.vector_store %arg11[%swap3A_616, %swap3A_617, %swap3A_618], %swap3A_621 {strides = array<i32>} : memref<2x128x16xf32, #tpu.memory_space<vmem>>, vector<1x1x16xf32>,
        %slice3A_622 = vector.extract_strided_slice %get3A_325 {offsets = [12], sizes = [1], strides = [1]} : vector<16xf32> to vector<1xf32>
        %squeeze3A_623 = vector.extract %slice3A_622[0] : f32 from vector<1xf32>
        %broadcast_in_dim3A_624 = vector.broadcast %squeeze3A_623 : f32 to vector<16xf32>
        %mul3A_625 = arith.constant 16 : i32
        %mul3A_626 = arith.muli %scan3A_320, %mul3A_625 : i32
        %add3A_627 = arith.constant 12 : i32
        %add3A_628 = arith.addi %mul3A_626, %add3A_627 : i32
        %get3A_629 = arith.constant 0 : i32
        %get3A_630 = arith.index_cast %get3A_629 : i32 to index
        %get3A_631 = arith.index_cast %add3A_628 : i32 to index
        %get3A_632 = arith.constant 0 : index
        %get3A_633 = tpu.vector_load %arg10[%get3A_630, %get3A_631, %get3A_632] {strides = array<i32>} : memref<2x128x16xf32, #tpu.memory_space<vmem>>, vector<1x1x16xf32>,
        %get3A_634 = vector.shape_cast %get3A_633 : vector<1x1x16xf32> to vector<16xf32>
        %mul3A_635 = arith.mulf %get3A_634, %broadcast_in_dim3A_624 : vector<16xf32>
        %mul3A_636 = arith.constant 16 : i32
        %mul3A_637 = arith.muli %scan3A_320, %mul3A_636 : i32
        %add3A_638 = arith.constant 12 : i32
        %add3A_639 = arith.addi %mul3A_637, %add3A_638 : i32
        %swap3A_640 = arith.constant 0 : i32
        %swap3A_641 = arith.index_cast %swap3A_640 : i32 to index
        %swap3A_642 = arith.index_cast %add3A_639 : i32 to index
        %swap3A_643 = arith.constant 0 : index
        %swap3A_644 = tpu.vector_load %arg11[%swap3A_641, %swap3A_642, %swap3A_643] {strides = array<i32>} : memref<2x128x16xf32, #tpu.memory_space<vmem>>, vector<1x1x16xf32>,
        %swap3A_645 = vector.shape_cast %swap3A_644 : vector<1x1x16xf32> to vector<16xf32>
        %swap3A_646 = vector.shape_cast %mul3A_635 : vector<16xf32> to vector<1x1x16xf32>
        tpu.vector_store %arg11[%swap3A_641, %swap3A_642, %swap3A_643], %swap3A_646 {strides = array<i32>} : memref<2x128x16xf32, #tpu.memory_space<vmem>>, vector<1x1x16xf32>,
        %slice3A_647 = vector.extract_strided_slice %get3A_325 {offsets = [13], sizes = [1], strides = [1]} : vector<16xf32> to vector<1xf32>
        %squeeze3A_648 = vector.extract %slice3A_647[0] : f32 from vector<1xf32>
        %broadcast_in_dim3A_649 = vector.broadcast %squeeze3A_648 : f32 to vector<16xf32>
        %mul3A_650 = arith.constant 16 : i32
        %mul3A_651 = arith.muli %scan3A_320, %mul3A_650 : i32
        %add3A_652 = arith.constant 13 : i32
        %add3A_653 = arith.addi %mul3A_651, %add3A_652 : i32
        %get3A_654 = arith.constant 0 : i32
        %get3A_655 = arith.index_cast %get3A_654 : i32 to index
        %get3A_656 = arith.index_cast %add3A_653 : i32 to index
        %get3A_657 = arith.constant 0 : index
        %get3A_658 = tpu.vector_load %arg10[%get3A_655, %get3A_656, %get3A_657] {strides = array<i32>} : memref<2x128x16xf32, #tpu.memory_space<vmem>>, vector<1x1x16xf32>,
        %get3A_659 = vector.shape_cast %get3A_658 : vector<1x1x16xf32> to vector<16xf32>
        %mul3A_660 = arith.mulf %get3A_659, %broadcast_in_dim3A_649 : vector<16xf32>
        %mul3A_661 = arith.constant 16 : i32
        %mul3A_662 = arith.muli %scan3A_320, %mul3A_661 : i32
        %add3A_663 = arith.constant 13 : i32
        %add3A_664 = arith.addi %mul3A_662, %add3A_663 : i32
        %swap3A_665 = arith.constant 0 : i32
        %swap3A_666 = arith.index_cast %swap3A_665 : i32 to index
        %swap3A_667 = arith.index_cast %add3A_664 : i32 to index
        %swap3A_668 = arith.constant 0 : index
        %swap3A_669 = tpu.vector_load %arg11[%swap3A_666, %swap3A_667, %swap3A_668] {strides = array<i32>} : memref<2x128x16xf32, #tpu.memory_space<vmem>>, vector<1x1x16xf32>,
        %swap3A_670 = vector.shape_cast %swap3A_669 : vector<1x1x16xf32> to vector<16xf32>
        %swap3A_671 = vector.shape_cast %mul3A_660 : vector<16xf32> to vector<1x1x16xf32>
        tpu.vector_store %arg11[%swap3A_666, %swap3A_667, %swap3A_668], %swap3A_671 {strides = array<i32>} : memref<2x128x16xf32, #tpu.memory_space<vmem>>, vector<1x1x16xf32>,
        %slice3A_672 = vector.extract_strided_slice %get3A_325 {offsets = [14], sizes = [1], strides = [1]} : vector<16xf32> to vector<1xf32>
        %squeeze3A_673 = vector.extract %slice3A_672[0] : f32 from vector<1xf32>
        %broadcast_in_dim3A_674 = vector.broadcast %squeeze3A_673 : f32 to vector<16xf32>
        %mul3A_675 = arith.constant 16 : i32
        %mul3A_676 = arith.muli %scan3A_320, %mul3A_675 : i32
        %add3A_677 = arith.constant 14 : i32
        %add3A_678 = arith.addi %mul3A_676, %add3A_677 : i32
        %get3A_679 = arith.constant 0 : i32
        %get3A_680 = arith.index_cast %get3A_679 : i32 to index
        %get3A_681 = arith.index_cast %add3A_678 : i32 to index
        %get3A_682 = arith.constant 0 : index
        %get3A_683 = tpu.vector_load %arg10[%get3A_680, %get3A_681, %get3A_682] {strides = array<i32>} : memref<2x128x16xf32, #tpu.memory_space<vmem>>, vector<1x1x16xf32>,
        %get3A_684 = vector.shape_cast %get3A_683 : vector<1x1x16xf32> to vector<16xf32>
        %mul3A_685 = arith.mulf %get3A_684, %broadcast_in_dim3A_674 : vector<16xf32>
        %mul3A_686 = arith.constant 16 : i32
        %mul3A_687 = arith.muli %scan3A_320, %mul3A_686 : i32
        %add3A_688 = arith.constant 14 : i32
        %add3A_689 = arith.addi %mul3A_687, %add3A_688 : i32
        %swap3A_690 = arith.constant 0 : i32
        %swap3A_691 = arith.index_cast %swap3A_690 : i32 to index
        %swap3A_692 = arith.index_cast %add3A_689 : i32 to index
        %swap3A_693 = arith.constant 0 : index
        %swap3A_694 = tpu.vector_load %arg11[%swap3A_691, %swap3A_692, %swap3A_693] {strides = array<i32>} : memref<2x128x16xf32, #tpu.memory_space<vmem>>, vector<1x1x16xf32>,
        %swap3A_695 = vector.shape_cast %swap3A_694 : vector<1x1x16xf32> to vector<16xf32>
        %swap3A_696 = vector.shape_cast %mul3A_685 : vector<16xf32> to vector<1x1x16xf32>
        tpu.vector_store %arg11[%swap3A_691, %swap3A_692, %swap3A_693], %swap3A_696 {strides = array<i32>} : memref<2x128x16xf32, #tpu.memory_space<vmem>>, vector<1x1x16xf32>,
        %slice3A_697 = vector.extract_strided_slice %get3A_325 {offsets = [15], sizes = [1], strides = [1]} : vector<16xf32> to vector<1xf32>
        %squeeze3A_698 = vector.extract %slice3A_697[0] : f32 from vector<1xf32>
        %broadcast_in_dim3A_699 = vector.broadcast %squeeze3A_698 : f32 to vector<16xf32>
        %mul3A_700 = arith.constant 16 : i32
        %mul3A_701 = arith.muli %scan3A_320, %mul3A_700 : i32
        %add3A_702 = arith.constant 15 : i32
        %add3A_703 = arith.addi %mul3A_701, %add3A_702 : i32
        %get3A_704 = arith.constant 0 : i32
        %get3A_705 = arith.index_cast %get3A_704 : i32 to index
        %get3A_706 = arith.index_cast %add3A_703 : i32 to index
        %get3A_707 = arith.constant 0 : index
        %get3A_708 = tpu.vector_load %arg10[%get3A_705, %get3A_706, %get3A_707] {strides = array<i32>} : memref<2x128x16xf32, #tpu.memory_space<vmem>>, vector<1x1x16xf32>,
        %get3A_709 = vector.shape_cast %get3A_708 : vector<1x1x16xf32> to vector<16xf32>
        %mul3A_710 = arith.mulf %get3A_709, %broadcast_in_dim3A_699 : vector<16xf32>
        %mul3A_711 = arith.constant 16 : i32
        %mul3A_712 = arith.muli %scan3A_320, %mul3A_711 : i32
        %add3A_713 = arith.constant 15 : i32
        %add3A_714 = arith.addi %mul3A_712, %add3A_713 : i32
        %swap3A_715 = arith.constant 0 : i32
        %swap3A_716 = arith.index_cast %swap3A_715 : i32 to index
        %swap3A_717 = arith.index_cast %add3A_714 : i32 to index
        %swap3A_718 = arith.constant 0 : index
        %swap3A_719 = tpu.vector_load %arg11[%swap3A_716, %swap3A_717, %swap3A_718] {strides = array<i32>} : memref<2x128x16xf32, #tpu.memory_space<vmem>>, vector<1x1x16xf32>,
        %swap3A_720 = vector.shape_cast %swap3A_719 : vector<1x1x16xf32> to vector<16xf32>
        %swap3A_721 = vector.shape_cast %mul3A_710 : vector<16xf32> to vector<1x1x16xf32>
        tpu.vector_store %arg11[%swap3A_716, %swap3A_717, %swap3A_718], %swap3A_721 {strides = array<i32>} : memref<2x128x16xf32, #tpu.memory_space<vmem>>, vector<1x1x16xf32>,
      }
      %scan3A_258 = arith.constant 8 : i32
      %dma_start3A_259 = arith.constant 0 : i32
      %dma_start3A_260 = arith.constant 0 : i32
      %dma_start3A_261 = arith.constant 0 : i32
      %dma_start3A_262 = tpu.memref_slice %arg11[%dma_start3A_259, %dma_start3A_260, %dma_start3A_261] : memref<2x128x16xf32, #tpu.memory_space<vmem>> -> memref<1x128x16xf32, #tpu.memory_space<vmem>>
      %dma_start3A_263 = tpu.memref_squeeze %dma_start3A_262 : memref<1x128x16xf32, #tpu.memory_space<vmem>> -> memref<128x16xf32, #tpu.memory_space<vmem>>
      %dma_start3A_264 = arith.constant 0 : i32
      %dma_start3A_265 = tpu.memref_slice %arg8[%add3A_225, %dma_start3A_264] : memref<80x128xi32, #tpu.memory_space<vmem>> -> memref<1x128xi32, #tpu.memory_space<vmem>>
      %dma_start3A_266 = tpu.memref_squeeze %dma_start3A_265 : memref<1x128xi32, #tpu.memory_space<vmem>> -> memref<128xi32, #tpu.memory_space<vmem>>
      %dma_start3A_267 = arith.constant 0 : i32
      %dma_start3A_268 = arith.constant 0 : i32
      %dma_start3A_269 = tpu.memref_slice %arg13[%dma_start3A_267, %dma_start3A_268] : memref<10112x16xf32, #tpu.memory_space<vmem_shared>> -> memref<10112x16xf32, #tpu.memory_space<vmem_shared>>
      tpu.enqueue_indirect_dma source(%dma_start3A_263 : memref<128x16xf32, #tpu.memory_space<vmem>>) target(%dma_start3A_269 : memref<10112x16xf32, #tpu.memory_space<vmem_shared>>) offsets(%dma_start3A_266 : memref<128xi32, #tpu.memory_space<vmem>>) semaphore(%arg16 : memref<!tpu.dma_semaphore, #tpu.memory_space<semaphore_mem>>) {add = true}
      %add3A_270 = arith.constant 1 : i32
      %add3A_271 = arith.addi %add3A_223, %add3A_270 : i32
      %add3A_272 = arith.constant 1 : i32
      %add3A_273 = arith.addi %add3A_271, %add3A_272 : i32
      %lt3A_274 = arith.constant 80 : i32
      %lt3A_275 = arith.cmpi slt, %add3A_273, %lt3A_274 : i32
      %convert_element_type3A_276 = arith.extui %lt3A_275 : i1 to i32
      %cond3A_277 = arith.constant 0 : i32
      %cond3A_278 = arith.cmpi ne, %convert_element_type3A_276, %cond3A_277 : i32
      scf.if %cond3A_278 {
        %add3A_320 = arith.constant 1 : i32
        %add3A_321 = arith.addi %add3A_271, %add3A_320 : i32
        %dma_start3A_322 = arith.constant 0 : i32
        %dma_start3A_323 = arith.constant 0 : i32
        %dma_start3A_324 = arith.constant 0 : i32
        %dma_start3A_325 = tpu.memref_slice %arg10[%dma_start3A_322, %dma_start3A_323, %dma_start3A_324] : memref<2x128x16xf32, #tpu.memory_space<vmem>> -> memref<1x128x16xf32, #tpu.memory_space<vmem>>
        %dma_start3A_326 = tpu.memref_squeeze %dma_start3A_325 : memref<1x128x16xf32, #tpu.memory_space<vmem>> -> memref<128x16xf32, #tpu.memory_space<vmem>>
        %dma_start3A_327 = arith.constant 0 : i32
        %dma_start3A_328 = tpu.memref_slice %arg7[%add3A_321, %dma_start3A_327] : memref<80x128xi32, #tpu.memory_space<vmem>> -> memref<1x128xi32, #tpu.memory_space<vmem>>
        %dma_start3A_329 = tpu.memref_squeeze %dma_start3A_328 : memref<1x128xi32, #tpu.memory_space<vmem>> -> memref<128xi32, #tpu.memory_space<vmem>>
        %dma_start3A_330 = arith.constant 0 : i32
        %dma_start3A_331 = arith.constant 0 : i32
        %dma_start3A_332 = tpu.memref_slice %arg12[%dma_start3A_330, %dma_start3A_331] : memref<10112x16xf32, #tpu.memory_space<vmem_shared>> -> memref<10112x16xf32, #tpu.memory_space<vmem_shared>>
        tpu.enqueue_indirect_dma source(%dma_start3A_332 : memref<10112x16xf32, #tpu.memory_space<vmem_shared>>) target(%dma_start3A_326 : memref<128x16xf32, #tpu.memory_space<vmem>>) offsets(%dma_start3A_329 : memref<128xi32, #tpu.memory_space<vmem>>) semaphore(%arg14 : memref<!tpu.dma_semaphore, #tpu.memory_space<semaphore_mem>>)
      } else {
      }
      %dma_wait3A_279 = arith.constant 1 : i32
      %dma_wait3A_280 = arith.constant 0 : i32
      %dma_wait3A_281 = arith.constant 0 : i32
      %dma_wait3A_282 = tpu.memref_slice %arg10[%dma_wait3A_279, %dma_wait3A_280, %dma_wait3A_281] : memref<2x128x16xf32, #tpu.memory_space<vmem>> -> memref<1x128x16xf32, #tpu.memory_space<vmem>>
      %dma_wait3A_283 = tpu.memref_squeeze %dma_wait3A_282 : memref<1x128x16xf32, #tpu.memory_space<vmem>> -> memref<128x16xf32, #tpu.memory_space<vmem>>
      %dma_wait3A_284 = arith.constant 0 : i32
      %dma_wait3A_285 = tpu.memref_slice %arg7[%add3A_271, %dma_wait3A_284] : memref<80x128xi32, #tpu.memory_space<vmem>> -> memref<1x128xi32, #tpu.memory_space<vmem>>
      %dma_wait3A_286 = tpu.memref_squeeze %dma_wait3A_285 : memref<1x128xi32, #tpu.memory_space<vmem>> -> memref<128xi32, #tpu.memory_space<vmem>>
      %dma_wait3A_287 = arith.constant 0 : i32
      %dma_wait3A_288 = arith.constant 0 : i32
      %dma_wait3A_289 = tpu.memref_slice %arg12[%dma_wait3A_287, %dma_wait3A_288] : memref<10112x16xf32, #tpu.memory_space<vmem_shared>> -> memref<10112x16xf32, #tpu.memory_space<vmem_shared>>
      tpu.wait_indirect_dma semaphore(%arg15 : memref<!tpu.dma_semaphore, #tpu.memory_space<semaphore_mem>>) src(%dma_wait3A_289 : memref<10112x16xf32, #tpu.memory_space<vmem_shared>>) dst(%dma_wait3A_283 : memref<128x16xf32, #tpu.memory_space<vmem>>)
      %sub3A_290 = arith.constant 2 : i32
      %sub3A_291 = arith.subi %add3A_271, %sub3A_290 : i32
      %dma_wait3A_292 = arith.constant 1 : i32
      %dma_wait3A_293 = arith.constant 0 : i32
      %dma_wait3A_294 = arith.constant 0 : i32
      %dma_wait3A_295 = tpu.memref_slice %arg11[%dma_wait3A_292, %dma_wait3A_293, %dma_wait3A_294] : memref<2x128x16xf32, #tpu.memory_space<vmem>> -> memref<1x128x16xf32, #tpu.memory_space<vmem>>
      %dma_wait3A_296 = tpu.memref_squeeze %dma_wait3A_295 : memref<1x128x16xf32, #tpu.memory_space<vmem>> -> memref<128x16xf32, #tpu.memory_space<vmem>>
      %dma_wait3A_297 = arith.constant 0 : i32
      %dma_wait3A_298 = tpu.memref_slice %arg8[%sub3A_291, %dma_wait3A_297] : memref<80x128xi32, #tpu.memory_space<vmem>> -> memref<1x128xi32, #tpu.memory_space<vmem>>
      %dma_wait3A_299 = tpu.memref_squeeze %dma_wait3A_298 : memref<1x128xi32, #tpu.memory_space<vmem>> -> memref<128xi32, #tpu.memory_space<vmem>>
      %dma_wait3A_300 = arith.constant 0 : i32
      %dma_wait3A_301 = arith.constant 0 : i32
      %dma_wait3A_302 = tpu.memref_slice %arg13[%dma_wait3A_300, %dma_wait3A_301] : memref<10112x16xf32, #tpu.memory_space<vmem_shared>> -> memref<10112x16xf32, #tpu.memory_space<vmem_shared>>
      tpu.wait_indirect_dma semaphore(%arg17 : memref<!tpu.dma_semaphore, #tpu.memory_space<semaphore_mem>>) src(%dma_wait3A_296 : memref<128x16xf32, #tpu.memory_space<vmem>>) dst(%dma_wait3A_302 : memref<10112x16xf32, #tpu.memory_space<vmem_shared>>)
      %scan3A_303 = arith.constant 0 : i32
      %scan3A_304 = arith.constant 0 : i32
      %scan3A_305 = arith.constant 8 : i32
      %scan3A_306 = arith.addi %scan3A_304, %scan3A_305 : i32
      %scan3A_307 = arith.constant 1 : i32
      scf.for %scan3A_320 = %scan3A_304 to %scan3A_306 step %scan3A_307  : i32 {
        %mul3A_321 = arith.constant 16 : i32
        %mul3A_322 = arith.muli %scan3A_320, %mul3A_321 : i32
        %get3A = arith.index_cast %add3A_271 : i32 to index
        %get3A_323 = arith.index_cast %mul3A_322 : i32 to index
        %get3A_324 = tpu.vector_load %arg9[%get3A, %get3A_323] {strides = array<i32>} : memref<80x128xf32, #tpu.memory_space<vmem>>, vector<1x16xf32>,
        %get3A_325 = vector.shape_cast %get3A_324 : vector<1x16xf32> to vector<16xf32>
        %slice3A = vector.extract_strided_slice %get3A_325 {offsets = [0], sizes = [1], strides = [1]} : vector<16xf32> to vector<1xf32>
        %squeeze3A = vector.extract %slice3A[0] : f32 from vector<1xf32>
        %broadcast_in_dim3A = vector.broadcast %squeeze3A : f32 to vector<16xf32>
        %mul3A_326 = arith.constant 16 : i32
        %mul3A_327 = arith.muli %scan3A_320, %mul3A_326 : i32
        %add3A_328 = arith.constant 0 : i32
        %add3A_329 = arith.addi %mul3A_327, %add3A_328 : i32
        %get3A_330 = arith.constant 1 : i32
        %get3A_331 = arith.index_cast %get3A_330 : i32 to index
        %get3A_332 = arith.index_cast %add3A_329 : i32 to index
        %get3A_333 = arith.constant 0 : index
        %get3A_334 = tpu.vector_load %arg10[%get3A_331, %get3A_332, %get3A_333] {strides = array<i32>} : memref<2x128x16xf32, #tpu.memory_space<vmem>>, vector<1x1x16xf32>,
        %get3A_335 = vector.shape_cast %get3A_334 : vector<1x1x16xf32> to vector<16xf32>
        %mul3A_336 = arith.mulf %get3A_335, %broadcast_in_dim3A : vector<16xf32>
        %mul3A_337 = arith.constant 16 : i32
        %mul3A_338 = arith.muli %scan3A_320, %mul3A_337 : i32
        %add3A_339 = arith.constant 0 : i32
        %add3A_340 = arith.addi %mul3A_338, %add3A_339 : i32
        %swap3A = arith.constant 1 : i32
        %swap3A_341 = arith.index_cast %swap3A : i32 to index
        %swap3A_342 = arith.index_cast %add3A_340 : i32 to index
        %swap3A_343 = arith.constant 0 : index
        %swap3A_344 = tpu.vector_load %arg11[%swap3A_341, %swap3A_342, %swap3A_343] {strides = array<i32>} : memref<2x128x16xf32, #tpu.memory_space<vmem>>, vector<1x1x16xf32>,
        %swap3A_345 = vector.shape_cast %swap3A_344 : vector<1x1x16xf32> to vector<16xf32>
        %swap3A_346 = vector.shape_cast %mul3A_336 : vector<16xf32> to vector<1x1x16xf32>
        tpu.vector_store %arg11[%swap3A_341, %swap3A_342, %swap3A_343], %swap3A_346 {strides = array<i32>} : memref<2x128x16xf32, #tpu.memory_space<vmem>>, vector<1x1x16xf32>,
        %slice3A_347 = vector.extract_strided_slice %get3A_325 {offsets = [1], sizes = [1], strides = [1]} : vector<16xf32> to vector<1xf32>
        %squeeze3A_348 = vector.extract %slice3A_347[0] : f32 from vector<1xf32>
        %broadcast_in_dim3A_349 = vector.broadcast %squeeze3A_348 : f32 to vector<16xf32>
        %mul3A_350 = arith.constant 16 : i32
        %mul3A_351 = arith.muli %scan3A_320, %mul3A_350 : i32
        %add3A_352 = arith.constant 1 : i32
        %add3A_353 = arith.addi %mul3A_351, %add3A_352 : i32
        %get3A_354 = arith.constant 1 : i32
        %get3A_355 = arith.index_cast %get3A_354 : i32 to index
        %get3A_356 = arith.index_cast %add3A_353 : i32 to index
        %get3A_357 = arith.constant 0 : index
        %get3A_358 = tpu.vector_load %arg10[%get3A_355, %get3A_356, %get3A_357] {strides = array<i32>} : memref<2x128x16xf32, #tpu.memory_space<vmem>>, vector<1x1x16xf32>,
        %get3A_359 = vector.shape_cast %get3A_358 : vector<1x1x16xf32> to vector<16xf32>
        %mul3A_360 = arith.mulf %get3A_359, %broadcast_in_dim3A_349 : vector<16xf32>
        %mul3A_361 = arith.constant 16 : i32
        %mul3A_362 = arith.muli %scan3A_320, %mul3A_361 : i32
        %add3A_363 = arith.constant 1 : i32
        %add3A_364 = arith.addi %mul3A_362, %add3A_363 : i32
        %swap3A_365 = arith.constant 1 : i32
        %swap3A_366 = arith.index_cast %swap3A_365 : i32 to index
        %swap3A_367 = arith.index_cast %add3A_364 : i32 to index
        %swap3A_368 = arith.constant 0 : index
        %swap3A_369 = tpu.vector_load %arg11[%swap3A_366, %swap3A_367, %swap3A_368] {strides = array<i32>} : memref<2x128x16xf32, #tpu.memory_space<vmem>>, vector<1x1x16xf32>,
        %swap3A_370 = vector.shape_cast %swap3A_369 : vector<1x1x16xf32> to vector<16xf32>
        %swap3A_371 = vector.shape_cast %mul3A_360 : vector<16xf32> to vector<1x1x16xf32>
        tpu.vector_store %arg11[%swap3A_366, %swap3A_367, %swap3A_368], %swap3A_371 {strides = array<i32>} : memref<2x128x16xf32, #tpu.memory_space<vmem>>, vector<1x1x16xf32>,
        %slice3A_372 = vector.extract_strided_slice %get3A_325 {offsets = [2], sizes = [1], strides = [1]} : vector<16xf32> to vector<1xf32>
        %squeeze3A_373 = vector.extract %slice3A_372[0] : f32 from vector<1xf32>
        %broadcast_in_dim3A_374 = vector.broadcast %squeeze3A_373 : f32 to vector<16xf32>
        %mul3A_375 = arith.constant 16 : i32
        %mul3A_376 = arith.muli %scan3A_320, %mul3A_375 : i32
        %add3A_377 = arith.constant 2 : i32
        %add3A_378 = arith.addi %mul3A_376, %add3A_377 : i32
        %get3A_379 = arith.constant 1 : i32
        %get3A_380 = arith.index_cast %get3A_379 : i32 to index
        %get3A_381 = arith.index_cast %add3A_378 : i32 to index
        %get3A_382 = arith.constant 0 : index
        %get3A_383 = tpu.vector_load %arg10[%get3A_380, %get3A_381, %get3A_382] {strides = array<i32>} : memref<2x128x16xf32, #tpu.memory_space<vmem>>, vector<1x1x16xf32>,
        %get3A_384 = vector.shape_cast %get3A_383 : vector<1x1x16xf32> to vector<16xf32>
        %mul3A_385 = arith.mulf %get3A_384, %broadcast_in_dim3A_374 : vector<16xf32>
        %mul3A_386 = arith.constant 16 : i32
        %mul3A_387 = arith.muli %scan3A_320, %mul3A_386 : i32
        %add3A_388 = arith.constant 2 : i32
        %add3A_389 = arith.addi %mul3A_387, %add3A_388 : i32
        %swap3A_390 = arith.constant 1 : i32
        %swap3A_391 = arith.index_cast %swap3A_390 : i32 to index
        %swap3A_392 = arith.index_cast %add3A_389 : i32 to index
        %swap3A_393 = arith.constant 0 : index
        %swap3A_394 = tpu.vector_load %arg11[%swap3A_391, %swap3A_392, %swap3A_393] {strides = array<i32>} : memref<2x128x16xf32, #tpu.memory_space<vmem>>, vector<1x1x16xf32>,
        %swap3A_395 = vector.shape_cast %swap3A_394 : vector<1x1x16xf32> to vector<16xf32>
        %swap3A_396 = vector.shape_cast %mul3A_385 : vector<16xf32> to vector<1x1x16xf32>
        tpu.vector_store %arg11[%swap3A_391, %swap3A_392, %swap3A_393], %swap3A_396 {strides = array<i32>} : memref<2x128x16xf32, #tpu.memory_space<vmem>>, vector<1x1x16xf32>,
        %slice3A_397 = vector.extract_strided_slice %get3A_325 {offsets = [3], sizes = [1], strides = [1]} : vector<16xf32> to vector<1xf32>
        %squeeze3A_398 = vector.extract %slice3A_397[0] : f32 from vector<1xf32>
        %broadcast_in_dim3A_399 = vector.broadcast %squeeze3A_398 : f32 to vector<16xf32>
        %mul3A_400 = arith.constant 16 : i32
        %mul3A_401 = arith.muli %scan3A_320, %mul3A_400 : i32
        %add3A_402 = arith.constant 3 : i32
        %add3A_403 = arith.addi %mul3A_401, %add3A_402 : i32
        %get3A_404 = arith.constant 1 : i32
        %get3A_405 = arith.index_cast %get3A_404 : i32 to index
        %get3A_406 = arith.index_cast %add3A_403 : i32 to index
        %get3A_407 = arith.constant 0 : index
        %get3A_408 = tpu.vector_load %arg10[%get3A_405, %get3A_406, %get3A_407] {strides = array<i32>} : memref<2x128x16xf32, #tpu.memory_space<vmem>>, vector<1x1x16xf32>,
        %get3A_409 = vector.shape_cast %get3A_408 : vector<1x1x16xf32> to vector<16xf32>
        %mul3A_410 = arith.mulf %get3A_409, %broadcast_in_dim3A_399 : vector<16xf32>
        %mul3A_411 = arith.constant 16 : i32
        %mul3A_412 = arith.muli %scan3A_320, %mul3A_411 : i32
        %add3A_413 = arith.constant 3 : i32
        %add3A_414 = arith.addi %mul3A_412, %add3A_413 : i32
        %swap3A_415 = arith.constant 1 : i32
        %swap3A_416 = arith.index_cast %swap3A_415 : i32 to index
        %swap3A_417 = arith.index_cast %add3A_414 : i32 to index
        %swap3A_418 = arith.constant 0 : index
        %swap3A_419 = tpu.vector_load %arg11[%swap3A_416, %swap3A_417, %swap3A_418] {strides = array<i32>} : memref<2x128x16xf32, #tpu.memory_space<vmem>>, vector<1x1x16xf32>,
        %swap3A_420 = vector.shape_cast %swap3A_419 : vector<1x1x16xf32> to vector<16xf32>
        %swap3A_421 = vector.shape_cast %mul3A_410 : vector<16xf32> to vector<1x1x16xf32>
        tpu.vector_store %arg11[%swap3A_416, %swap3A_417, %swap3A_418], %swap3A_421 {strides = array<i32>} : memref<2x128x16xf32, #tpu.memory_space<vmem>>, vector<1x1x16xf32>,
        %slice3A_422 = vector.extract_strided_slice %get3A_325 {offsets = [4], sizes = [1], strides = [1]} : vector<16xf32> to vector<1xf32>
        %squeeze3A_423 = vector.extract %slice3A_422[0] : f32 from vector<1xf32>
        %broadcast_in_dim3A_424 = vector.broadcast %squeeze3A_423 : f32 to vector<16xf32>
        %mul3A_425 = arith.constant 16 : i32
        %mul3A_426 = arith.muli %scan3A_320, %mul3A_425 : i32
        %add3A_427 = arith.constant 4 : i32
        %add3A_428 = arith.addi %mul3A_426, %add3A_427 : i32
        %get3A_429 = arith.constant 1 : i32
        %get3A_430 = arith.index_cast %get3A_429 : i32 to index
        %get3A_431 = arith.index_cast %add3A_428 : i32 to index
        %get3A_432 = arith.constant 0 : index
        %get3A_433 = tpu.vector_load %arg10[%get3A_430, %get3A_431, %get3A_432] {strides = array<i32>} : memref<2x128x16xf32, #tpu.memory_space<vmem>>, vector<1x1x16xf32>,
        %get3A_434 = vector.shape_cast %get3A_433 : vector<1x1x16xf32> to vector<16xf32>
        %mul3A_435 = arith.mulf %get3A_434, %broadcast_in_dim3A_424 : vector<16xf32>
        %mul3A_436 = arith.constant 16 : i32
        %mul3A_437 = arith.muli %scan3A_320, %mul3A_436 : i32
        %add3A_438 = arith.constant 4 : i32
        %add3A_439 = arith.addi %mul3A_437, %add3A_438 : i32
        %swap3A_440 = arith.constant 1 : i32
        %swap3A_441 = arith.index_cast %swap3A_440 : i32 to index
        %swap3A_442 = arith.index_cast %add3A_439 : i32 to index
        %swap3A_443 = arith.constant 0 : index
        %swap3A_444 = tpu.vector_load %arg11[%swap3A_441, %swap3A_442, %swap3A_443] {strides = array<i32>} : memref<2x128x16xf32, #tpu.memory_space<vmem>>, vector<1x1x16xf32>,
        %swap3A_445 = vector.shape_cast %swap3A_444 : vector<1x1x16xf32> to vector<16xf32>
        %swap3A_446 = vector.shape_cast %mul3A_435 : vector<16xf32> to vector<1x1x16xf32>
        tpu.vector_store %arg11[%swap3A_441, %swap3A_442, %swap3A_443], %swap3A_446 {strides = array<i32>} : memref<2x128x16xf32, #tpu.memory_space<vmem>>, vector<1x1x16xf32>,
        %slice3A_447 = vector.extract_strided_slice %get3A_325 {offsets = [5], sizes = [1], strides = [1]} : vector<16xf32> to vector<1xf32>
        %squeeze3A_448 = vector.extract %slice3A_447[0] : f32 from vector<1xf32>
        %broadcast_in_dim3A_449 = vector.broadcast %squeeze3A_448 : f32 to vector<16xf32>
        %mul3A_450 = arith.constant 16 : i32
        %mul3A_451 = arith.muli %scan3A_320, %mul3A_450 : i32
        %add3A_452 = arith.constant 5 : i32
        %add3A_453 = arith.addi %mul3A_451, %add3A_452 : i32
        %get3A_454 = arith.constant 1 : i32
        %get3A_455 = arith.index_cast %get3A_454 : i32 to index
        %get3A_456 = arith.index_cast %add3A_453 : i32 to index
        %get3A_457 = arith.constant 0 : index
        %get3A_458 = tpu.vector_load %arg10[%get3A_455, %get3A_456, %get3A_457] {strides = array<i32>} : memref<2x128x16xf32, #tpu.memory_space<vmem>>, vector<1x1x16xf32>,
        %get3A_459 = vector.shape_cast %get3A_458 : vector<1x1x16xf32> to vector<16xf32>
        %mul3A_460 = arith.mulf %get3A_459, %broadcast_in_dim3A_449 : vector<16xf32>
        %mul3A_461 = arith.constant 16 : i32
        %mul3A_462 = arith.muli %scan3A_320, %mul3A_461 : i32
        %add3A_463 = arith.constant 5 : i32
        %add3A_464 = arith.addi %mul3A_462, %add3A_463 : i32
        %swap3A_465 = arith.constant 1 : i32
        %swap3A_466 = arith.index_cast %swap3A_465 : i32 to index
        %swap3A_467 = arith.index_cast %add3A_464 : i32 to index
        %swap3A_468 = arith.constant 0 : index
        %swap3A_469 = tpu.vector_load %arg11[%swap3A_466, %swap3A_467, %swap3A_468] {strides = array<i32>} : memref<2x128x16xf32, #tpu.memory_space<vmem>>, vector<1x1x16xf32>,
        %swap3A_470 = vector.shape_cast %swap3A_469 : vector<1x1x16xf32> to vector<16xf32>
        %swap3A_471 = vector.shape_cast %mul3A_460 : vector<16xf32> to vector<1x1x16xf32>
        tpu.vector_store %arg11[%swap3A_466, %swap3A_467, %swap3A_468], %swap3A_471 {strides = array<i32>} : memref<2x128x16xf32, #tpu.memory_space<vmem>>, vector<1x1x16xf32>,
        %slice3A_472 = vector.extract_strided_slice %get3A_325 {offsets = [6], sizes = [1], strides = [1]} : vector<16xf32> to vector<1xf32>
        %squeeze3A_473 = vector.extract %slice3A_472[0] : f32 from vector<1xf32>
        %broadcast_in_dim3A_474 = vector.broadcast %squeeze3A_473 : f32 to vector<16xf32>
        %mul3A_475 = arith.constant 16 : i32
        %mul3A_476 = arith.muli %scan3A_320, %mul3A_475 : i32
        %add3A_477 = arith.constant 6 : i32
        %add3A_478 = arith.addi %mul3A_476, %add3A_477 : i32
        %get3A_479 = arith.constant 1 : i32
        %get3A_480 = arith.index_cast %get3A_479 : i32 to index
        %get3A_481 = arith.index_cast %add3A_478 : i32 to index
        %get3A_482 = arith.constant 0 : index
        %get3A_483 = tpu.vector_load %arg10[%get3A_480, %get3A_481, %get3A_482] {strides = array<i32>} : memref<2x128x16xf32, #tpu.memory_space<vmem>>, vector<1x1x16xf32>,
        %get3A_484 = vector.shape_cast %get3A_483 : vector<1x1x16xf32> to vector<16xf32>
        %mul3A_485 = arith.mulf %get3A_484, %broadcast_in_dim3A_474 : vector<16xf32>
        %mul3A_486 = arith.constant 16 : i32
        %mul3A_487 = arith.muli %scan3A_320, %mul3A_486 : i32
        %add3A_488 = arith.constant 6 : i32
        %add3A_489 = arith.addi %mul3A_487, %add3A_488 : i32
        %swap3A_490 = arith.constant 1 : i32
        %swap3A_491 = arith.index_cast %swap3A_490 : i32 to index
        %swap3A_492 = arith.index_cast %add3A_489 : i32 to index
        %swap3A_493 = arith.constant 0 : index
        %swap3A_494 = tpu.vector_load %arg11[%swap3A_491, %swap3A_492, %swap3A_493] {strides = array<i32>} : memref<2x128x16xf32, #tpu.memory_space<vmem>>, vector<1x1x16xf32>,
        %swap3A_495 = vector.shape_cast %swap3A_494 : vector<1x1x16xf32> to vector<16xf32>
        %swap3A_496 = vector.shape_cast %mul3A_485 : vector<16xf32> to vector<1x1x16xf32>
        tpu.vector_store %arg11[%swap3A_491, %swap3A_492, %swap3A_493], %swap3A_496 {strides = array<i32>} : memref<2x128x16xf32, #tpu.memory_space<vmem>>, vector<1x1x16xf32>,
        %slice3A_497 = vector.extract_strided_slice %get3A_325 {offsets = [7], sizes = [1], strides = [1]} : vector<16xf32> to vector<1xf32>
        %squeeze3A_498 = vector.extract %slice3A_497[0] : f32 from vector<1xf32>
        %broadcast_in_dim3A_499 = vector.broadcast %squeeze3A_498 : f32 to vector<16xf32>
        %mul3A_500 = arith.constant 16 : i32
        %mul3A_501 = arith.muli %scan3A_320, %mul3A_500 : i32
        %add3A_502 = arith.constant 7 : i32
        %add3A_503 = arith.addi %mul3A_501, %add3A_502 : i32
        %get3A_504 = arith.constant 1 : i32
        %get3A_505 = arith.index_cast %get3A_504 : i32 to index
        %get3A_506 = arith.index_cast %add3A_503 : i32 to index
        %get3A_507 = arith.constant 0 : index
        %get3A_508 = tpu.vector_load %arg10[%get3A_505, %get3A_506, %get3A_507] {strides = array<i32>} : memref<2x128x16xf32, #tpu.memory_space<vmem>>, vector<1x1x16xf32>,
        %get3A_509 = vector.shape_cast %get3A_508 : vector<1x1x16xf32> to vector<16xf32>
        %mul3A_510 = arith.mulf %get3A_509, %broadcast_in_dim3A_499 : vector<16xf32>
        %mul3A_511 = arith.constant 16 : i32
        %mul3A_512 = arith.muli %scan3A_320, %mul3A_511 : i32
        %add3A_513 = arith.constant 7 : i32
        %add3A_514 = arith.addi %mul3A_512, %add3A_513 : i32
        %swap3A_515 = arith.constant 1 : i32
        %swap3A_516 = arith.index_cast %swap3A_515 : i32 to index
        %swap3A_517 = arith.index_cast %add3A_514 : i32 to index
        %swap3A_518 = arith.constant 0 : index
        %swap3A_519 = tpu.vector_load %arg11[%swap3A_516, %swap3A_517, %swap3A_518] {strides = array<i32>} : memref<2x128x16xf32, #tpu.memory_space<vmem>>, vector<1x1x16xf32>,
        %swap3A_520 = vector.shape_cast %swap3A_519 : vector<1x1x16xf32> to vector<16xf32>
        %swap3A_521 = vector.shape_cast %mul3A_510 : vector<16xf32> to vector<1x1x16xf32>
        tpu.vector_store %arg11[%swap3A_516, %swap3A_517, %swap3A_518], %swap3A_521 {strides = array<i32>} : memref<2x128x16xf32, #tpu.memory_space<vmem>>, vector<1x1x16xf32>,
        %slice3A_522 = vector.extract_strided_slice %get3A_325 {offsets = [8], sizes = [1], strides = [1]} : vector<16xf32> to vector<1xf32>
        %squeeze3A_523 = vector.extract %slice3A_522[0] : f32 from vector<1xf32>
        %broadcast_in_dim3A_524 = vector.broadcast %squeeze3A_523 : f32 to vector<16xf32>
        %mul3A_525 = arith.constant 16 : i32
        %mul3A_526 = arith.muli %scan3A_320, %mul3A_525 : i32
        %add3A_527 = arith.constant 8 : i32
        %add3A_528 = arith.addi %mul3A_526, %add3A_527 : i32
        %get3A_529 = arith.constant 1 : i32
        %get3A_530 = arith.index_cast %get3A_529 : i32 to index
        %get3A_531 = arith.index_cast %add3A_528 : i32 to index
        %get3A_532 = arith.constant 0 : index
        %get3A_533 = tpu.vector_load %arg10[%get3A_530, %get3A_531, %get3A_532] {strides = array<i32>} : memref<2x128x16xf32, #tpu.memory_space<vmem>>, vector<1x1x16xf32>,
        %get3A_534 = vector.shape_cast %get3A_533 : vector<1x1x16xf32> to vector<16xf32>
        %mul3A_535 = arith.mulf %get3A_534, %broadcast_in_dim3A_524 : vector<16xf32>
        %mul3A_536 = arith.constant 16 : i32
        %mul3A_537 = arith.muli %scan3A_320, %mul3A_536 : i32
        %add3A_538 = arith.constant 8 : i32
        %add3A_539 = arith.addi %mul3A_537, %add3A_538 : i32
        %swap3A_540 = arith.constant 1 : i32
        %swap3A_541 = arith.index_cast %swap3A_540 : i32 to index
        %swap3A_542 = arith.index_cast %add3A_539 : i32 to index
        %swap3A_543 = arith.constant 0 : index
        %swap3A_544 = tpu.vector_load %arg11[%swap3A_541, %swap3A_542, %swap3A_543] {strides = array<i32>} : memref<2x128x16xf32, #tpu.memory_space<vmem>>, vector<1x1x16xf32>,
        %swap3A_545 = vector.shape_cast %swap3A_544 : vector<1x1x16xf32> to vector<16xf32>
        %swap3A_546 = vector.shape_cast %mul3A_535 : vector<16xf32> to vector<1x1x16xf32>
        tpu.vector_store %arg11[%swap3A_541, %swap3A_542, %swap3A_543], %swap3A_546 {strides = array<i32>} : memref<2x128x16xf32, #tpu.memory_space<vmem>>, vector<1x1x16xf32>,
        %slice3A_547 = vector.extract_strided_slice %get3A_325 {offsets = [9], sizes = [1], strides = [1]} : vector<16xf32> to vector<1xf32>
        %squeeze3A_548 = vector.extract %slice3A_547[0] : f32 from vector<1xf32>
        %broadcast_in_dim3A_549 = vector.broadcast %squeeze3A_548 : f32 to vector<16xf32>
        %mul3A_550 = arith.constant 16 : i32
        %mul3A_551 = arith.muli %scan3A_320, %mul3A_550 : i32
        %add3A_552 = arith.constant 9 : i32
        %add3A_553 = arith.addi %mul3A_551, %add3A_552 : i32
        %get3A_554 = arith.constant 1 : i32
        %get3A_555 = arith.index_cast %get3A_554 : i32 to index
        %get3A_556 = arith.index_cast %add3A_553 : i32 to index
        %get3A_557 = arith.constant 0 : index
        %get3A_558 = tpu.vector_load %arg10[%get3A_555, %get3A_556, %get3A_557] {strides = array<i32>} : memref<2x128x16xf32, #tpu.memory_space<vmem>>, vector<1x1x16xf32>,
        %get3A_559 = vector.shape_cast %get3A_558 : vector<1x1x16xf32> to vector<16xf32>
        %mul3A_560 = arith.mulf %get3A_559, %broadcast_in_dim3A_549 : vector<16xf32>
        %mul3A_561 = arith.constant 16 : i32
        %mul3A_562 = arith.muli %scan3A_320, %mul3A_561 : i32
        %add3A_563 = arith.constant 9 : i32
        %add3A_564 = arith.addi %mul3A_562, %add3A_563 : i32
        %swap3A_565 = arith.constant 1 : i32
        %swap3A_566 = arith.index_cast %swap3A_565 : i32 to index
        %swap3A_567 = arith.index_cast %add3A_564 : i32 to index
        %swap3A_568 = arith.constant 0 : index
        %swap3A_569 = tpu.vector_load %arg11[%swap3A_566, %swap3A_567, %swap3A_568] {strides = array<i32>} : memref<2x128x16xf32, #tpu.memory_space<vmem>>, vector<1x1x16xf32>,
        %swap3A_570 = vector.shape_cast %swap3A_569 : vector<1x1x16xf32> to vector<16xf32>
        %swap3A_571 = vector.shape_cast %mul3A_560 : vector<16xf32> to vector<1x1x16xf32>
        tpu.vector_store %arg11[%swap3A_566, %swap3A_567, %swap3A_568], %swap3A_571 {strides = array<i32>} : memref<2x128x16xf32, #tpu.memory_space<vmem>>, vector<1x1x16xf32>,
        %slice3A_572 = vector.extract_strided_slice %get3A_325 {offsets = [10], sizes = [1], strides = [1]} : vector<16xf32> to vector<1xf32>
        %squeeze3A_573 = vector.extract %slice3A_572[0] : f32 from vector<1xf32>
        %broadcast_in_dim3A_574 = vector.broadcast %squeeze3A_573 : f32 to vector<16xf32>
        %mul3A_575 = arith.constant 16 : i32
        %mul3A_576 = arith.muli %scan3A_320, %mul3A_575 : i32
        %add3A_577 = arith.constant 10 : i32
        %add3A_578 = arith.addi %mul3A_576, %add3A_577 : i32
        %get3A_579 = arith.constant 1 : i32
        %get3A_580 = arith.index_cast %get3A_579 : i32 to index
        %get3A_581 = arith.index_cast %add3A_578 : i32 to index
        %get3A_582 = arith.constant 0 : index
        %get3A_583 = tpu.vector_load %arg10[%get3A_580, %get3A_581, %get3A_582] {strides = array<i32>} : memref<2x128x16xf32, #tpu.memory_space<vmem>>, vector<1x1x16xf32>,
        %get3A_584 = vector.shape_cast %get3A_583 : vector<1x1x16xf32> to vector<16xf32>
        %mul3A_585 = arith.mulf %get3A_584, %broadcast_in_dim3A_574 : vector<16xf32>
        %mul3A_586 = arith.constant 16 : i32
        %mul3A_587 = arith.muli %scan3A_320, %mul3A_586 : i32
        %add3A_588 = arith.constant 10 : i32
        %add3A_589 = arith.addi %mul3A_587, %add3A_588 : i32
        %swap3A_590 = arith.constant 1 : i32
        %swap3A_591 = arith.index_cast %swap3A_590 : i32 to index
        %swap3A_592 = arith.index_cast %add3A_589 : i32 to index
        %swap3A_593 = arith.constant 0 : index
        %swap3A_594 = tpu.vector_load %arg11[%swap3A_591, %swap3A_592, %swap3A_593] {strides = array<i32>} : memref<2x128x16xf32, #tpu.memory_space<vmem>>, vector<1x1x16xf32>,
        %swap3A_595 = vector.shape_cast %swap3A_594 : vector<1x1x16xf32> to vector<16xf32>
        %swap3A_596 = vector.shape_cast %mul3A_585 : vector<16xf32> to vector<1x1x16xf32>
        tpu.vector_store %arg11[%swap3A_591, %swap3A_592, %swap3A_593], %swap3A_596 {strides = array<i32>} : memref<2x128x16xf32, #tpu.memory_space<vmem>>, vector<1x1x16xf32>,
        %slice3A_597 = vector.extract_strided_slice %get3A_325 {offsets = [11], sizes = [1], strides = [1]} : vector<16xf32> to vector<1xf32>
        %squeeze3A_598 = vector.extract %slice3A_597[0] : f32 from vector<1xf32>
        %broadcast_in_dim3A_599 = vector.broadcast %squeeze3A_598 : f32 to vector<16xf32>
        %mul3A_600 = arith.constant 16 : i32
        %mul3A_601 = arith.muli %scan3A_320, %mul3A_600 : i32
        %add3A_602 = arith.constant 11 : i32
        %add3A_603 = arith.addi %mul3A_601, %add3A_602 : i32
        %get3A_604 = arith.constant 1 : i32
        %get3A_605 = arith.index_cast %get3A_604 : i32 to index
        %get3A_606 = arith.index_cast %add3A_603 : i32 to index
        %get3A_607 = arith.constant 0 : index
        %get3A_608 = tpu.vector_load %arg10[%get3A_605, %get3A_606, %get3A_607] {strides = array<i32>} : memref<2x128x16xf32, #tpu.memory_space<vmem>>, vector<1x1x16xf32>,
        %get3A_609 = vector.shape_cast %get3A_608 : vector<1x1x16xf32> to vector<16xf32>
        %mul3A_610 = arith.mulf %get3A_609, %broadcast_in_dim3A_599 : vector<16xf32>
        %mul3A_611 = arith.constant 16 : i32
        %mul3A_612 = arith.muli %scan3A_320, %mul3A_611 : i32
        %add3A_613 = arith.constant 11 : i32
        %add3A_614 = arith.addi %mul3A_612, %add3A_613 : i32
        %swap3A_615 = arith.constant 1 : i32
        %swap3A_616 = arith.index_cast %swap3A_615 : i32 to index
        %swap3A_617 = arith.index_cast %add3A_614 : i32 to index
        %swap3A_618 = arith.constant 0 : index
        %swap3A_619 = tpu.vector_load %arg11[%swap3A_616, %swap3A_617, %swap3A_618] {strides = array<i32>} : memref<2x128x16xf32, #tpu.memory_space<vmem>>, vector<1x1x16xf32>,
        %swap3A_620 = vector.shape_cast %swap3A_619 : vector<1x1x16xf32> to vector<16xf32>
        %swap3A_621 = vector.shape_cast %mul3A_610 : vector<16xf32> to vector<1x1x16xf32>
        tpu.vector_store %arg11[%swap3A_616, %swap3A_617, %swap3A_618], %swap3A_621 {strides = array<i32>} : memref<2x128x16xf32, #tpu.memory_space<vmem>>, vector<1x1x16xf32>,
        %slice3A_622 = vector.extract_strided_slice %get3A_325 {offsets = [12], sizes = [1], strides = [1]} : vector<16xf32> to vector<1xf32>
        %squeeze3A_623 = vector.extract %slice3A_622[0] : f32 from vector<1xf32>
        %broadcast_in_dim3A_624 = vector.broadcast %squeeze3A_623 : f32 to vector<16xf32>
        %mul3A_625 = arith.constant 16 : i32
        %mul3A_626 = arith.muli %scan3A_320, %mul3A_625 : i32
        %add3A_627 = arith.constant 12 : i32
        %add3A_628 = arith.addi %mul3A_626, %add3A_627 : i32
        %get3A_629 = arith.constant 1 : i32
        %get3A_630 = arith.index_cast %get3A_629 : i32 to index
        %get3A_631 = arith.index_cast %add3A_628 : i32 to index
        %get3A_632 = arith.constant 0 : index
        %get3A_633 = tpu.vector_load %arg10[%get3A_630, %get3A_631, %get3A_632] {strides = array<i32>} : memref<2x128x16xf32, #tpu.memory_space<vmem>>, vector<1x1x16xf32>,
        %get3A_634 = vector.shape_cast %get3A_633 : vector<1x1x16xf32> to vector<16xf32>
        %mul3A_635 = arith.mulf %get3A_634, %broadcast_in_dim3A_624 : vector<16xf32>
        %mul3A_636 = arith.constant 16 : i32
        %mul3A_637 = arith.muli %scan3A_320, %mul3A_636 : i32
        %add3A_638 = arith.constant 12 : i32
        %add3A_639 = arith.addi %mul3A_637, %add3A_638 : i32
        %swap3A_640 = arith.constant 1 : i32
        %swap3A_641 = arith.index_cast %swap3A_640 : i32 to index
        %swap3A_642 = arith.index_cast %add3A_639 : i32 to index
        %swap3A_643 = arith.constant 0 : index
        %swap3A_644 = tpu.vector_load %arg11[%swap3A_641, %swap3A_642, %swap3A_643] {strides = array<i32>} : memref<2x128x16xf32, #tpu.memory_space<vmem>>, vector<1x1x16xf32>,
        %swap3A_645 = vector.shape_cast %swap3A_644 : vector<1x1x16xf32> to vector<16xf32>
        %swap3A_646 = vector.shape_cast %mul3A_635 : vector<16xf32> to vector<1x1x16xf32>
        tpu.vector_store %arg11[%swap3A_641, %swap3A_642, %swap3A_643], %swap3A_646 {strides = array<i32>} : memref<2x128x16xf32, #tpu.memory_space<vmem>>, vector<1x1x16xf32>,
        %slice3A_647 = vector.extract_strided_slice %get3A_325 {offsets = [13], sizes = [1], strides = [1]} : vector<16xf32> to vector<1xf32>
        %squeeze3A_648 = vector.extract %slice3A_647[0] : f32 from vector<1xf32>
        %broadcast_in_dim3A_649 = vector.broadcast %squeeze3A_648 : f32 to vector<16xf32>
        %mul3A_650 = arith.constant 16 : i32
        %mul3A_651 = arith.muli %scan3A_320, %mul3A_650 : i32
        %add3A_652 = arith.constant 13 : i32
        %add3A_653 = arith.addi %mul3A_651, %add3A_652 : i32
        %get3A_654 = arith.constant 1 : i32
        %get3A_655 = arith.index_cast %get3A_654 : i32 to index
        %get3A_656 = arith.index_cast %add3A_653 : i32 to index
        %get3A_657 = arith.constant 0 : index
        %get3A_658 = tpu.vector_load %arg10[%get3A_655, %get3A_656, %get3A_657] {strides = array<i32>} : memref<2x128x16xf32, #tpu.memory_space<vmem>>, vector<1x1x16xf32>,
        %get3A_659 = vector.shape_cast %get3A_658 : vector<1x1x16xf32> to vector<16xf32>
        %mul3A_660 = arith.mulf %get3A_659, %broadcast_in_dim3A_649 : vector<16xf32>
        %mul3A_661 = arith.constant 16 : i32
        %mul3A_662 = arith.muli %scan3A_320, %mul3A_661 : i32
        %add3A_663 = arith.constant 13 : i32
        %add3A_664 = arith.addi %mul3A_662, %add3A_663 : i32
        %swap3A_665 = arith.constant 1 : i32
        %swap3A_666 = arith.index_cast %swap3A_665 : i32 to index
        %swap3A_667 = arith.index_cast %add3A_664 : i32 to index
        %swap3A_668 = arith.constant 0 : index
        %swap3A_669 = tpu.vector_load %arg11[%swap3A_666, %swap3A_667, %swap3A_668] {strides = array<i32>} : memref<2x128x16xf32, #tpu.memory_space<vmem>>, vector<1x1x16xf32>,
        %swap3A_670 = vector.shape_cast %swap3A_669 : vector<1x1x16xf32> to vector<16xf32>
        %swap3A_671 = vector.shape_cast %mul3A_660 : vector<16xf32> to vector<1x1x16xf32>
        tpu.vector_store %arg11[%swap3A_666, %swap3A_667, %swap3A_668], %swap3A_671 {strides = array<i32>} : memref<2x128x16xf32, #tpu.memory_space<vmem>>, vector<1x1x16xf32>,
        %slice3A_672 = vector.extract_strided_slice %get3A_325 {offsets = [14], sizes = [1], strides = [1]} : vector<16xf32> to vector<1xf32>
        %squeeze3A_673 = vector.extract %slice3A_672[0] : f32 from vector<1xf32>
        %broadcast_in_dim3A_674 = vector.broadcast %squeeze3A_673 : f32 to vector<16xf32>
        %mul3A_675 = arith.constant 16 : i32
        %mul3A_676 = arith.muli %scan3A_320, %mul3A_675 : i32
        %add3A_677 = arith.constant 14 : i32
        %add3A_678 = arith.addi %mul3A_676, %add3A_677 : i32
        %get3A_679 = arith.constant 1 : i32
        %get3A_680 = arith.index_cast %get3A_679 : i32 to index
        %get3A_681 = arith.index_cast %add3A_678 : i32 to index
        %get3A_682 = arith.constant 0 : index
        %get3A_683 = tpu.vector_load %arg10[%get3A_680, %get3A_681, %get3A_682] {strides = array<i32>} : memref<2x128x16xf32, #tpu.memory_space<vmem>>, vector<1x1x16xf32>,
        %get3A_684 = vector.shape_cast %get3A_683 : vector<1x1x16xf32> to vector<16xf32>
        %mul3A_685 = arith.mulf %get3A_684, %broadcast_in_dim3A_674 : vector<16xf32>
        %mul3A_686 = arith.constant 16 : i32
        %mul3A_687 = arith.muli %scan3A_320, %mul3A_686 : i32
        %add3A_688 = arith.constant 14 : i32
        %add3A_689 = arith.addi %mul3A_687, %add3A_688 : i32
        %swap3A_690 = arith.constant 1 : i32
        %swap3A_691 = arith.index_cast %swap3A_690 : i32 to index
        %swap3A_692 = arith.index_cast %add3A_689 : i32 to index
        %swap3A_693 = arith.constant 0 : index
        %swap3A_694 = tpu.vector_load %arg11[%swap3A_691, %swap3A_692, %swap3A_693] {strides = array<i32>} : memref<2x128x16xf32, #tpu.memory_space<vmem>>, vector<1x1x16xf32>,
        %swap3A_695 = vector.shape_cast %swap3A_694 : vector<1x1x16xf32> to vector<16xf32>
        %swap3A_696 = vector.shape_cast %mul3A_685 : vector<16xf32> to vector<1x1x16xf32>
        tpu.vector_store %arg11[%swap3A_691, %swap3A_692, %swap3A_693], %swap3A_696 {strides = array<i32>} : memref<2x128x16xf32, #tpu.memory_space<vmem>>, vector<1x1x16xf32>,
        %slice3A_697 = vector.extract_strided_slice %get3A_325 {offsets = [15], sizes = [1], strides = [1]} : vector<16xf32> to vector<1xf32>
        %squeeze3A_698 = vector.extract %slice3A_697[0] : f32 from vector<1xf32>
        %broadcast_in_dim3A_699 = vector.broadcast %squeeze3A_698 : f32 to vector<16xf32>
        %mul3A_700 = arith.constant 16 : i32
        %mul3A_701 = arith.muli %scan3A_320, %mul3A_700 : i32
        %add3A_702 = arith.constant 15 : i32
        %add3A_703 = arith.addi %mul3A_701, %add3A_702 : i32
        %get3A_704 = arith.constant 1 : i32
        %get3A_705 = arith.index_cast %get3A_704 : i32 to index
        %get3A_706 = arith.index_cast %add3A_703 : i32 to index
        %get3A_707 = arith.constant 0 : index
        %get3A_708 = tpu.vector_load %arg10[%get3A_705, %get3A_706, %get3A_707] {strides = array<i32>} : memref<2x128x16xf32, #tpu.memory_space<vmem>>, vector<1x1x16xf32>,
        %get3A_709 = vector.shape_cast %get3A_708 : vector<1x1x16xf32> to vector<16xf32>
        %mul3A_710 = arith.mulf %get3A_709, %broadcast_in_dim3A_699 : vector<16xf32>
        %mul3A_711 = arith.constant 16 : i32
        %mul3A_712 = arith.muli %scan3A_320, %mul3A_711 : i32
        %add3A_713 = arith.constant 15 : i32
        %add3A_714 = arith.addi %mul3A_712, %add3A_713 : i32
        %swap3A_715 = arith.constant 1 : i32
        %swap3A_716 = arith.index_cast %swap3A_715 : i32 to index
        %swap3A_717 = arith.index_cast %add3A_714 : i32 to index
        %swap3A_718 = arith.constant 0 : index
        %swap3A_719 = tpu.vector_load %arg11[%swap3A_716, %swap3A_717, %swap3A_718] {strides = array<i32>} : memref<2x128x16xf32, #tpu.memory_space<vmem>>, vector<1x1x16xf32>,
        %swap3A_720 = vector.shape_cast %swap3A_719 : vector<1x1x16xf32> to vector<16xf32>
        %swap3A_721 = vector.shape_cast %mul3A_710 : vector<16xf32> to vector<1x1x16xf32>
        tpu.vector_store %arg11[%swap3A_716, %swap3A_717, %swap3A_718], %swap3A_721 {strides = array<i32>} : memref<2x128x16xf32, #tpu.memory_space<vmem>>, vector<1x1x16xf32>,
      }
      %scan3A_308 = arith.constant 8 : i32
      %dma_start3A_309 = arith.constant 1 : i32
      %dma_start3A_310 = arith.constant 0 : i32
      %dma_start3A_311 = arith.constant 0 : i32
      %dma_start3A_312 = tpu.memref_slice %arg11[%dma_start3A_309, %dma_start3A_310, %dma_start3A_311] : memref<2x128x16xf32, #tpu.memory_space<vmem>> -> memref<1x128x16xf32, #tpu.memory_space<vmem>>
      %dma_start3A_313 = tpu.memref_squeeze %dma_start3A_312 : memref<1x128x16xf32, #tpu.memory_space<vmem>> -> memref<128x16xf32, #tpu.memory_space<vmem>>
      %dma_start3A_314 = arith.constant 0 : i32
      %dma_start3A_315 = tpu.memref_slice %arg8[%add3A_271, %dma_start3A_314] : memref<80x128xi32, #tpu.memory_space<vmem>> -> memref<1x128xi32, #tpu.memory_space<vmem>>
      %dma_start3A_316 = tpu.memref_squeeze %dma_start3A_315 : memref<1x128xi32, #tpu.memory_space<vmem>> -> memref<128xi32, #tpu.memory_space<vmem>>
      %dma_start3A_317 = arith.constant 0 : i32
      %dma_start3A_318 = arith.constant 0 : i32
      %dma_start3A_319 = tpu.memref_slice %arg13[%dma_start3A_317, %dma_start3A_318] : memref<10112x16xf32, #tpu.memory_space<vmem_shared>> -> memref<10112x16xf32, #tpu.memory_space<vmem_shared>>
      tpu.enqueue_indirect_dma source(%dma_start3A_313 : memref<128x16xf32, #tpu.memory_space<vmem>>) target(%dma_start3A_319 : memref<10112x16xf32, #tpu.memory_space<vmem_shared>>) offsets(%dma_start3A_316 : memref<128xi32, #tpu.memory_space<vmem>>) semaphore(%arg17 : memref<!tpu.dma_semaphore, #tpu.memory_space<semaphore_mem>>) {add = true}
    }
    %scan3A_189 = arith.constant 39 : i32
    %dma_wait3A_190 = arith.constant 0 : i32
    %dma_wait3A_191 = arith.constant 78 : i32
    %dma_wait3A_192 = arith.constant 0 : i32
    %dma_wait3A_193 = arith.constant 0 : i32
    %dma_wait3A_194 = tpu.memref_slice %arg11[%dma_wait3A_190, %dma_wait3A_192, %dma_wait3A_193] : memref<2x128x16xf32, #tpu.memory_space<vmem>> -> memref<1x128x16xf32, #tpu.memory_space<vmem>>
    %dma_wait3A_195 = tpu.memref_squeeze %dma_wait3A_194 : memref<1x128x16xf32, #tpu.memory_space<vmem>> -> memref<128x16xf32, #tpu.memory_space<vmem>>
    %dma_wait3A_196 = arith.constant 0 : i32
    %dma_wait3A_197 = tpu.memref_slice %arg8[%dma_wait3A_191, %dma_wait3A_196] : memref<80x128xi32, #tpu.memory_space<vmem>> -> memref<1x128xi32, #tpu.memory_space<vmem>>
    %dma_wait3A_198 = tpu.memref_squeeze %dma_wait3A_197 : memref<1x128xi32, #tpu.memory_space<vmem>> -> memref<128xi32, #tpu.memory_space<vmem>>
    %dma_wait3A_199 = arith.constant 0 : i32
    %dma_wait3A_200 = arith.constant 0 : i32
    %dma_wait3A_201 = tpu.memref_slice %arg13[%dma_wait3A_199, %dma_wait3A_200] : memref<10112x16xf32, #tpu.memory_space<vmem_shared>> -> memref<10112x16xf32, #tpu.memory_space<vmem_shared>>
    tpu.wait_indirect_dma semaphore(%arg16 : memref<!tpu.dma_semaphore, #tpu.memory_space<semaphore_mem>>) src(%dma_wait3A_195 : memref<128x16xf32, #tpu.memory_space<vmem>>) dst(%dma_wait3A_201 : memref<10112x16xf32, #tpu.memory_space<vmem_shared>>)
    %dma_wait3A_202 = arith.constant 1 : i32
    %dma_wait3A_203 = arith.constant 79 : i32
    %dma_wait3A_204 = arith.constant 0 : i32
    %dma_wait3A_205 = arith.constant 0 : i32
    %dma_wait3A_206 = tpu.memref_slice %arg11[%dma_wait3A_202, %dma_wait3A_204, %dma_wait3A_205] : memref<2x128x16xf32, #tpu.memory_space<vmem>> -> memref<1x128x16xf32, #tpu.memory_space<vmem>>
    %dma_wait3A_207 = tpu.memref_squeeze %dma_wait3A_206 : memref<1x128x16xf32, #tpu.memory_space<vmem>> -> memref<128x16xf32, #tpu.memory_space<vmem>>
    %dma_wait3A_208 = arith.constant 0 : i32
    %dma_wait3A_209 = tpu.memref_slice %arg8[%dma_wait3A_203, %dma_wait3A_208] : memref<80x128xi32, #tpu.memory_space<vmem>> -> memref<1x128xi32, #tpu.memory_space<vmem>>
    %dma_wait3A_210 = tpu.memref_squeeze %dma_wait3A_209 : memref<1x128xi32, #tpu.memory_space<vmem>> -> memref<128xi32, #tpu.memory_space<vmem>>
    %dma_wait3A_211 = arith.constant 0 : i32
    %dma_wait3A_212 = arith.constant 0 : i32
    %dma_wait3A_213 = tpu.memref_slice %arg13[%dma_wait3A_211, %dma_wait3A_212] : memref<10112x16xf32, #tpu.memory_space<vmem_shared>> -> memref<10112x16xf32, #tpu.memory_space<vmem_shared>>
    tpu.wait_indirect_dma semaphore(%arg17 : memref<!tpu.dma_semaphore, #tpu.memory_space<semaphore_mem>>) src(%dma_wait3A_207 : memref<128x16xf32, #tpu.memory_space<vmem>>) dst(%dma_wait3A_213 : memref<10112x16xf32, #tpu.memory_space<vmem_shared>>)
    %barrier3A_214 = arith.constant 0 : index
    tpu.barrier barrier_id(%barrier3A_214)
    %mul3A_215 = arith.constant 632 : i32
    %mul3A_216 = arith.muli %arg1, %mul3A_215 : i32
    %mul3A_217 = arith.constant 632 : i32
    %mul3A_218 = arith.muli %arg1, %mul3A_217 : i32
    "tpu.region"() ({
      %run_scoped3A_219 = tpu.sem_alloc : memref<!tpu.dma_semaphore, #tpu.memory_space<semaphore_mem>>
      %dma_start3A_220 = arith.constant 0 : i32
      %dma_start3A_221 = arith.constant 0 : i32
      %dma_start3A_222 = tpu.memref_slice %arg6[%arg0, %dma_start3A_220, %dma_start3A_221] : memref<2x10112x16xf32, #tpu.memory_space<hbm>> -> memref<1x10112x16xf32, #tpu.memory_space<hbm>>
      %dma_start3A_223 = tpu.memref_squeeze %dma_start3A_222 : memref<1x10112x16xf32, #tpu.memory_space<hbm>> -> memref<10112x16xf32, #tpu.memory_space<hbm>>
      %dma_start3A_224 = arith.constant 0 : i32
      %dma_start3A_225 = tpu.memref_slice %dma_start3A_223[%mul3A_218, %dma_start3A_224] : memref<10112x16xf32, #tpu.memory_space<hbm>> -> memref<632x16xf32, #tpu.memory_space<hbm>>
      %dma_start3A_226 = arith.constant 0 : i32
      %dma_start3A_227 = tpu.memref_slice %arg13[%mul3A_216, %dma_start3A_226] : memref<10112x16xf32, #tpu.memory_space<vmem_shared>> -> memref<632x16xf32, #tpu.memory_space<vmem_shared>>
      tpu.enqueue_dma source(%dma_start3A_227 : memref<632x16xf32, #tpu.memory_space<vmem_shared>>) target(%dma_start3A_225 : memref<632x16xf32, #tpu.memory_space<hbm>>) target_semaphore(%run_scoped3A_219 : memref<!tpu.dma_semaphore, #tpu.memory_space<semaphore_mem>>)
      %dma_wait3A_228 = arith.constant 0 : i32
      %dma_wait3A_229 = arith.constant 0 : i32
      %dma_wait3A_230 = tpu.memref_slice %arg6[%arg0, %dma_wait3A_228, %dma_wait3A_229] : memref<2x10112x16xf32, #tpu.memory_space<hbm>> -> memref<1x10112x16xf32, #tpu.memory_space<hbm>>
      %dma_wait3A_231 = tpu.memref_squeeze %dma_wait3A_230 : memref<1x10112x16xf32, #tpu.memory_space<hbm>> -> memref<10112x16xf32, #tpu.memory_space<hbm>>
      %dma_wait3A_232 = arith.constant 0 : i32
      %dma_wait3A_233 = tpu.memref_slice %dma_wait3A_231[%mul3A_218, %dma_wait3A_232] : memref<10112x16xf32, #tpu.memory_space<hbm>> -> memref<632x16xf32, #tpu.memory_space<hbm>>
      %dma_wait3A_234 = arith.constant 0 : i32
      %dma_wait3A_235 = tpu.memref_slice %arg13[%mul3A_216, %dma_wait3A_234] : memref<10112x16xf32, #tpu.memory_space<vmem_shared>> -> memref<632x16xf32, #tpu.memory_space<vmem_shared>>
      tpu.wait_dma2 semaphore(%run_scoped3A_219 : memref<!tpu.dma_semaphore, #tpu.memory_space<semaphore_mem>>) src(%dma_wait3A_235 : memref<632x16xf32, #tpu.memory_space<vmem_shared>>) dst(%dma_wait3A_233 : memref<632x16xf32, #tpu.memory_space<hbm>>)
      tpu.yield
    }) : () -> ()
    return
  }
}

module attributes {stable_mosaic.version = 14 : i64} {
  func.func @_proj_body(%arg0: memref<10000x128xf32, #tpu.memory_space<vmem>>, %arg1: memref<128x10xf32, #tpu.memory_space<vmem>>, %arg2: memref<128x10xf32, #tpu.memory_space<vmem>>, %arg3: memref<10112x16xf32, #tpu.memory_space<vmem>>, %arg4: memref<10112x16xf32, #tpu.memory_space<vmem>>) attributes {dimension_semantics = [], scalar_prefetch = 0 : i64, scratch_operands = 0 : i64, tpu.core_type = #tpu.core_type<tc>} {
    %get3A = arith.constant 0 : index
    %get3A_0 = arith.constant 0 : index
    %get3A_1 = vector.load %arg0[%get3A, %get3A_0] : memref<10000x128xf32, #tpu.memory_space<vmem>>, vector<10000x128xf32>
    %broadcast_in_dim3A = arith.constant 0.000000e+00 : f32
    %broadcast_in_dim3A_2 = vector.broadcast %broadcast_in_dim3A : f32 to vector<10000x6xf32>
    %broadcast_in_dim3A_3 = arith.constant 0.000000e+00 : f32
    %broadcast_in_dim3A_4 = vector.broadcast %broadcast_in_dim3A_3 : f32 to vector<112x16xf32>
    %get3A_5 = arith.constant 0 : index
    %get3A_6 = arith.constant 0 : index
    %get3A_7 = vector.load %arg1[%get3A_5, %get3A_6] : memref<128x10xf32, #tpu.memory_space<vmem>>, vector<128x10xf32>
    %dot_general3A = arith.constant dense<0.000000e+00> : vector<10000x10xf32>
    %dot_general3A_8 = tpu.matmul %get3A_1, %get3A_7, %dot_general3A {dimension_numbers = #tpu.dot_dimension_numbers<[1], [0], [0], [1], [0, 0, 1, 1], [], []>, transpose_lhs_hint = false} : vector<10000x128xf32>, vector<128x10xf32>, vector<10000x10xf32> -> vector<10000x10xf32>
    %concatenate3A = tpu.concatenate %dot_general3A_8, %broadcast_in_dim3A_2 in 1 : vector<10000x10xf32>, vector<10000x6xf32> -> vector<10000x16xf32>
    %concatenate3A_9 = tpu.concatenate %concatenate3A, %broadcast_in_dim3A_4 in 0 : vector<10000x16xf32>, vector<112x16xf32> -> vector<10112x16xf32>
    %swap3A = arith.constant 0 : index
    %swap3A_10 = arith.constant 0 : index
    %swap3A_11 = vector.load %arg3[%swap3A, %swap3A_10] : memref<10112x16xf32, #tpu.memory_space<vmem>>, vector<10112x16xf32>
    tpu.vector_store %arg3[%swap3A, %swap3A_10], %concatenate3A_9 {strides = array<i32>} : memref<10112x16xf32, #tpu.memory_space<vmem>>, vector<10112x16xf32>,
    %get3A_12 = arith.constant 0 : index
    %get3A_13 = arith.constant 0 : index
    %get3A_14 = vector.load %arg2[%get3A_12, %get3A_13] : memref<128x10xf32, #tpu.memory_space<vmem>>, vector<128x10xf32>
    %dot_general3A_15 = arith.constant dense<0.000000e+00> : vector<10000x10xf32>
    %dot_general3A_16 = tpu.matmul %get3A_1, %get3A_14, %dot_general3A_15 {dimension_numbers = #tpu.dot_dimension_numbers<[1], [0], [0], [1], [0, 0, 1, 1], [], []>, transpose_lhs_hint = false} : vector<10000x128xf32>, vector<128x10xf32>, vector<10000x10xf32> -> vector<10000x10xf32>
    %concatenate3A_17 = tpu.concatenate %dot_general3A_16, %broadcast_in_dim3A_2 in 1 : vector<10000x10xf32>, vector<10000x6xf32> -> vector<10000x16xf32>
    %concatenate3A_18 = tpu.concatenate %concatenate3A_17, %broadcast_in_dim3A_4 in 0 : vector<10000x16xf32>, vector<112x16xf32> -> vector<10112x16xf32>
    %swap3A_19 = arith.constant 0 : index
    %swap3A_20 = arith.constant 0 : index
    %swap3A_21 = vector.load %arg4[%swap3A_19, %swap3A_20] : memref<10112x16xf32, #tpu.memory_space<vmem>>, vector<10112x16xf32>
    tpu.vector_store %arg4[%swap3A_19, %swap3A_20], %concatenate3A_18 {strides = array<i32>} : memref<10112x16xf32, #tpu.memory_space<vmem>>, vector<10112x16xf32>,
    return
  }
}

module attributes {stable_mosaic.version = 14 : i64} {
  func.func @_head_body(%arg0: memref<2x10112x16xf32, #tpu.memory_space<vmem>>, %arg1: memref<10112x16xf32, #tpu.memory_space<vmem>>, %arg2: memref<10000xi32, #tpu.memory_space<vmem>>, %arg3: memref<16xi32, #tpu.memory_space<vmem>>, %arg4: memref<16x16xf32, #tpu.memory_space<vmem>>, %arg5: memref<16x32xi32, #tpu.memory_space<vmem>>, %arg6: memref<10xf32, #tpu.memory_space<vmem>>, %arg7: memref<10xf32, #tpu.memory_space<vmem>>, %arg8: memref<10xf32, #tpu.memory_space<vmem>>, %arg9: memref<10xf32, #tpu.memory_space<vmem>>, %arg10: memref<26x10xf32, #tpu.memory_space<vmem>>, %arg11: memref<10xf32, #tpu.memory_space<vmem>>, %arg12: memref<10x32xf32, #tpu.memory_space<vmem>>, %arg13: memref<32xf32, #tpu.memory_space<vmem>>, %arg14: memref<26x10xf32, #tpu.memory_space<vmem>>, %arg15: memref<10xf32, #tpu.memory_space<vmem>>, %arg16: memref<1x10xf32, #tpu.memory_space<vmem>>, %arg17: memref<1xf32, #tpu.memory_space<vmem>>, %arg18: memref<16x32xf32, #tpu.memory_space<vmem>>) attributes {dimension_semantics = [], scalar_prefetch = 0 : i64, scratch_operands = 0 : i64, tpu.core_type = #tpu.core_type<tc>} {
    %get3A = arith.constant 0 : index
    %get3A_0 = arith.constant 0 : index
    %get3A_1 = arith.constant 0 : index
    %get3A_2 = vector.load %arg0[%get3A, %get3A_0, %get3A_1] : memref<2x10112x16xf32, #tpu.memory_space<vmem>>, vector<1x10112x16xf32>
    %get3A_3 = vector.shape_cast %get3A_2 : vector<1x10112x16xf32> to vector<10112x16xf32>
    %get3A_4 = arith.constant 1 : index
    %get3A_5 = arith.constant 0 : index
    %get3A_6 = arith.constant 0 : index
    %get3A_7 = vector.load %arg0[%get3A_4, %get3A_5, %get3A_6] : memref<2x10112x16xf32, #tpu.memory_space<vmem>>, vector<1x10112x16xf32>
    %get3A_8 = vector.shape_cast %get3A_7 : vector<1x10112x16xf32> to vector<10112x16xf32>
    %add3A = arith.addf %get3A_3, %get3A_8 : vector<10112x16xf32>
    %get3A_9 = arith.constant 0 : index
    %get3A_10 = arith.constant 0 : index
    %get3A_11 = vector.load %arg1[%get3A_9, %get3A_10] : memref<10112x16xf32, #tpu.memory_space<vmem>>, vector<10112x16xf32>
    %add3A_12 = arith.addf %add3A, %get3A_11 : vector<10112x16xf32>
    %get3A_13 = arith.constant 0 : index
    %get3A_14 = vector.load %arg6[%get3A_13] : memref<10xf32, #tpu.memory_space<vmem>>, vector<10xf32>
    %reshape3A = vector.shape_cast %get3A_14 : vector<10xf32> to vector<1x10xf32>
    %broadcast_in_dim3A = arith.constant 0.000000e+00 : f32
    %broadcast_in_dim3A_15 = vector.broadcast %broadcast_in_dim3A : f32 to vector<1x6xf32>
    %concatenate3A = tpu.concatenate %reshape3A, %broadcast_in_dim3A_15 in 1 : vector<1x10xf32>, vector<1x6xf32> -> vector<1x16xf32>
    %add3A_16 = vector.broadcast %concatenate3A : vector<1x16xf32> to vector<10112x16xf32>
    %add3A_17 = arith.addf %add3A_12, %add3A_16 : vector<10112x16xf32>
    %slice3A = vector.extract_strided_slice %add3A_17 {offsets = [0, 0], sizes = [10000, 16], strides = [1, 1]} : vector<10112x16xf32> to vector<10000x16xf32>
    %get3A_18 = arith.constant 0 : index
    %get3A_19 = vector.load %arg2[%get3A_18] : memref<10000xi32, #tpu.memory_space<vmem>>, vector<10000xi32>
    %reshape3A_20 = vector.shape_cast %get3A_19 : vector<10000xi32> to vector<1x10000xi32>
    %iota3A = tpu.iota {dimensions = array<i32: 0>} : vector<16x10000xi32>
    %eq3A = vector.broadcast %reshape3A_20 : vector<1x10000xi32> to vector<16x10000xi32>
    %eq3A_21 = arith.cmpi eq, %eq3A, %iota3A : vector<16x10000xi32>
    %convert_element_type3A = arith.extui %eq3A_21 : vector<16x10000xi1> to vector<16x10000xi32>
    %convert_element_type3A_22 = arith.sitofp %convert_element_type3A : vector<16x10000xi32> to vector<16x10000xf32>
    %iota3A_23 = tpu.iota {dimensions = array<i32: 0>} : vector<16x16xi32>
    %iota3A_24 = tpu.iota {dimensions = array<i32: 1>} : vector<16x16xi32>
    %eq3A_25 = arith.cmpi eq, %iota3A_23, %iota3A_24 : vector<16x16xi32>
    %convert_element_type3A_26 = arith.extui %eq3A_25 : vector<16x16xi1> to vector<16x16xi32>
    %convert_element_type3A_27 = arith.sitofp %convert_element_type3A_26 : vector<16x16xi32> to vector<16x16xf32>
    %gt3A = arith.cmpi sgt, %iota3A_23, %iota3A_24 : vector<16x16xi32>
    %convert_element_type3A_28 = arith.extui %gt3A : vector<16x16xi1> to vector<16x16xi32>
    %convert_element_type3A_29 = arith.sitofp %convert_element_type3A_28 : vector<16x16xi32> to vector<16x16xf32>
    %broadcast_in_dim3A_30 = arith.constant 1.000000e+00 : f32
    %broadcast_in_dim3A_31 = vector.broadcast %broadcast_in_dim3A_30 : f32 to vector<16x16xf32>
    %reduce_sum3A = arith.constant dense<0.000000e+00> : vector<16xf32>
    %reduce_sum3A_32 = vector.multi_reduction <add>, %convert_element_type3A_22, %reduce_sum3A [1] : vector<16x10000xf32> to vector<16xf32>
    %broadcast_in_dim3A_33 = vector.shape_cast %reduce_sum3A_32 : vector<16xf32> to vector<16x1xf32>
    %mul3A = vector.broadcast %broadcast_in_dim3A_33 : vector<16x1xf32> to vector<16x16xf32>
    %mul3A_34 = arith.mulf %convert_element_type3A_27, %mul3A : vector<16x16xf32>
    %dot_general3A = arith.constant dense<0.000000e+00> : vector<16x16xf32>
    %dot_general3A_35 = tpu.matmul %mul3A_34, %broadcast_in_dim3A_31, %dot_general3A {dimension_numbers = #tpu.dot_dimension_numbers<[1], [0], [0], [1], [0, 0, 1, 1], [], []>, transpose_lhs_hint = false} : vector<16x16xf32>, vector<16x16xf32>, vector<16x16xf32> -> vector<16x16xf32>
    %dot_general3A_36 = arith.constant dense<0.000000e+00> : vector<16x16xf32>
    %dot_general3A_37 = tpu.matmul %convert_element_type3A_22, %slice3A, %dot_general3A_36 {dimension_numbers = #tpu.dot_dimension_numbers<[1], [0], [0], [1], [0, 0, 1, 1], [], []>, transpose_lhs_hint = false} : vector<16x10000xf32>, vector<10000x16xf32>, vector<16x16xf32> -> vector<16x16xf32>
    %div3A = arith.divf %dot_general3A_37, %dot_general3A_35 : vector<16x16xf32>
    %get3A_38 = arith.constant 0 : index
    %get3A_39 = vector.load %arg9[%get3A_38] : memref<10xf32, #tpu.memory_space<vmem>>, vector<10xf32>
    %reshape3A_40 = vector.shape_cast %get3A_39 : vector<10xf32> to vector<1x10xf32>
    %broadcast_in_dim3A_41 = arith.constant 0.000000e+00 : f32
    %broadcast_in_dim3A_42 = vector.broadcast %broadcast_in_dim3A_41 : f32 to vector<1x6xf32>
    %concatenate3A_43 = tpu.concatenate %reshape3A_40, %broadcast_in_dim3A_42 in 1 : vector<1x10xf32>, vector<1x6xf32> -> vector<1x16xf32>
    %mul3A_44 = vector.broadcast %concatenate3A_43 : vector<1x16xf32> to vector<16x16xf32>
    %mul3A_45 = arith.mulf %div3A, %mul3A_44 : vector<16x16xf32>
    %mul3A_46 = arith.mulf %slice3A, %slice3A : vector<10000x16xf32>
    %dot_general3A_47 = arith.constant dense<0.000000e+00> : vector<16x16xf32>
    %dot_general3A_48 = tpu.matmul %convert_element_type3A_22, %mul3A_46, %dot_general3A_47 {dimension_numbers = #tpu.dot_dimension_numbers<[1], [0], [0], [1], [0, 0, 1, 1], [], []>, transpose_lhs_hint = false} : vector<16x10000xf32>, vector<10000x16xf32>, vector<16x16xf32> -> vector<16x16xf32>
    %mul3A_49 = arith.constant 2.000000e+00 : f32
    %mul3A_50 = vector.broadcast %mul3A_49 : f32 to vector<16x16xf32>
    %mul3A_51 = arith.mulf %mul3A_50, %mul3A_45 : vector<16x16xf32>
    %mul3A_52 = arith.mulf %mul3A_51, %dot_general3A_37 : vector<16x16xf32>
    %sub3A = arith.subf %dot_general3A_48, %mul3A_52 : vector<16x16xf32>
    %mul3A_53 = arith.mulf %dot_general3A_35, %mul3A_45 : vector<16x16xf32>
    %mul3A_54 = arith.mulf %mul3A_53, %mul3A_45 : vector<16x16xf32>
    %add3A_55 = arith.addf %sub3A, %mul3A_54 : vector<16x16xf32>
    %div3A_56 = arith.divf %add3A_55, %dot_general3A_35 : vector<16x16xf32>
    %add3A_57 = arith.constant 9.99999974E-6 : f32
    %add3A_58 = vector.broadcast %add3A_57 : f32 to vector<16x16xf32>
    %add3A_59 = arith.addf %div3A_56, %add3A_58 : vector<16x16xf32>
    %sqrt3A = math.sqrt %add3A_59 : vector<16x16xf32>
    %dot_general3A_60 = arith.constant dense<0.000000e+00> : vector<16x16xf32>
    %dot_general3A_61 = tpu.matmul %convert_element_type3A_29, %dot_general3A_35, %dot_general3A_60 {dimension_numbers = #tpu.dot_dimension_numbers<[1], [0], [0], [1], [0, 0, 1, 1], [], []>, transpose_lhs_hint = false} : vector<16x16xf32>, vector<16x16xf32>, vector<16x16xf32> -> vector<16x16xf32>
    %get3A_62 = arith.constant 0 : index
    %get3A_63 = vector.load %arg3[%get3A_62] : memref<16xi32, #tpu.memory_space<vmem>>, vector<16xi32>
    %reshape3A_64 = vector.shape_cast %get3A_63 : vector<16xi32> to vector<1x16xi32>
    %convert_element_type3A_65 = arith.sitofp %reshape3A_64 : vector<1x16xi32> to vector<1x16xf32>
    %mul3A_66 = vector.broadcast %convert_element_type3A_65 : vector<1x16xf32> to vector<16x16xf32>
    %mul3A_67 = arith.mulf %convert_element_type3A_27, %mul3A_66 : vector<16x16xf32>
    %dot_general3A_68 = arith.constant dense<0.000000e+00> : vector<16x16xf32>
    %dot_general3A_69 = tpu.matmul %mul3A_67, %broadcast_in_dim3A_31, %dot_general3A_68 {dimension_numbers = #tpu.dot_dimension_numbers<[1], [0], [0], [1], [0, 0, 1, 1], [], []>, transpose_lhs_hint = false} : vector<16x16xf32>, vector<16x16xf32>, vector<16x16xf32> -> vector<16x16xf32>
    %add3A_70 = arith.addf %dot_general3A_61, %dot_general3A_69 : vector<16x16xf32>
    %min3A = arith.constant 9.999000e+03 : f32
    %min3A_71 = vector.broadcast %min3A : f32 to vector<16x16xf32>
    %min3A_72 = arith.minimumf %add3A_70, %min3A_71 : vector<16x16xf32>
    %slice3A_73 = vector.extract_strided_slice %min3A_72 {offsets = [0, 0], sizes = [16, 1], strides = [1, 1]} : vector<16x16xf32> to vector<16x1xf32>
    %convert_element_type3A_74 = arith.fptosi %slice3A_73 : vector<16x1xf32> to vector<16x1xi32>
    %iota3A_75 = tpu.iota {dimensions = array<i32: 1>} : vector<16x10000xi32>
    %eq3A_76 = vector.broadcast %convert_element_type3A_74 : vector<16x1xi32> to vector<16x10000xi32>
    %eq3A_77 = arith.cmpi eq, %iota3A_75, %eq3A_76 : vector<16x10000xi32>
    %convert_element_type3A_78 = arith.extui %eq3A_77 : vector<16x10000xi1> to vector<16x10000xi32>
    %convert_element_type3A_79 = arith.sitofp %convert_element_type3A_78 : vector<16x10000xi32> to vector<16x10000xf32>
    %dot_general3A_80 = arith.constant dense<0.000000e+00> : vector<16x16xf32>
    %dot_general3A_81 = tpu.matmul %convert_element_type3A_79, %slice3A, %dot_general3A_80 {dimension_numbers = #tpu.dot_dimension_numbers<[1], [0], [0], [1], [0, 0, 1, 1], [], []>, transpose_lhs_hint = false} : vector<16x10000xf32>, vector<10000x16xf32>, vector<16x16xf32> -> vector<16x16xf32>
    %add3A_82 = arith.addf %dot_general3A_61, %dot_general3A_35 : vector<16x16xf32>
    %mul3A_83 = arith.mulf %convert_element_type3A_27, %add3A_82 : vector<16x16xf32>
    %dot_general3A_84 = arith.constant dense<0.000000e+00> : vector<16x16xf32>
    %dot_general3A_85 = tpu.matmul %broadcast_in_dim3A_31, %mul3A_83, %dot_general3A_84 {dimension_numbers = #tpu.dot_dimension_numbers<[1], [0], [0], [1], [0, 0, 1, 1], [], []>, transpose_lhs_hint = false} : vector<16x16xf32>, vector<16x16xf32>, vector<16x16xf32> -> vector<16x16xf32>
    %ge3A = arith.cmpf oge, %min3A_72, %dot_general3A_85 : vector<16x16xf32>
    %convert_element_type3A_86 = arith.extui %ge3A : vector<16x16xi1> to vector<16x16xi32>
    %convert_element_type3A_87 = arith.sitofp %convert_element_type3A_86 : vector<16x16xi32> to vector<16x16xf32>
    %reduce_sum3A_88 = arith.constant dense<0.000000e+00> : vector<16xf32>
    %reduce_sum3A_89 = vector.multi_reduction <add>, %convert_element_type3A_87, %reduce_sum3A_88 [1] : vector<16x16xf32> to vector<16xf32>
    %broadcast_in_dim3A_90 = vector.shape_cast %reduce_sum3A_89 : vector<16xf32> to vector<16x1xf32>
    %iota3A_91 = tpu.iota {dimensions = array<i32: 1>} : vector<16x16xi32>
    %convert_element_type3A_92 = arith.sitofp %iota3A_91 : vector<16x16xi32> to vector<16x16xf32>
    %eq3A_93 = vector.broadcast %broadcast_in_dim3A_90 : vector<16x1xf32> to vector<16x16xf32>
    %eq3A_94 = arith.cmpf oeq, %convert_element_type3A_92, %eq3A_93 : vector<16x16xf32>
    %convert_element_type3A_95 = arith.extui %eq3A_94 : vector<16x16xi1> to vector<16x16xi32>
    %convert_element_type3A_96 = arith.sitofp %convert_element_type3A_95 : vector<16x16xi32> to vector<16x16xf32>
    %dot_general3A_97 = arith.constant dense<0.000000e+00> : vector<16x16xf32>
    %dot_general3A_98 = tpu.matmul %convert_element_type3A_96, %sqrt3A, %dot_general3A_97 {dimension_numbers = #tpu.dot_dimension_numbers<[1], [0], [0], [1], [0, 0, 1, 1], [], []>, transpose_lhs_hint = false} : vector<16x16xf32>, vector<16x16xf32>, vector<16x16xf32> -> vector<16x16xf32>
    %dot_general3A_99 = arith.constant dense<0.000000e+00> : vector<16x16xf32>
    %dot_general3A_100 = tpu.matmul %convert_element_type3A_96, %mul3A_45, %dot_general3A_99 {dimension_numbers = #tpu.dot_dimension_numbers<[1], [0], [0], [1], [0, 0, 1, 1], [], []>, transpose_lhs_hint = false} : vector<16x16xf32>, vector<16x16xf32>, vector<16x16xf32> -> vector<16x16xf32>
    %get3A_101 = arith.constant 0 : index
    %get3A_102 = vector.load %arg7[%get3A_101] : memref<10xf32, #tpu.memory_space<vmem>>, vector<10xf32>
    %reshape3A_103 = vector.shape_cast %get3A_102 : vector<10xf32> to vector<1x10xf32>
    %broadcast_in_dim3A_104 = arith.constant 0.000000e+00 : f32
    %broadcast_in_dim3A_105 = vector.broadcast %broadcast_in_dim3A_104 : f32 to vector<1x6xf32>
    %concatenate3A_106 = tpu.concatenate %reshape3A_103, %broadcast_in_dim3A_105 in 1 : vector<1x10xf32>, vector<1x6xf32> -> vector<1x16xf32>
    %sub3A_107 = arith.subf %dot_general3A_81, %dot_general3A_100 : vector<16x16xf32>
    %mul3A_108 = vector.broadcast %concatenate3A_106 : vector<1x16xf32> to vector<16x16xf32>
    %mul3A_109 = arith.mulf %mul3A_108, %sub3A_107 : vector<16x16xf32>
    %div3A_110 = arith.divf %mul3A_109, %dot_general3A_98 : vector<16x16xf32>
    %get3A_111 = arith.constant 0 : index
    %get3A_112 = vector.load %arg8[%get3A_111] : memref<10xf32, #tpu.memory_space<vmem>>, vector<10xf32>
    %reshape3A_113 = vector.shape_cast %get3A_112 : vector<10xf32> to vector<1x10xf32>
    %broadcast_in_dim3A_114 = arith.constant 0.000000e+00 : f32
    %broadcast_in_dim3A_115 = vector.broadcast %broadcast_in_dim3A_114 : f32 to vector<1x6xf32>
    %concatenate3A_116 = tpu.concatenate %reshape3A_113, %broadcast_in_dim3A_115 in 1 : vector<1x10xf32>, vector<1x6xf32> -> vector<1x16xf32>
    %add3A_117 = vector.broadcast %concatenate3A_116 : vector<1x16xf32> to vector<16x16xf32>
    %add3A_118 = arith.addf %div3A_110, %add3A_117 : vector<16x16xf32>
    %max3A = arith.constant 0.000000e+00 : f32
    %max3A_119 = vector.broadcast %max3A : f32 to vector<16x16xf32>
    %max3A_120 = arith.maximumf %add3A_118, %max3A_119 : vector<16x16xf32>
    %slice3A_121 = vector.extract_strided_slice %max3A_120 {offsets = [0, 0], sizes = [16, 10], strides = [1, 1]} : vector<16x16xf32> to vector<16x10xf32>
    %get3A_122 = arith.constant 0 : index
    %get3A_123 = arith.constant 0 : index
    %get3A_124 = vector.load %arg4[%get3A_122, %get3A_123] : memref<16x16xf32, #tpu.memory_space<vmem>>, vector<16x16xf32>
    %concatenate3A_125 = tpu.concatenate %slice3A_121, %get3A_124 in 1 : vector<16x10xf32>, vector<16x16xf32> -> vector<16x26xf32>
    %get3A_126 = arith.constant 0 : index
    %get3A_127 = arith.constant 0 : index
    %get3A_128 = vector.load %arg10[%get3A_126, %get3A_127] : memref<26x10xf32, #tpu.memory_space<vmem>>, vector<26x10xf32>
    %dot_general3A_129 = arith.constant dense<0.000000e+00> : vector<16x10xf32>
    %dot_general3A_130 = tpu.matmul %concatenate3A_125, %get3A_128, %dot_general3A_129 {dimension_numbers = #tpu.dot_dimension_numbers<[1], [0], [0], [1], [0, 0, 1, 1], [], []>, transpose_lhs_hint = false} : vector<16x26xf32>, vector<26x10xf32>, vector<16x10xf32> -> vector<16x10xf32>
    %get3A_131 = arith.constant 0 : index
    %get3A_132 = vector.load %arg11[%get3A_131] : memref<10xf32, #tpu.memory_space<vmem>>, vector<10xf32>
    %reshape3A_133 = vector.shape_cast %get3A_132 : vector<10xf32> to vector<1x10xf32>
    %add3A_134 = vector.broadcast %reshape3A_133 : vector<1x10xf32> to vector<16x10xf32>
    %add3A_135 = arith.addf %dot_general3A_130, %add3A_134 : vector<16x10xf32>
    %max3A_136 = arith.constant 0.000000e+00 : f32
    %max3A_137 = vector.broadcast %max3A_136 : f32 to vector<16x10xf32>
    %max3A_138 = arith.maximumf %add3A_135, %max3A_137 : vector<16x10xf32>
    %get3A_139 = arith.constant 0 : index
    %get3A_140 = arith.constant 0 : index
    %get3A_141 = vector.load %arg12[%get3A_139, %get3A_140] : memref<10x32xf32, #tpu.memory_space<vmem>>, vector<10x32xf32>
    %dot_general3A_142 = arith.constant dense<0.000000e+00> : vector<16x32xf32>
    %dot_general3A_143 = tpu.matmul %max3A_138, %get3A_141, %dot_general3A_142 {dimension_numbers = #tpu.dot_dimension_numbers<[1], [0], [0], [1], [0, 0, 1, 1], [], []>, transpose_lhs_hint = false} : vector<16x10xf32>, vector<10x32xf32>, vector<16x32xf32> -> vector<16x32xf32>
    %get3A_144 = arith.constant 0 : index
    %get3A_145 = vector.load %arg13[%get3A_144] : memref<32xf32, #tpu.memory_space<vmem>>, vector<32xf32>
    %reshape3A_146 = vector.shape_cast %get3A_145 : vector<32xf32> to vector<1x32xf32>
    %add3A_147 = vector.broadcast %reshape3A_146 : vector<1x32xf32> to vector<16x32xf32>
    %add3A_148 = arith.addf %dot_general3A_143, %add3A_147 : vector<16x32xf32>
    %get3A_149 = arith.constant 0 : index
    %get3A_150 = arith.constant 0 : index
    %get3A_151 = vector.load %arg14[%get3A_149, %get3A_150] : memref<26x10xf32, #tpu.memory_space<vmem>>, vector<26x10xf32>
    %dot_general3A_152 = arith.constant dense<0.000000e+00> : vector<16x10xf32>
    %dot_general3A_153 = tpu.matmul %concatenate3A_125, %get3A_151, %dot_general3A_152 {dimension_numbers = #tpu.dot_dimension_numbers<[1], [0], [0], [1], [0, 0, 1, 1], [], []>, transpose_lhs_hint = false} : vector<16x26xf32>, vector<26x10xf32>, vector<16x10xf32> -> vector<16x10xf32>
    %get3A_154 = arith.constant 0 : index
    %get3A_155 = vector.load %arg15[%get3A_154] : memref<10xf32, #tpu.memory_space<vmem>>, vector<10xf32>
    %reshape3A_156 = vector.shape_cast %get3A_155 : vector<10xf32> to vector<1x10xf32>
    %add3A_157 = vector.broadcast %reshape3A_156 : vector<1x10xf32> to vector<16x10xf32>
    %add3A_158 = arith.addf %dot_general3A_153, %add3A_157 : vector<16x10xf32>
    %max3A_159 = arith.constant 0.000000e+00 : f32
    %max3A_160 = vector.broadcast %max3A_159 : f32 to vector<16x10xf32>
    %max3A_161 = arith.maximumf %add3A_158, %max3A_160 : vector<16x10xf32>
    %get3A_162 = arith.constant 0 : index
    %get3A_163 = arith.constant 0 : index
    %get3A_164 = vector.load %arg16[%get3A_162, %get3A_163] : memref<1x10xf32, #tpu.memory_space<vmem>>, vector<1x10xf32>
    %mul3A_165 = vector.broadcast %get3A_164 : vector<1x10xf32> to vector<16x10xf32>
    %mul3A_166 = arith.mulf %max3A_161, %mul3A_165 : vector<16x10xf32>
    %reduce_sum3A_167 = arith.constant dense<0.000000e+00> : vector<16xf32>
    %reduce_sum3A_168 = vector.multi_reduction <add>, %mul3A_166, %reduce_sum3A_167 [1] : vector<16x10xf32> to vector<16xf32>
    %broadcast_in_dim3A_169 = vector.shape_cast %reduce_sum3A_168 : vector<16xf32> to vector<16x1xf32>
    %reduce_sum3A_170 = arith.constant dense<0.000000e+00> : vector<16xf32>
    %reduce_sum3A_171 = vector.multi_reduction <add>, %add3A_148, %reduce_sum3A_170 [1] : vector<16x32xf32> to vector<16xf32>
    %broadcast_in_dim3A_172 = vector.shape_cast %reduce_sum3A_171 : vector<16xf32> to vector<16x1xf32>
    %div3A_173 = arith.constant 3.200000e+01 : f32
    %div3A_174 = vector.broadcast %div3A_173 : f32 to vector<16x1xf32>
    %div3A_175 = arith.divf %broadcast_in_dim3A_172, %div3A_174 : vector<16x1xf32>
    %add3A_176 = vector.broadcast %broadcast_in_dim3A_169 : vector<16x1xf32> to vector<16x32xf32>
    %add3A_177 = arith.addf %add3A_176, %add3A_148 : vector<16x32xf32>
    %sub3A_178 = vector.broadcast %div3A_175 : vector<16x1xf32> to vector<16x32xf32>
    %sub3A_179 = arith.subf %add3A_177, %sub3A_178 : vector<16x32xf32>
    %get3A_180 = arith.constant 0 : index
    %get3A_181 = vector.load %arg17[%get3A_180] : memref<1xf32, #tpu.memory_space<vmem>>, vector<1xf32>
    %reshape3A_182 = vector.shape_cast %get3A_181 : vector<1xf32> to vector<1x1xf32>
    %add3A_183 = vector.broadcast %reshape3A_182 : vector<1x1xf32> to vector<16x32xf32>
    %add3A_184 = arith.addf %sub3A_179, %add3A_183 : vector<16x32xf32>
    %get3A_185 = arith.constant 0 : index
    %get3A_186 = arith.constant 0 : index
    %get3A_187 = vector.load %arg5[%get3A_185, %get3A_186] : memref<16x32xi32, #tpu.memory_space<vmem>>, vector<16x32xi32>
    %eq3A_188 = arith.constant 0 : i32
    %eq3A_189 = vector.broadcast %eq3A_188 : i32 to vector<16x32xi32>
    %eq3A_190 = arith.cmpi eq, %get3A_187, %eq3A_189 : vector<16x32xi32>
    %jit3A = arith.constant -1.000000e+08 : f32
    %broadcast_in_dim3A_191 = vector.broadcast %jit3A : f32 to vector<16x32xf32>
    %select_n3A = arith.select %eq3A_190, %broadcast_in_dim3A_191, %add3A_184 : vector<16x32xi1>, vector<16x32xf32>
    %swap3A = arith.constant 0 : index
    %swap3A_192 = arith.constant 0 : index
    %swap3A_193 = vector.load %arg18[%swap3A, %swap3A_192] : memref<16x32xf32, #tpu.memory_space<vmem>>, vector<16x32xf32>
    tpu.vector_store %arg18[%swap3A, %swap3A_192], %select_n3A {strides = array<i32>} : memref<16x32xf32, #tpu.memory_space<vmem>>, vector<16x32xf32>,
    return
  }
}

</mosaic_0001>

<sc_bundles>
// kernel: kernel.5.cloned.1.call-start
scs
__scs_entry_jumppad:
0x0: {  	(pc) =	sbr.rel $0x88, $3  }
0x1: {  	(tag) =	ssettag $0x0;
	lr =	simm.s32 $0x1  }
0x2: {  	[smem:$0x3F8C] =	sst lr;
	_ =	strace $0xD0000000  }
0x3: {  	_ = 	snop  }
0x4: {  	_ = 	snop  }
0x5: {  	_ = 	snop  }
0x6: {  	_ = 	snop  }
0x7: {  	_ = 	snop  }
__scs_overlays_trampoline_lowered:
0x8: {  	[smem:$0x3F9B] =	sst s0  }
0x9: {  	[smem:$0x3F9C] =	sst s1  }
0xa: {  	[smem:$0x3F9D] =	sst s2  }
0xb: {  	[smem:$0x3F9E] =	sst s3  }
0xc: {  	[smem:$0x3F9F] =	sst s4  }
0xd: {  	[smem:$0x3FA0] =	sst s5  }
0xe: {  	[smem:$0x3FA1] =	sst s6  }
0xf: {  	[smem:$0x3FA2] =	sst s7  }
0x10: {  	[smem:$0x3FA3] =	sst s8  }
0x11: {  	[smem:$0x3FA4] =	sst s9;
	s0 =	simm.s32 @!p0 $0x0  }
0x12: {  	s1 =	sld [smem:$0x3F8A];
	s0 =	simm.s32 @p0 $0x1  }
0x13: {  	[smem:$0x3FA5] =	sst s0;
	s0 =	simm.s32 @!p1 $0x0  }
0x14: {  	s2 =	sld [smem:$0x3F89];
	s0 =	simm.s32 @p1 $0x1  }
0x15: {  	[smem:$0x3FA6] =	sst s0;
	s0 =	simm.s32 @!p2 $0x0  }
0x16: {  	s3 =	sld [smem:$0x3FDB];
	s0 =	simm.s32 @p2 $0x1  }
0x17: {  	s4 =	simm.s32 $0x1BF5;
	[smem:$0x3FA8] =	sst s0  }
0x18: {  	s0 =	sld [smem:$0x3F8B];
	_ =	swait.ge [sflag:s4], $0x0  }
0x19: {  	s7 =	sld [smem:$0x3F8C]  }
0x1a: {  	s8 =	sadd.s32 $0xFFFFE003, lr  }
0x1b: {  	s9 =	sadd.s32 $0xFFFFFEF7, lr;
	s5 =	simm.s32 $0xFFFFFFFF;
	p2 =	slt.u32 s8, $0xFFFFF086  }
0x1c: {  	p1 =	slt.u32 s9, $0xF7A;
	s5 =	simm.s32 @!p2 $0x0  }
0x1d: {  	s5 =	simm.s32 @p1 $0x1;
	p0 =	seq.s32 s7, s2  }
0x1e: {  	s7 =	smul.u32 @!p0 $0xF7A, s2;
	p2 =	seq.s32 @!p0 s5, $0x0  }
0x1f: {  	s9 =	smul.u32 $0xF7A, s1;
	s8 =	simm.s32 @!p0 $0x1BF5;
	p2 =	por !p2, p0  }
0x20: {  	[sflag:s8] =	ssyncset.s32 @!p0 $0xFFFFF086;
	s6 =	sadd.s32 @!p0 s3, s7;
	s7 =	simm.s32 @!p0 $0x108  }
0x21: {  	s3 =	sadd.s32 s3, s9;
	s6 =	sadd.s32 @!p0 $0x88, s6;
	s7 =	simm.s32 @p2 $0x1082  }
0x22: {  	[simem:s7], [sflag:s8] =	dma.local @!p0 [hbm:s6], $0xF7A  }
0x23: {  	s9 =	sor.u32 $0xD0000000, s2;
	s6 =	simm.s32 $0x108;
	_ =	swait.ge @!p0 [sflag:s8], $0x0  }
0x24: {  	s3 =	sadd.s32 $0x88, s3;
	s6 =	simm.s32 @!p1 $0x1082;
	[sflag:s4] =	ssyncset.s32 $0xFFFFF086  }
0x25: {  	[simem:s6], [sflag:s4] =	dma.local [hbm:s3], $0xF7A  }
0x26: {  	[smem:$0x3F8C] =	sst s1;
	(tag) =	ssettag s2;
	_ =	strace s9  }
0x27: {  	s1 =	sld [smem:$0x3F9C]  }
0x28: {  	s2 =	sld [smem:$0x3F9D]  }
0x29: {  	s4 =	sld [smem:$0x3F9F]  }
0x2a: {  	p0 =	seq.s32 s5, $0x0;
	s5 =	sld [smem:$0x3FA0]  }
0x2b: {  	s6 =	sld [smem:$0x3FA1]  }
0x2c: {  	s7 =	sld [smem:$0x3FA2]  }
0x2d: {  	s3 =	simm.s32 $0x108;
	s8 =	sld [smem:$0x3FA3]  }
0x2e: {  	s3 =	simm.s32 @!p0 $0x1082;
	s9 =	sld [smem:$0x3FA4]  }
0x2f: {  	lr =	sadd.s32 s0, s3;
	s0 =	sld [smem:$0x3F9B]  }
0x30: {  	s3 =	sld [smem:$0x3F9E]  }
0x31: {  	[smem:$0x3FA7] =	sst s10  }
0x32: {  	s10 =	sld [smem:$0x3FA5];
	_ =	sdelay $0x3  }
0x33: {  	p0 =	seq.s32 s10, $0x1;
	s10 =	sld [smem:$0x3FA7];
	_ =	sdelay $0x3  }
0x34: {  	[smem:$0x3FA7] =	sst s10  }
0x35: {  	s10 =	sld [smem:$0x3FA6];
	_ =	sdelay $0x3  }
0x36: {  	p1 =	seq.s32 s10, $0x1;
	s10 =	sld [smem:$0x3FA7];
	_ =	sdelay $0x3  }
0x37: {  	[smem:$0x3FA7] =	sst s10  }
0x38: {  	s10 =	sld [smem:$0x3FA8]  }
0x39: {  	_ = 	snop;
	(pc) =	sbr.ind lr, $3  }
0x3a: {  	_ = 	snop  }
0x3b: {  	_ = 	snop  }
0x3c: {  	p2 =	seq.s32 s10, $0x1;
	s10 =	sld [smem:$0x3FA7]  }
0x3d: {  	_ =	shalt  }
0x3e: {  	_ =	shalt  }
0x3f: {  	_ =	shalt  }
0x40: {  	_ =	shalt  }
0x41: {  	_ =	shalt  }
0x42: {  	_ =	shalt  }
0x43: {  	_ =	shalt  }
0x44: {  	_ =	shalt  }
0x45: {  	_ =	shalt  }
0x46: {  	_ =	shalt  }
0x47: {  	_ =	shalt  }
0x48: {  	_ =	shalt  }
0x49: {  	_ =	shalt  }
0x4a: {  	_ =	shalt  }
0x4b: {  	_ =	shalt  }
0x4c: {  	_ =	shalt  }
0x4d: {  	_ =	shalt  }
0x4e: {  	_ =	shalt  }
0x4f: {  	_ =	shalt  }
0x50: {  	_ =	shalt  }
0x51: {  	_ =	shalt  }
0x52: {  	_ =	shalt  }
0x53: {  	_ =	shalt  }
0x54: {  	_ =	shalt  }
0x55: {  	_ =	shalt  }
0x56: {  	_ =	shalt  }
0x57: {  	_ =	shalt  }
0x58: {  	_ =	shalt  }
0x59: {  	_ =	shalt  }
0x5a: {  	_ =	shalt  }
0x5b: {  	_ =	shalt  }
0x5c: {  	_ =	shalt  }
0x5d: {  	_ =	shalt  }
0x5e: {  	_ =	shalt  }
0x5f: {  	_ =	shalt  }
0x60: {  	_ =	shalt  }
0x61: {  	_ =	shalt  }
0x62: {  	_ =	shalt  }
0x63: {  	_ =	shalt  }
0x64: {  	_ =	shalt  }
0x65: {  	_ =	shalt  }
0x66: {  	_ =	shalt  }
0x67: {  	_ =	shalt  }
0x68: {  	_ =	shalt  }
0x69: {  	_ =	shalt  }
0x6a: {  	_ =	shalt  }
0x6b: {  	_ =	shalt  }
0x6c: {  	_ =	shalt  }
0x6d: {  	_ =	shalt  }
0x6e: {  	_ =	shalt  }
0x6f: {  	_ =	shalt  }
0x70: {  	_ =	shalt  }
0x71: {  	_ =	shalt  }
0x72: {  	_ =	shalt  }
0x73: {  	_ =	shalt  }
0x74: {  	_ =	shalt  }
0x75: {  	_ =	shalt  }
0x76: {  	_ =	shalt  }
0x77: {  	_ =	shalt  }
0x78: {  	_ =	shalt  }
0x79: {  	_ =	shalt  }
0x7a: {  	_ =	shalt  }
0x7b: {  	_ =	shalt  }
0x7c: {  	_ =	shalt  }
0x7d: {  	_ =	shalt  }
0x7e: {  	_ =	shalt  }
0x7f: {  	_ =	shalt  }
0x80: {  	_ =	shalt  }
0x81: {  	_ =	shalt  }
0x82: {  	_ =	shalt  }
0x83: {  	_ =	shalt  }
0x84: {  	_ =	shalt  }
0x85: {  	_ =	shalt  }
0x86: {  	_ =	shalt  }
0x87: {  	_ =	shalt  }
.Lfunc_end0:
.L_simem_size_0:
called_computation_lowered:
.L_overlay_start_0:
0x88: {  	s2 =	sld [smem:$0x3FD9]  }
0x89: {  	s3 =	sld [smem:$0x3FFE];
	_ =	sdelay $0x1  }
0x8a: {  	s1 =	srdreg.scid  }
0x8b: {  	s0 =	sand.u32 $0x1, s1  }
0x8c: {  	s16 =	sshll.u32 s0, $0xA;
	s2 =	sadd.s32 s3, s2  }
0x8d: {  	s2 =	sadd.s32 s2, s16  }
0x8e: {  	[smem:$0x3FB3] =	sst s2  }
0x8f: {  	_ = 	snop  }
0x90: {  	(tm) =	ssettm $0x1  }
0x91: {  	s17 =	sld [smem:$0x3FFB];
	_ =	sdelay $0x3  }
0x92: {  	_ =	strace s17  }
0x93: {  	s2 =	sld [smem:$0x3FFC];
	_ =	sdelay $0x3  }
0x94: {  	_ =	strace s2  }
0x95: {  	s2 =	sld [smem:$0x3FFD];
	_ =	sdelay $0x3  }
0x96: {  	_ =	strace s2  }
0x97: {  	_ =	strace $0x8FFFFFFF  }
0x98: {  	s18 =	sld [smem:$0x3FDB];
	_ =	sdelay $0x1  }
0x99: {  	s19 =	simm.s32 $_scs_section_size  }
0x9a: {  	s4 =	simm.s32 $_size__tile_overlayer_lowered;
	s5 =	simm.s32 $_tile_overlayer_lowered  }
0x9b: {  	s22 =	simm.s32 $0x1BFF;
	s21 =	sshll.u32 s5, $0x1;
	s2 =	sadd.s32 s19, s18  }
0x9c: {  	s6 =	simm.s32 $0x0;
	s20 =	sshll.u32 s4, $0x1;
	s4 =	sadd.s32 s21, s2  }
0x9d: {  	[timem:s6], [sflag:s22] =	dma.local [hbm:s4], s20  }
0x9e: {  	_ =	swait.ge [sflag:s22], s20  }
0x9f: {  	s3 =	ssub.s32 $0x0, s20;
	[sflag:s22] =	ssyncset.done $0x0  }
0xa0: {  	[sflag:s22] =	ssyncadd.s32 s3;
	_ =	sdelay $0x1  }
0xa1: {  	s23 =	simm.s32 $0x1B8B  }
0xa2: {  	_ =	swait.ge [sflag:s23], $0x1  }
0xa3: {  	[sflag:s23] =	ssyncset.done $0x0  }
0xa4: {  	s25 =	simm.s32 $0x1B8E;
	s24 =	sld [smem:$0x3FFE];
	[sflag:s23] =	ssyncadd.s32 $0xFFFFFFFF  }
0xa5: {  	s26 =	simm.s32 $execute0_lowered;
	[smem:$0x3FD2] =	sst s25  }
0xa6: {  	s4 =	sshll.u32 s26, $0x1;
	_ =	strace $0x80000046;
	[dreg:$0x1] =	wrdreg $0xFFFFFFFF  }
0xa7: {  	s28 =	simm.s32 $_size_execute0_lowered;
	s2 =	sadd.s32 s2, s4;
	[dreg:$0x0] =	wrdreg $0x0  }
0xa8: {  	s4 =	sshll.u32 s28, $0x1;
	[dreg:$0x2] =	wrdreg s2  }
0xa9: {  	[dreg:$0x3] =	wrdreg s4  }
0xaa: {  	[dreg:$0x4] =	wrdreg $0xC0  }
0xab: {  	_ =	task [dreg:s6], $0x5FFFF  }
0xac: {  	[dreg:$0x1] =	wrdreg $0xFFFFFFFF  }
0xad: {  	[dreg:$0x0] =	wrdreg $0x60  }
0xae: {  	[dreg:$0x2] =	wrdreg s24  }
0xaf: {  	[dreg:$0x3] =	wrdreg $0x98000  }
0xb0: {  	[dreg:$0x4] =	wrdreg $0xBF800  }
0xb1: {  	[dreg:$0x5] =	wrdreg $0x9  }
0xb2: {  	_ =	task.clear_ibuf [dreg:s6], $0x6FFFF;
	_ =	strace $0x90000046  }
0xb3: {  	s29 =	simm.s32 $0x9;
	_ =	strace $0x80000048  }
0xb4: {  	_ =	swait.ge [sflag:s29], $0x1  }
0xb5: {  	[sflag:s29] =	ssyncadd.s32 $0xFFFFFFFF  }
0xb6: {  	_ =	strace $0x90000048  }
0xb7: {  	_ =	sfence  }
0xb8: {  	s30 =	sld [smem:$0x0];
	_ =	sdelay $0x2  }
0xb9: {  	s31 =	sshll.u32 s1, $0xD;
	s1 =	sshrl.u32 s1, $0x2  }
0xba: {  	s3 =	sand.u32 $0x4000, s31;
	s1 =	sadd.s32 s1, s30  }
0xbb: {  	s0 =	sor.u32 s3, s0;
	s1 =	sshll.u32 s1, $0x11  }
0xbc: {  	s0 =	sor.u32 s1, s0  }
0xbd: {  	s0 =	sadd.s32 $0x8F2B, s0  }
0xbe: {  	[sflag:s0] =	ssyncadd.remote.s32 $0x1  }
0xbf: {  	_ =	sfence.sel $0xFFFF  }
0xc0: {  	[dreg:$0x0] =	wrdreg $0xFFFFFFFF;
	(pc) =	sbr.abs _section_cstart, $3  }
0xc1: {  	[dreg:$0x1] =	wrdreg $0xFFFFFFFF  }
0xc2: {  	_ =	task.clear_ibuf [dreg:s6], $0x2FFFF;
	_ =	strace $0x9FFFFFFF  }
0xc3: {  	(tm) =	ssettm $0x7FFFFFFF  }
tec
execute0_lowered:
.L_overlay_start_1:
0x0: {  	(tag) =	ssettag $0x1  }
0x1: {  	s0 =	rddreg [dreg:$0x0]  }
0x2: {  	s1 =	rddreg [dreg:$0x1]  }
0x3: {  	s2 =	rddreg [dreg:$0x2];
	s3 =	srdreg.scid;
	s4 =	simm.s32 $0x0  }
0x4: {  	s11 =	stileid.u32;
	s28 =	simm.s32 $0x80;
	s29 =	simm.s32 $0x7800  }
0x5: {  	s30 =	simm.s32 $0x8000;
	s3 =	sand.u32 $0x1, s3;
	s7 =	smul.u32 $0x2780, s11  }
0x6: {  	[smem:$0x7FF] =	sst s4;
	s19 =	smul.u32 $0x9E00, s11;
	s5 =	sshll.u32 s3, $0x4  }
0x7: {  	_ =	strace $0x80000047;
	s6 =	smul.u32 $0x4F00, s3;
	s3 =	ssub.s32 $0x2, s3  }
0x8: {  	s5 =	sor.u32 s11, s5;
	s8 =	sshrl.u32 s7, $0x3;
	s10 =	sshrl.u32 s3, $0x1  }
0x9: {  	s12 =	sadd.s32 s7, s1;
	s23 =	sshrl.u32 s19, $0x2;
	s19 =	simm.s32 $0x0  }
0xa: {  	s5 =	smul.u32 $0x500, s5;
	s9 =	sadd.s32 s8, s0;
	s3 =	ssub.s32 s3, s10  }
0xb: {  	s25 =	sadd.s32 s23, s2;
	s17 =	sshrl.u32 s12, $0x3;
	s23 =	simm.s32 $0x2  }
0xc: {  	s20 =	sadd.s32 $0x2400, s9;
	s26 =	sadd.s32 $0x800, s25;
	s31 =	sadd.s32 $0x1000, s25  }
0xd: {  	s14 =	sadd.s32 $0x1800, s25;
	s15 =	sadd.s32 $0x2000, s25;
	s16 =	smax.u32 s3, $0x1  }
0xe: {  	s9 =	simm.s32 $0x2800;
	s5 =	sadd.s32 s5, s0;
	[dreg:$0x4] =	wrdreg s20  }
0xf: {  	s0 =	sadd.s32 s6, s0;
	s6 =	sshll.u32 s11, $0x6;
	[dreg:$0x9] =	wrdreg s26  }
0x10: {  	s25 =	simm.s32 $0x3;
	[dreg:$0xa] =	wrdreg s31;
	s21 =	sor.u32 $0x1C01, s6  }
0x11: {  	s3 =	simm.s32 $0x9000;
	s22 =	sadd.s32 $0x1B400, s5;
	[dreg:$0x5] =	wrdreg s21  }
0x12: {  	s11 =	sadd.s32 s7, s2;
	s24 =	sadd.s32 $0x11400, s5;
	[dreg:$0x6] =	wrdreg s22  }
0x13: {  	s20 =	simm.s32 $0x8800;
	s5 =	sadd.s32 $0x7400, s5;
	[dreg:$0x7] =	wrdreg s24  }
0x14: {  	s26 =	simm.s32 $0x4;
	s0 =	sadd.s32 $0x25400, s0;
	[dreg:$0x8] =	wrdreg s5  }
0x15: {  	v0 =	vimm.f32 $0.0e+00;
	s21 =	simm.s32 $0x5;
	s22 =	simm.s32 $0x1;
	s24 =	sadd.s32 s8, s0  }
.LBB2_1:
0x16: {  	s0 =	rddreg [dreg:$0x4]  }
0x17: {  	s5 =	rddreg [dreg:$0x5]  }
0x18: {  	[spmem:s17], [sflag:s5] =	dma.local [hbm:s0], $0x4F0  }
0x19: {  	s0 =	rddreg [dreg:$0x6]  }
0x1a: {  	[tilespmem:s4], [sflag:$0x2] =	stream.linear.gather [hbm4b:s0+s4], $0x2800, $0x38;
	[tilespmem:$0xE700] =	vst v63  }
0x1b: {  	s31 =	simm.s32 $0x5000;
	s13 =	rddreg [dreg:$0x7]  }
0x1c: {  	[tilespmem:s9], [sflag:$0x3] =	stream.linear.gather [hbm4b:s13+s4], $0x2800, $0x38;
	[tilespmem:$0xE700] =	vst v63  }
0x1d: {  	s5 =	simm.s32 $0x0;
	s18 =	rddreg [dreg:$0x8];
	s0 =	simm.s32 $0x40  }
0x1e: {  	[tilespmem:s31], [sflag:$0x4] =	stream.linear.gather [hbm4b:s18+s4], $0x2800, $0x38;
	[tilespmem:$0xE700] =	vst v63  }
.LBB2_2:
0x1f: {  	p0 =	sne.s32 s0, $0x1FC0;
	[tilespmem:s5+$0x8800] =	vst v0;
	s5 =	smov.u32 s0;
	s0 =	sadd.s32 $0x40, s0  }
.Ltmp0:
0x20: {  	(pc) =	sbr.rel @p0 .LBB2_2-.Ltmp0, $2  }
0x21: {  	_ =	sdelay $0x2  }
0x22: {  	s5 =	sshra.s32 s5, $0x2  }
0x23: {  	[tilespmem:s5+$0x8800] =	vst v0  }
0x24: {  	[spmem:s11] =	stream.linear.scatter [tilespmem:s20], [sflag:$0x5], $0x800, $0x38;
	[tilespmem:$0xE700] =	vst v63  }
0x25: {  	_ =	swait.ge [sflag:s21], $0x800  }
0x26: {  	[sflag:s21] =	ssyncset.done $0x0  }
0x27: {  	s0 =	rddreg [dreg:$0x9];
	[sflag:s21] =	ssyncadd.s32 $0xFFFFF800  }
0x28: {  	[spmem:s0] =	stream.linear.scatter [tilespmem:s20], [sflag:$0x5], $0x800, $0x38;
	[tilespmem:$0xE700] =	vst v63  }
0x29: {  	_ =	swait.ge [sflag:s21], $0x800  }
0x2a: {  	[sflag:s21] =	ssyncset.done $0x0  }
0x2b: {  	s18 =	rddreg [dreg:$0xa];
	[sflag:s21] =	ssyncadd.s32 $0xFFFFF800  }
0x2c: {  	[spmem:s18] =	stream.linear.scatter [tilespmem:s20], [sflag:$0x5], $0x800, $0x38;
	[tilespmem:$0xE700] =	vst v63  }
0x2d: {  	_ =	swait.ge [sflag:s21], $0x800  }
0x2e: {  	[sflag:s21] =	ssyncset.done $0x0  }
0x2f: {  	[sflag:s21] =	ssyncadd.s32 $0xFFFFF800  }
0x30: {  	[spmem:s14] =	stream.linear.scatter [tilespmem:s20], [sflag:$0x5], $0x800, $0x38;
	[tilespmem:$0xE700] =	vst v63  }
0x31: {  	_ =	swait.ge [sflag:s21], $0x800  }
0x32: {  	[sflag:s21] =	ssyncset.done $0x0  }
0x33: {  	[sflag:s21] =	ssyncadd.s32 $0xFFFFF800  }
0x34: {  	[spmem:s15] =	stream.linear.scatter [tilespmem:s20], [sflag:$0x5], $0x780, $0x38;
	[tilespmem:$0xE700] =	vst v63  }
0x35: {  	_ =	swait.ge [sflag:s21], $0x780  }
0x36: {  	[sflag:s21] =	ssyncset.done $0x0  }
0x37: {  	[sflag:s21] =	ssyncadd.s32 $0xFFFFF880  }
0x38: {  	_ =	swait.ge [sflag:s22], $0x4F0  }
0x39: {  	[sflag:s22] =	ssyncset.done $0x0  }
0x3a: {  	[sflag:s22] =	ssyncadd.s32 $0xFFFFFB10  }
0x3b: {  	_ =	swait.ge [sflag:s23], $0x2800  }
0x3c: {  	[sflag:s23] =	ssyncset.done $0x0  }
0x3d: {  	[sflag:s23] =	ssyncadd.s32 $0xFFFFD800  }
0x3e: {  	_ =	swait.ge [sflag:s25], $0x2800  }
0x3f: {  	[sflag:s25] =	ssyncset.done $0x0  }
0x40: {  	[sflag:s25] =	ssyncadd.s32 $0xFFFFD800  }
0x41: {  	_ =	swait.ge [sflag:s26], $0x2800  }
0x42: {  	[sflag:s26] =	ssyncset.done $0x0  }
0x43: {  	[sflag:s26] =	ssyncadd.s32 $0xFFFFD800  }
0x44: {  	s31 =	simm.s32 $0x0;
	[bflag:$0x0] =	sbarrier.arrive $0xFFFF  }
0x45: {  	[tilespmem:s29], [sflag:$0x1] =	stream.indirect.gather [spmem:s1], $0x10, s31, s28, $0xb8;
	[tilespmem:$0xE700] =	vst v63  }
0x46: {  	_ = 	snop  }
0x47: {  	[tilespmem:s30], [sflag:$0x2] =	stream.indirect.gather [spmem:s1], $0x10, s28, s28, $0xb8;
	[tilespmem:$0xE700] =	vst v63  }
0x48: {  	_ =	swait.ge [sflag:s22], $0x800  }
0x49: {  	[sflag:s22] =	ssyncset.done $0x0  }
0x4a: {  	s0 =	simm.s32 $0x0;
	[sflag:s22] =	ssyncadd.s32 $0xFFFFF800  }
0x4b: {  	s5 =	simm.s32 $0x5000;
	v2 =	vld [tilespmem:s0+$0x7800]  }
0x4c: {  	s7 =	simm.s32 $0x400;
	v1 =	vld [tilespmem:s5+$0x0]  }
.LBB2_4:
0x4d: {  	p0 =	sne.s32 s7, $0x1C00;
	v3 =	vld [tilespmem:s0+$0x7810]  }
0x4e: {  	v4 =	vld [tilespmem:s0+$0x7820]  }
0x4f: {  	v5 =	vld [tilespmem:s0+$0x7830]  }
0x50: {  	v6 =	vld [tilespmem:s0+$0x7840]  }
0x51: {  	v7 =	vbroadcast v1, $0x0;
	v8 =	vbroadcast v1, $0x1;
	v9 =	vld [tilespmem:s0+$0x7850]  }
0x52: {  	v10 =	vbroadcast v1, $0x2;
	v11 =	vbroadcast v1, $0x3;
	v12 =	vld [tilespmem:s0+$0x7860]  }
0x53: {  	v2 =	vmul.f32 v7, v2;
	v3 =	vmul.f32 v3, v8;
	v7 =	vld [tilespmem:s0+$0x7870]  }
0x54: {  	v4 =	vmul.f32 v4, v10;
	v5 =	vmul.f32 v5, v11;
	v8 =	vld [tilespmem:s0+$0x7880]  }
0x55: {  	v10 =	vbroadcast v1, $0x5;
	[tilespmem:s0+$0x8800] =	vst v2;
	v2 =	vbroadcast v1, $0x4;
	v11 =	vld [tilespmem:s0+$0x7890]  }
0x56: {  	v13 =	vbroadcast v1, $0x7;
	[tilespmem:s0+$0x8810] =	vst v3;
	v3 =	vbroadcast v1, $0x6;
	v14 =	vld [tilespmem:s0+$0x78A0]  }
0x57: {  	[tilespmem:s0+$0x8820] =	vst v4;
	v2 =	vmul.f32 v6, v2;
	v4 =	vmul.f32 v9, v10;
	v6 =	vld [tilespmem:s0+$0x78B0]  }
0x58: {  	[tilespmem:s0+$0x8830] =	vst v5;
	v3 =	vmul.f32 v12, v3;
	v5 =	vmul.f32 v7, v13;
	v7 =	vld [tilespmem:s0+$0x78C0]  }
0x59: {  	v9 =	vbroadcast v1, $0x9;
	[tilespmem:s0+$0x8840] =	vst v2;
	v2 =	vbroadcast v1, $0x8;
	v10 =	vld [tilespmem:s0+$0x78D0]  }
0x5a: {  	v12 =	vbroadcast v1, $0xB;
	[tilespmem:s0+$0x8850] =	vst v4;
	v4 =	vbroadcast v1, $0xA;
	v13 =	vld [tilespmem:s0+$0x78E0]  }
0x5b: {  	[tilespmem:s0+$0x8860] =	vst v3;
	v2 =	vmul.f32 v8, v2;
	v3 =	vmul.f32 v11, v9;
	v8 =	vld [tilespmem:s0+$0x78F0]  }
0x5c: {  	[tilespmem:s0+$0x8870] =	vst v5;
	v4 =	vmul.f32 v14, v4;
	v5 =	vmul.f32 v6, v12  }
0x5d: {  	v6 =	vbroadcast v1, $0xD;
	[tilespmem:s0+$0x8880] =	vst v2;
	v2 =	vbroadcast v1, $0xC  }
0x5e: {  	[tilespmem:s0+$0x8890] =	vst v3;
	v3 =	vbroadcast v1, $0xE;
	v1 =	vbroadcast v1, $0xF  }
0x5f: {  	[tilespmem:s0+$0x88A0] =	vst v4;
	v2 =	vmul.f32 v7, v2;
	v4 =	vmul.f32 v10, v6  }
0x60: {  	[tilespmem:s0+$0x88B0] =	vst v5;
	v3 =	vmul.f32 v13, v3;
	v1 =	vmul.f32 v8, v1  }
.Ltmp1:
0x61: {  	[tilespmem:s0+$0x88C0] =	vst v2;
	(pc) =	sbr.rel @p0 .LBB2_4-.Ltmp1, $4  }
0x62: {  	[tilespmem:s0+$0x88D0] =	vst v4  }
0x63: {  	s8 =	sshra.s32 s7, $0x2;
	[tilespmem:s0+$0x88E0] =	vst v3  }
0x64: {  	s5 =	sadd.s32 $0x10, s5;
	v2 =	vld [tilespmem:s8+$0x7800];
	[tilespmem:s0+$0x88F0] =	vst v1;
	s0 =	smov.u32 s8  }
0x65: {  	s7 =	sadd.s32 $0x400, s7;
	v1 =	vld [tilespmem:s5+$0x0]  }
0x66: {  	_ =	sdelay $0x1  }
0x67: {  	v3 =	vld [tilespmem:s0+$0x7810]  }
0x68: {  	v4 =	vld [tilespmem:s0+$0x7820]  }
0x69: {  	v5 =	vld [tilespmem:s0+$0x7830];
	v7 =	vbroadcast v1, $0x0  }
0x6a: {  	v6 =	vld [tilespmem:s0+$0x7840];
	v10 =	vbroadcast v1, $0x1  }
0x6b: {  	v8 =	vld [tilespmem:s0+$0x7850];
	v12 =	vbroadcast v1, $0x2;
	v2 =	vmul.f32 v7, v2  }
0x6c: {  	v9 =	vld [tilespmem:s0+$0x7860];
	v48 =	vbroadcast v1, $0x3;
	v3 =	vmul.f32 v3, v10  }
0x6d: {  	v47 =	vld [tilespmem:s0+$0x7870];
	v49 =	vbroadcast v1, $0x4;
	v4 =	vmul.f32 v4, v12;
	[tilespmem:s0+$0x8800] =	vst v2  }
0x6e: {  	v54 =	vld [tilespmem:s0+$0x78D0];
	v51 =	vbroadcast v1, $0x5;
	v5 =	vmul.f32 v5, v48;
	[tilespmem:s0+$0x8810] =	vst v3  }
0x6f: {  	v11 =	vld [tilespmem:s0+$0x7880];
	v53 =	vbroadcast v1, $0x6;
	v6 =	vmul.f32 v6, v49;
	[tilespmem:s0+$0x8820] =	vst v4  }
0x70: {  	v55 =	vbroadcast v1, $0x7;
	v8 =	vmul.f32 v8, v51;
	v2 =	vld [tilespmem:s0+$0x7890];
	[tilespmem:s0+$0x8830] =	vst v5  }
0x71: {  	v62 =	vbroadcast v1, $0xD;
	v9 =	vmul.f32 v9, v53;
	v3 =	vld [tilespmem:s0+$0x78A0];
	[tilespmem:s0+$0x8840] =	vst v6  }
0x72: {  	v50 =	vld [tilespmem:s0+$0x78B0];
	v56 =	vbroadcast v1, $0x8;
	v7 =	vmul.f32 v47, v55;
	[tilespmem:s0+$0x8850] =	vst v8  }
0x73: {  	v52 =	vld [tilespmem:s0+$0x78C0];
	v58 =	vbroadcast v1, $0x9;
	v63 =	vmul.f32 v54, v62;
	[tilespmem:s0+$0x8860] =	vst v9  }
0x74: {  	v57 =	vld [tilespmem:s0+$0x78E0];
	v59 =	vbroadcast v1, $0xA;
	v8 =	vmul.f32 v11, v56;
	[tilespmem:s0+$0x8870] =	vst v7  }
0x75: {  	v60 =	vld [tilespmem:s0+$0x78F0];
	v13 =	vbroadcast v1, $0xB;
	[tilespmem:s0+$0x88D0] =	vst v63;
	v2 =	vmul.f32 v2, v58  }
0x76: {  	v61 =	vbroadcast v1, $0xC;
	[tilespmem:s0+$0x8880] =	vst v8;
	v3 =	vmul.f32 v3, v59  }
0x77: {  	v4 =	vmul.f32 v50, v13;
	[tilespmem:s0+$0x8890] =	vst v2;
	v2 =	vbroadcast v1, $0xE  }
0x78: {  	[tilespmem:s0+$0x88A0] =	vst v3;
	v3 =	vmul.f32 v52, v61;
	v1 =	vbroadcast v1, $0xF  }
0x79: {  	[tilespmem:s0+$0x88B0] =	vst v4;
	v2 =	vmul.f32 v57, v2  }
0x7a: {  	[tilespmem:s0+$0x88C0] =	vst v3;
	v1 =	vmul.f32 v60, v1  }
0x7b: {  	[tilespmem:s0+$0x88E0] =	vst v2  }
0x7c: {  	[tilespmem:s0+$0x88F0] =	vst v1  }
0x7d: {  	[spmem:s2] =	stream.indirect.scatter.add.f32 [tilespmem:s20], [sflag:$0x3], $0x10, s9, s28, $0xb8;
	[tilespmem:$0xE700] =	vst v63  }
0x7e: {  	s31 =	simm.s32 $0x100  }
0x7f: {  	[tilespmem:s29], [sflag:$0x1] =	stream.indirect.gather [spmem:s1], $0x10, s31, s28, $0xb8;
	[tilespmem:$0xE700] =	vst v63  }
0x80: {  	_ =	swait.ge [sflag:s23], $0x800  }
0x81: {  	[sflag:s23] =	ssyncset.done $0x0  }
0x82: {  	s0 =	simm.s32 $0x0;
	[sflag:s23] =	ssyncadd.s32 $0xFFFFF800  }
0x83: {  	s5 =	simm.s32 $0x5080;
	v2 =	vld [tilespmem:s0+$0x8000]  }
0x84: {  	s7 =	simm.s32 $0x400;
	v1 =	vld [tilespmem:s5+$0x0]  }
.LBB2_6:
0x85: {  	p0 =	sne.s32 s7, $0x1C00;
	v3 =	vld [tilespmem:s0+$0x8010]  }
0x86: {  	v4 =	vld [tilespmem:s0+$0x8020]  }
0x87: {  	v5 =	vld [tilespmem:s0+$0x8030]  }
0x88: {  	v6 =	vld [tilespmem:s0+$0x8040]  }
0x89: {  	v7 =	vbroadcast v1, $0x0;
	v8 =	vbroadcast v1, $0x1;
	v9 =	vld [tilespmem:s0+$0x8050]  }
0x8a: {  	v10 =	vbroadcast v1, $0x2;
	v11 =	vbroadcast v1, $0x3;
	v12 =	vld [tilespmem:s0+$0x8060]  }
0x8b: {  	v2 =	vmul.f32 v7, v2;
	v3 =	vmul.f32 v3, v8;
	v7 =	vld [tilespmem:s0+$0x8070]  }
0x8c: {  	v4 =	vmul.f32 v4, v10;
	v5 =	vmul.f32 v5, v11;
	v8 =	vld [tilespmem:s0+$0x8080]  }
0x8d: {  	v10 =	vbroadcast v1, $0x5;
	[tilespmem:s0+$0x9000] =	vst v2;
	v2 =	vbroadcast v1, $0x4;
	v11 =	vld [tilespmem:s0+$0x8090]  }
0x8e: {  	v13 =	vbroadcast v1, $0x7;
	[tilespmem:s0+$0x9010] =	vst v3;
	v3 =	vbroadcast v1, $0x6;
	v14 =	vld [tilespmem:s0+$0x80A0]  }
0x8f: {  	[tilespmem:s0+$0x9020] =	vst v4;
	v2 =	vmul.f32 v6, v2;
	v4 =	vmul.f32 v9, v10;
	v6 =	vld [tilespmem:s0+$0x80B0]  }
0x90: {  	[tilespmem:s0+$0x9030] =	vst v5;
	v3 =	vmul.f32 v12, v3;
	v5 =	vmul.f32 v7, v13;
	v7 =	vld [tilespmem:s0+$0x80C0]  }
0x91: {  	v9 =	vbroadcast v1, $0x9;
	[tilespmem:s0+$0x9040] =	vst v2;
	v2 =	vbroadcast v1, $0x8;
	v10 =	vld [tilespmem:s0+$0x80D0]  }
0x92: {  	v12 =	vbroadcast v1, $0xB;
	[tilespmem:s0+$0x9050] =	vst v4;
	v4 =	vbroadcast v1, $0xA;
	v13 =	vld [tilespmem:s0+$0x80E0]  }
0x93: {  	[tilespmem:s0+$0x9060] =	vst v3;
	v2 =	vmul.f32 v8, v2;
	v3 =	vmul.f32 v11, v9;
	v8 =	vld [tilespmem:s0+$0x80F0]  }
0x94: {  	[tilespmem:s0+$0x9070] =	vst v5;
	v4 =	vmul.f32 v14, v4;
	v5 =	vmul.f32 v6, v12  }
0x95: {  	v6 =	vbroadcast v1, $0xD;
	[tilespmem:s0+$0x9080] =	vst v2;
	v2 =	vbroadcast v1, $0xC  }
0x96: {  	[tilespmem:s0+$0x9090] =	vst v3;
	v3 =	vbroadcast v1, $0xE;
	v1 =	vbroadcast v1, $0xF  }
0x97: {  	[tilespmem:s0+$0x90A0] =	vst v4;
	v2 =	vmul.f32 v7, v2;
	v4 =	vmul.f32 v10, v6  }
0x98: {  	[tilespmem:s0+$0x90B0] =	vst v5;
	v3 =	vmul.f32 v13, v3;
	v1 =	vmul.f32 v8, v1  }
.Ltmp2:
0x99: {  	[tilespmem:s0+$0x90C0] =	vst v2;
	(pc) =	sbr.rel @p0 .LBB2_6-.Ltmp2, $4  }
0x9a: {  	[tilespmem:s0+$0x90D0] =	vst v4  }
0x9b: {  	s8 =	sshra.s32 s7, $0x2;
	[tilespmem:s0+$0x90E0] =	vst v3  }
0x9c: {  	s5 =	sadd.s32 $0x10, s5;
	v2 =	vld [tilespmem:s8+$0x8000];
	[tilespmem:s0+$0x90F0] =	vst v1;
	s0 =	smov.u32 s8  }
0x9d: {  	s7 =	sadd.s32 $0x400, s7;
	v1 =	vld [tilespmem:s5+$0x0]  }
0x9e: {  	_ =	sdelay $0x1  }
0x9f: {  	v3 =	vld [tilespmem:s0+$0x8010]  }
0xa0: {  	v4 =	vld [tilespmem:s0+$0x8020]  }
0xa1: {  	v5 =	vld [tilespmem:s0+$0x8030];
	v7 =	vbroadcast v1, $0x0  }
0xa2: {  	v6 =	vld [tilespmem:s0+$0x8040];
	v10 =	vbroadcast v1, $0x1  }
0xa3: {  	v8 =	vld [tilespmem:s0+$0x8050];
	v12 =	vbroadcast v1, $0x2;
	v2 =	vmul.f32 v7, v2  }
0xa4: {  	v9 =	vld [tilespmem:s0+$0x8060];
	v48 =	vbroadcast v1, $0x3;
	v3 =	vmul.f32 v3, v10  }
0xa5: {  	v47 =	vld [tilespmem:s0+$0x8070];
	v49 =	vbroadcast v1, $0x4;
	v4 =	vmul.f32 v4, v12;
	[tilespmem:s0+$0x9000] =	vst v2  }
0xa6: {  	v54 =	vld [tilespmem:s0+$0x80D0];
	v51 =	vbroadcast v1, $0x5;
	v5 =	vmul.f32 v5, v48;
	[tilespmem:s0+$0x9010] =	vst v3  }
0xa7: {  	v11 =	vld [tilespmem:s0+$0x8080];
	v53 =	vbroadcast v1, $0x6;
	v6 =	vmul.f32 v6, v49;
	[tilespmem:s0+$0x9020] =	vst v4  }
0xa8: {  	v55 =	vbroadcast v1, $0x7;
	v8 =	vmul.f32 v8, v51;
	v2 =	vld [tilespmem:s0+$0x8090];
	[tilespmem:s0+$0x9030] =	vst v5  }
0xa9: {  	v62 =	vbroadcast v1, $0xD;
	v9 =	vmul.f32 v9, v53;
	v3 =	vld [tilespmem:s0+$0x80A0];
	[tilespmem:s0+$0x9040] =	vst v6  }
0xaa: {  	v50 =	vld [tilespmem:s0+$0x80B0];
	v56 =	vbroadcast v1, $0x8;
	v7 =	vmul.f32 v47, v55;
	[tilespmem:s0+$0x9050] =	vst v8  }
0xab: {  	v52 =	vld [tilespmem:s0+$0x80C0];
	v58 =	vbroadcast v1, $0x9;
	v63 =	vmul.f32 v54, v62;
	[tilespmem:s0+$0x9060] =	vst v9  }
0xac: {  	v57 =	vld [tilespmem:s0+$0x80E0];
	v59 =	vbroadcast v1, $0xA;
	v8 =	vmul.f32 v11, v56;
	[tilespmem:s0+$0x9070] =	vst v7  }
0xad: {  	v60 =	vld [tilespmem:s0+$0x80F0];
	v13 =	vbroadcast v1, $0xB;
	[tilespmem:s0+$0x90D0] =	vst v63;
	v2 =	vmul.f32 v2, v58  }
0xae: {  	v61 =	vbroadcast v1, $0xC;
	[tilespmem:s0+$0x9080] =	vst v8;
	v3 =	vmul.f32 v3, v59  }
0xaf: {  	v4 =	vmul.f32 v50, v13;
	[tilespmem:s0+$0x9090] =	vst v2;
	v2 =	vbroadcast v1, $0xE  }
0xb0: {  	[tilespmem:s0+$0x90A0] =	vst v3;
	v3 =	vmul.f32 v52, v61;
	v1 =	vbroadcast v1, $0xF  }
0xb1: {  	[tilespmem:s0+$0x90B0] =	vst v4;
	v2 =	vmul.f32 v57, v2  }
0xb2: {  	[tilespmem:s0+$0x90C0] =	vst v3;
	v1 =	vmul.f32 v60, v1  }
0xb3: {  	s18 =	simm.s32 $0x2880;
	[tilespmem:s0+$0x90E0] =	vst v2  }
0xb4: {  	s31 =	simm.s32 $0x0;
	s12 =	simm.s32 $0x5100;
	s5 =	simm.s32 $0x5180;
	[tilespmem:s0+$0x90F0] =	vst v1  }
0xb5: {  	[spmem:s2] =	stream.indirect.scatter.add.f32 [tilespmem:s3], [sflag:$0x4], $0x10, s18, s28, $0xb8;
	[tilespmem:$0xE700] =	vst v63  }
.LBB2_8:
0xb6: {  	s8 =	sshll.u32 s31, $0xA  }
0xb7: {  	s0 =	sadd.s32 $0x600, s8  }
0xb8: {  	s7 =	sshra.s32 s0, $0x2  }
0xb9: {  	[tilespmem:s30], [sflag:$0x2] =	stream.indirect.gather [spmem:s1], $0x10, s7, s28, $0xb8;
	[tilespmem:$0xE700] =	vst v63  }
0xba: {  	_ =	swait.ge [sflag:s22], $0x800  }
0xbb: {  	[sflag:s22] =	ssyncset.done $0x0  }
0xbc: {  	[sflag:s22] =	ssyncadd.s32 $0xFFFFF800  }
0xbd: {  	_ =	swait.ge [sflag:s25], $0x800  }
0xbe: {  	[sflag:s25] =	ssyncset.done $0x0  }
0xbf: {  	s18 =	simm.s32 $0x0;
	[sflag:s25] =	ssyncadd.s32 $0xFFFFF800  }
0xc0: {  	v2 =	vld [tilespmem:s18+$0x7800]  }
0xc1: {  	s10 =	simm.s32 $0x400;
	s9 =	sadd.s32 $0x400, s8;
	s0 =	smov.u32 s12;
	v1 =	vld [tilespmem:s12+$0x0]  }
.LBB2_9:
0xc2: {  	p0 =	sne.s32 s10, $0x1C00;
	v3 =	vld [tilespmem:s18+$0x7810]  }
0xc3: {  	v4 =	vld [tilespmem:s18+$0x7820]  }
0xc4: {  	v5 =	vld [tilespmem:s18+$0x7830]  }
0xc5: {  	v6 =	vld [tilespmem:s18+$0x7840]  }
0xc6: {  	v7 =	vbroadcast v1, $0x0;
	v8 =	vbroadcast v1, $0x1;
	v9 =	vld [tilespmem:s18+$0x7850]  }
0xc7: {  	v10 =	vbroadcast v1, $0x2;
	v11 =	vbroadcast v1, $0x3;
	v12 =	vld [tilespmem:s18+$0x7860]  }
0xc8: {  	v2 =	vmul.f32 v7, v2;
	v3 =	vmul.f32 v3, v8;
	v7 =	vld [tilespmem:s18+$0x7870]  }
0xc9: {  	v4 =	vmul.f32 v4, v10;
	v5 =	vmul.f32 v5, v11;
	v8 =	vld [tilespmem:s18+$0x7880]  }
0xca: {  	v10 =	vbroadcast v1, $0x5;
	[tilespmem:s18+$0x8800] =	vst v2;
	v2 =	vbroadcast v1, $0x4;
	v11 =	vld [tilespmem:s18+$0x7890]  }
0xcb: {  	v13 =	vbroadcast v1, $0x7;
	[tilespmem:s18+$0x8810] =	vst v3;
	v3 =	vbroadcast v1, $0x6;
	v14 =	vld [tilespmem:s18+$0x78A0]  }
0xcc: {  	[tilespmem:s18+$0x8820] =	vst v4;
	v2 =	vmul.f32 v6, v2;
	v4 =	vmul.f32 v9, v10;
	v6 =	vld [tilespmem:s18+$0x78B0]  }
0xcd: {  	[tilespmem:s18+$0x8830] =	vst v5;
	v3 =	vmul.f32 v12, v3;
	v5 =	vmul.f32 v7, v13;
	v7 =	vld [tilespmem:s18+$0x78C0]  }
0xce: {  	v9 =	vbroadcast v1, $0x9;
	[tilespmem:s18+$0x8840] =	vst v2;
	v2 =	vbroadcast v1, $0x8;
	v10 =	vld [tilespmem:s18+$0x78D0]  }
0xcf: {  	v12 =	vbroadcast v1, $0xB;
	[tilespmem:s18+$0x8850] =	vst v4;
	v4 =	vbroadcast v1, $0xA;
	v13 =	vld [tilespmem:s18+$0x78E0]  }
0xd0: {  	[tilespmem:s18+$0x8860] =	vst v3;
	v2 =	vmul.f32 v8, v2;
	v3 =	vmul.f32 v11, v9;
	v8 =	vld [tilespmem:s18+$0x78F0]  }
0xd1: {  	[tilespmem:s18+$0x8870] =	vst v5;
	v4 =	vmul.f32 v14, v4;
	v5 =	vmul.f32 v6, v12  }
0xd2: {  	v6 =	vbroadcast v1, $0xD;
	[tilespmem:s18+$0x8880] =	vst v2;
	v2 =	vbroadcast v1, $0xC  }
0xd3: {  	[tilespmem:s18+$0x8890] =	vst v3;
	v3 =	vbroadcast v1, $0xE;
	v1 =	vbroadcast v1, $0xF  }
0xd4: {  	[tilespmem:s18+$0x88A0] =	vst v4;
	v2 =	vmul.f32 v7, v2;
	v4 =	vmul.f32 v10, v6  }
0xd5: {  	[tilespmem:s18+$0x88B0] =	vst v5;
	v3 =	vmul.f32 v13, v3;
	v1 =	vmul.f32 v8, v1  }
.Ltmp3:
0xd6: {  	[tilespmem:s18+$0x88C0] =	vst v2;
	(pc) =	sbr.rel @p0 .LBB2_9-.Ltmp3, $4  }
0xd7: {  	[tilespmem:s18+$0x88D0] =	vst v4  }
0xd8: {  	s13 =	sshra.s32 s10, $0x2;
	[tilespmem:s18+$0x88E0] =	vst v3  }
0xd9: {  	s0 =	sadd.s32 $0x10, s0;
	v2 =	vld [tilespmem:s13+$0x7800];
	[tilespmem:s18+$0x88F0] =	vst v1;
	s18 =	smov.u32 s13  }
0xda: {  	s10 =	sadd.s32 $0x400, s10;
	v1 =	vld [tilespmem:s0+$0x0]  }
0xdb: {  	_ =	sdelay $0x1  }
0xdc: {  	v3 =	vld [tilespmem:s18+$0x7810]  }
0xdd: {  	v4 =	vld [tilespmem:s18+$0x7820]  }
0xde: {  	v5 =	vld [tilespmem:s18+$0x7830];
	v7 =	vbroadcast v1, $0x0  }
0xdf: {  	v6 =	vld [tilespmem:s18+$0x7840];
	v10 =	vbroadcast v1, $0x1  }
0xe0: {  	v8 =	vld [tilespmem:s18+$0x7850];
	v12 =	vbroadcast v1, $0x2;
	v2 =	vmul.f32 v7, v2  }
0xe1: {  	v9 =	vld [tilespmem:s18+$0x7860];
	v48 =	vbroadcast v1, $0x3;
	v3 =	vmul.f32 v3, v10  }
0xe2: {  	v47 =	vld [tilespmem:s18+$0x7870];
	v49 =	vbroadcast v1, $0x4;
	v4 =	vmul.f32 v4, v12;
	[tilespmem:s18+$0x8800] =	vst v2  }
0xe3: {  	v54 =	vld [tilespmem:s18+$0x78D0];
	v51 =	vbroadcast v1, $0x5;
	v5 =	vmul.f32 v5, v48;
	[tilespmem:s18+$0x8810] =	vst v3  }
0xe4: {  	v11 =	vld [tilespmem:s18+$0x7880];
	v53 =	vbroadcast v1, $0x6;
	v6 =	vmul.f32 v6, v49;
	[tilespmem:s18+$0x8820] =	vst v4  }
0xe5: {  	v55 =	vbroadcast v1, $0x7;
	v8 =	vmul.f32 v8, v51;
	v2 =	vld [tilespmem:s18+$0x7890];
	[tilespmem:s18+$0x8830] =	vst v5  }
0xe6: {  	v62 =	vbroadcast v1, $0xD;
	v9 =	vmul.f32 v9, v53;
	v3 =	vld [tilespmem:s18+$0x78A0];
	[tilespmem:s18+$0x8840] =	vst v6  }
0xe7: {  	v50 =	vld [tilespmem:s18+$0x78B0];
	v56 =	vbroadcast v1, $0x8;
	v7 =	vmul.f32 v47, v55;
	[tilespmem:s18+$0x8850] =	vst v8  }
0xe8: {  	v52 =	vld [tilespmem:s18+$0x78C0];
	v58 =	vbroadcast v1, $0x9;
	v63 =	vmul.f32 v54, v62;
	[tilespmem:s18+$0x8860] =	vst v9  }
0xe9: {  	v57 =	vld [tilespmem:s18+$0x78E0];
	v59 =	vbroadcast v1, $0xA;
	v8 =	vmul.f32 v11, v56;
	[tilespmem:s18+$0x8870] =	vst v7  }
0xea: {  	v60 =	vld [tilespmem:s18+$0x78F0];
	v13 =	vbroadcast v1, $0xB;
	[tilespmem:s18+$0x88D0] =	vst v63;
	v2 =	vmul.f32 v2, v58  }
0xeb: {  	v61 =	vbroadcast v1, $0xC;
	[tilespmem:s18+$0x8880] =	vst v8;
	v3 =	vmul.f32 v3, v59  }
0xec: {  	v4 =	vmul.f32 v50, v13;
	[tilespmem:s18+$0x8890] =	vst v2;
	v2 =	vbroadcast v1, $0xE  }
0xed: {  	[tilespmem:s18+$0x88A0] =	vst v3;
	v3 =	vmul.f32 v52, v61;
	v1 =	vbroadcast v1, $0xF  }
0xee: {  	[tilespmem:s18+$0x88B0] =	vst v4;
	v2 =	vmul.f32 v57, v2  }
0xef: {  	[tilespmem:s18+$0x88C0] =	vst v3;
	v1 =	vmul.f32 v60, v1  }
0xf0: {  	s0 =	sshra.s32 s9, $0x2;
	[tilespmem:s18+$0x88E0] =	vst v2  }
0xf1: {  	p0 =	seq.s32 s31, $0x26;
	s0 =	sadd.s32 $0x2800, s0;
	[tilespmem:s18+$0x88F0] =	vst v1  }
0xf2: {  	[spmem:s2] =	stream.indirect.scatter.add.f32 [tilespmem:s20], [sflag:$0x3], $0x10, s0, s28, $0xb8;
	[tilespmem:$0xE700] =	vst v63  }
0xf3: {  	s0 =	sshra.s32 @!p0 s8, $0x2  }
0xf4: {  	s9 =	simm.s32 @!p0 $0x7800;
	s8 =	simm.s32 @!p0 $0x80;
	s0 =	sadd.s32 @!p0 $0x200, s0  }
0xf5: {  	[tilespmem:s9], [sflag:$0x1] =	stream.indirect.gather @!p0 [spmem:s1], $0x10, s0, s8, $0xb8;
	[tilespmem:$0xE700] =	vst v63  }
0xf6: {  	_ =	swait.ge [sflag:s23], $0x800  }
0xf7: {  	[sflag:s23] =	ssyncset.done $0x0  }
0xf8: {  	[sflag:s23] =	ssyncadd.s32 $0xFFFFF800  }
0xf9: {  	_ =	swait.ge [sflag:s26], $0x800  }
0xfa: {  	[sflag:s26] =	ssyncset.done $0x0  }
0xfb: {  	s8 =	simm.s32 $0x0;
	[sflag:s26] =	ssyncadd.s32 $0xFFFFF800  }
0xfc: {  	v2 =	vld [tilespmem:s8+$0x8000]  }
0xfd: {  	s9 =	simm.s32 $0x400;
	s0 =	smov.u32 s5;
	v1 =	vld [tilespmem:s5+$0x0]  }
.LBB2_11:
0xfe: {  	p0 =	sne.s32 s9, $0x1C00;
	v3 =	vld [tilespmem:s8+$0x8010]  }
0xff: {  	v4 =	vld [tilespmem:s8+$0x8020]  }
0x100: {  	v5 =	vld [tilespmem:s8+$0x8030]  }
0x101: {  	v6 =	vld [tilespmem:s8+$0x8040]  }
0x102: {  	v7 =	vbroadcast v1, $0x0;
	v8 =	vbroadcast v1, $0x1;
	v9 =	vld [tilespmem:s8+$0x8050]  }
0x103: {  	v10 =	vbroadcast v1, $0x2;
	v11 =	vbroadcast v1, $0x3;
	v12 =	vld [tilespmem:s8+$0x8060]  }
0x104: {  	v2 =	vmul.f32 v7, v2;
	v3 =	vmul.f32 v3, v8;
	v7 =	vld [tilespmem:s8+$0x8070]  }
0x105: {  	v4 =	vmul.f32 v4, v10;
	v5 =	vmul.f32 v5, v11;
	v8 =	vld [tilespmem:s8+$0x8080]  }
0x106: {  	v10 =	vbroadcast v1, $0x5;
	[tilespmem:s8+$0x9000] =	vst v2;
	v2 =	vbroadcast v1, $0x4;
	v11 =	vld [tilespmem:s8+$0x8090]  }
0x107: {  	v13 =	vbroadcast v1, $0x7;
	[tilespmem:s8+$0x9010] =	vst v3;
	v3 =	vbroadcast v1, $0x6;
	v14 =	vld [tilespmem:s8+$0x80A0]  }
0x108: {  	[tilespmem:s8+$0x9020] =	vst v4;
	v2 =	vmul.f32 v6, v2;
	v4 =	vmul.f32 v9, v10;
	v6 =	vld [tilespmem:s8+$0x80B0]  }
0x109: {  	[tilespmem:s8+$0x9030] =	vst v5;
	v3 =	vmul.f32 v12, v3;
	v5 =	vmul.f32 v7, v13;
	v7 =	vld [tilespmem:s8+$0x80C0]  }
0x10a: {  	v9 =	vbroadcast v1, $0x9;
	[tilespmem:s8+$0x9040] =	vst v2;
	v2 =	vbroadcast v1, $0x8;
	v10 =	vld [tilespmem:s8+$0x80D0]  }
0x10b: {  	v12 =	vbroadcast v1, $0xB;
	[tilespmem:s8+$0x9050] =	vst v4;
	v4 =	vbroadcast v1, $0xA;
	v13 =	vld [tilespmem:s8+$0x80E0]  }
0x10c: {  	[tilespmem:s8+$0x9060] =	vst v3;
	v2 =	vmul.f32 v8, v2;
	v3 =	vmul.f32 v11, v9;
	v8 =	vld [tilespmem:s8+$0x80F0]  }
0x10d: {  	[tilespmem:s8+$0x9070] =	vst v5;
	v4 =	vmul.f32 v14, v4;
	v5 =	vmul.f32 v6, v12  }
0x10e: {  	v6 =	vbroadcast v1, $0xD;
	[tilespmem:s8+$0x9080] =	vst v2;
	v2 =	vbroadcast v1, $0xC  }
0x10f: {  	[tilespmem:s8+$0x9090] =	vst v3;
	v3 =	vbroadcast v1, $0xE;
	v1 =	vbroadcast v1, $0xF  }
0x110: {  	[tilespmem:s8+$0x90A0] =	vst v4;
	v2 =	vmul.f32 v7, v2;
	v4 =	vmul.f32 v10, v6  }
0x111: {  	[tilespmem:s8+$0x90B0] =	vst v5;
	v3 =	vmul.f32 v13, v3;
	v1 =	vmul.f32 v8, v1  }
.Ltmp4:
0x112: {  	[tilespmem:s8+$0x90C0] =	vst v2;
	(pc) =	sbr.rel @p0 .LBB2_11-.Ltmp4, $4  }
0x113: {  	[tilespmem:s8+$0x90D0] =	vst v4  }
0x114: {  	s10 =	sshra.s32 s9, $0x2;
	[tilespmem:s8+$0x90E0] =	vst v3  }
0x115: {  	s0 =	sadd.s32 $0x10, s0;
	v2 =	vld [tilespmem:s10+$0x8000];
	[tilespmem:s8+$0x90F0] =	vst v1;
	s8 =	smov.u32 s10  }
0x116: {  	s9 =	sadd.s32 $0x400, s9;
	v1 =	vld [tilespmem:s0+$0x0]  }
0x117: {  	_ =	sdelay $0x1  }
0x118: {  	v3 =	vld [tilespmem:s8+$0x8010]  }
0x119: {  	v4 =	vld [tilespmem:s8+$0x8020]  }
0x11a: {  	v5 =	vld [tilespmem:s8+$0x8030];
	v7 =	vbroadcast v1, $0x0  }
0x11b: {  	v6 =	vld [tilespmem:s8+$0x8040];
	v10 =	vbroadcast v1, $0x1  }
0x11c: {  	v8 =	vld [tilespmem:s8+$0x8050];
	v12 =	vbroadcast v1, $0x2;
	v2 =	vmul.f32 v7, v2  }
0x11d: {  	v9 =	vld [tilespmem:s8+$0x8060];
	v48 =	vbroadcast v1, $0x3;
	v3 =	vmul.f32 v3, v10  }
0x11e: {  	v47 =	vld [tilespmem:s8+$0x8070];
	v49 =	vbroadcast v1, $0x4;
	v4 =	vmul.f32 v4, v12;
	[tilespmem:s8+$0x9000] =	vst v2  }
0x11f: {  	v54 =	vld [tilespmem:s8+$0x80D0];
	v51 =	vbroadcast v1, $0x5;
	v5 =	vmul.f32 v5, v48;
	[tilespmem:s8+$0x9010] =	vst v3  }
0x120: {  	v11 =	vld [tilespmem:s8+$0x8080];
	v53 =	vbroadcast v1, $0x6;
	v6 =	vmul.f32 v6, v49;
	[tilespmem:s8+$0x9020] =	vst v4  }
0x121: {  	v55 =	vbroadcast v1, $0x7;
	v8 =	vmul.f32 v8, v51;
	v2 =	vld [tilespmem:s8+$0x8090];
	[tilespmem:s8+$0x9030] =	vst v5  }
0x122: {  	v62 =	vbroadcast v1, $0xD;
	v9 =	vmul.f32 v9, v53;
	v3 =	vld [tilespmem:s8+$0x80A0];
	[tilespmem:s8+$0x9040] =	vst v6  }
0x123: {  	v50 =	vld [tilespmem:s8+$0x80B0];
	v56 =	vbroadcast v1, $0x8;
	v7 =	vmul.f32 v47, v55;
	[tilespmem:s8+$0x9050] =	vst v8  }
0x124: {  	v52 =	vld [tilespmem:s8+$0x80C0];
	v58 =	vbroadcast v1, $0x9;
	v63 =	vmul.f32 v54, v62;
	[tilespmem:s8+$0x9060] =	vst v9  }
0x125: {  	v57 =	vld [tilespmem:s8+$0x80E0];
	v59 =	vbroadcast v1, $0xA;
	v8 =	vmul.f32 v11, v56;
	[tilespmem:s8+$0x9070] =	vst v7  }
0x126: {  	v60 =	vld [tilespmem:s8+$0x80F0];
	v13 =	vbroadcast v1, $0xB;
	[tilespmem:s8+$0x90D0] =	vst v63;
	v2 =	vmul.f32 v2, v58  }
0x127: {  	v61 =	vbroadcast v1, $0xC;
	[tilespmem:s8+$0x9080] =	vst v8;
	v3 =	vmul.f32 v3, v59  }
0x128: {  	s31 =	sadd.s32 $0x1, s31;
	v4 =	vmul.f32 v50, v13;
	[tilespmem:s8+$0x9090] =	vst v2;
	v2 =	vbroadcast v1, $0xE  }
0x129: {  	p0 =	sne.s32 s31, $0x27;
	[tilespmem:s8+$0x90A0] =	vst v3;
	v3 =	vmul.f32 v52, v61;
	v1 =	vbroadcast v1, $0xF  }
.Ltmp5:
0x12a: {  	[tilespmem:s8+$0x90B0] =	vst v4;
	v2 =	vmul.f32 v57, v2;
	(pc) =	sbr.rel @p0 .LBB2_8-.Ltmp5, $4  }
0x12b: {  	[tilespmem:s8+$0x90C0] =	vst v3;
	v1 =	vmul.f32 v60, v1  }
0x12c: {  	[tilespmem:s8+$0x90E0] =	vst v2  }
0x12d: {  	s0 =	sadd.s32 $0x2800, s7;
	s12 =	sadd.s32 $0x100, s12;
	s5 =	sadd.s32 $0x100, s5;
	[tilespmem:s8+$0x90F0] =	vst v1  }
0x12e: {  	[spmem:s2] =	stream.indirect.scatter.add.f32 [tilespmem:s3], [sflag:$0x4], $0x10, s0, s28, $0xb8;
	[tilespmem:$0xE700] =	vst v63  }
0x12f: {  	_ =	swait.ge [sflag:s25], $0x800  }
0x130: {  	[sflag:s25] =	ssyncset.done $0x0  }
0x131: {  	[sflag:s25] =	ssyncadd.s32 $0xFFFFF800  }
0x132: {  	_ =	swait.ge [sflag:s26], $0x800  }
0x133: {  	s19 =	sadd.s32 $0x1, s19;
	[sflag:s26] =	ssyncset.done $0x0  }
0x134: {  	s0 =	sor.u32 $0x1C05, s6;
	p0 =	sne.s32 s19, s16;
	[sflag:s26] =	ssyncadd.s32 $0xFFFFF800  }
.Ltmp6:
0x135: {  	s5 =	sshrl.u32 s11, $0x3;
	[bflag:$0x0] =	sbarrier.arrive $0xFFFF;
	(pc) =	sbr.rel @p0 .LBB2_1-.Ltmp6, $4  }
0x136: {  	[hbm:s24], [sflag:s0] =	dma.local [spmem:s5], $0x4F0  }
0x137: {  	_ =	swait.ge [sflag:s21], $0x4F0  }
0x138: {  	[sflag:s21] =	ssyncset.done $0x0  }
0x139: {  	s9 =	simm.s32 $0x2800;
	[sflag:s21] =	ssyncadd.s32 $0xFFFFFB10  }
0x13a: {  	_ =	sfence.sel $0x180000  }
0x13b: {  	[bflag:$0x0] =	sbarrier.arrive $0xFFFF  }
0x13c: {  	_ =	strace $0x90000047  }
0x13d: {  	s0 =	stileid.u32;
	[bflag:$0x2] =	sbarrier.arrive $0xFFFF  }
0x13e: {  	p0 =	sne.s32 s0, $0x0;
	s0 =	rddreg [dreg:$0x3]  }
0x13f: {  	s0 =	sadd.s32 @!p0 $0x100000, s0  }
0x140: {  	[sflag:s0] =	ssyncadd.tile.s32 @!p0 $0x1;
	_ =	shalt  }
.Lfunc_end2:
_tile_overlayer_lowered:
.L_overlay_start_2:
0x141: {  	(tag) =	ssettag $0x2  }
0x142: {  	s0 =	rddreg [dreg:$0x0];
	s2 =	stileid.u32  }
0x143: {  	s1 =	rddreg [dreg:$0x1];
	p0 =	sne.s32 s2, $0x0  }
0x144: {  	s3 =	rddreg [dreg:$0x2];
	[bflag:$0x3] =	sbarrier.arrive $0xFFFF;
	s2 =	simm.s32 @!p0 $0x1C05  }
0x145: {  	[timem:s3], [sflag:s2] =	dma.local @!p0 [hbm:s0], s1  }
0x146: {  	s0 =	simm.s32 @!p0 $0x5  }
0x147: {  	_ =	swait.ge @!p0 [sflag:s0], s1  }
0x148: {  	s1 =	ssub.s32 @!p0 $0x0, s1;
	[sflag:s0] =	ssyncset.done @!p0 $0x0  }
0x149: {  	[sflag:s0] =	ssyncadd.s32 @!p0 s1  }
0x14a: {  	[bflag:$0x3] =	sbarrier.arrive $0xFFFF  }
0x14b: {  	_ =	shalt  }

</sc_bundles>
